<compile_context>
chip_gen: v7x
topology: tpu7x:2x2x1
jax: 0.10.2.dev20260603
libtpu: 0.0.44.dev20260713+nightly
codegen_flags: <defaults>
</compile_context>

<pallas_src>
import functools

import jax
import jax.numpy as jnp
from jax import lax
from jax.experimental import pallas as pl
from jax.experimental.pallas import tpu as pltpu
from jax.experimental.pallas import tpu_sc as plsc

N = 10000
E = 320000
NC, NS = 2, 16
NW = NC * NS
CHUNK = 128
CH = 80
E_PAD = NW * CH * CHUNK
TRASH = N
N_ACC = 10240
RPT = N_ACC // NS
TPT = N // NS
D1 = 16
K = 10
NB = CH // K


def _newton_rsqrt(x):
  y = 1.0 / x
  for _ in range(22):
    y = y * (1.5 - 0.5 * x * y * y)
  return y


def _fused_layer1():
  mesh = plsc.VectorSubcoreMesh(core_axis_name="c", subcore_axis_name="s")

  @functools.partial(
      pl.kernel,
      out_type=[
          jax.ShapeDtypeStruct((NC, N_ACC, D1), jnp.float32),
          jax.ShapeDtypeStruct((N_ACC,), jnp.float32),
      ],
      mesh=mesh,
      compiler_params=pltpu.CompilerParams(use_tc_tiling_on_sc=False),
      scratch_types=[
          pltpu.VMEM((CH, CHUNK), jnp.int32),
          pltpu.VMEM((NC, CH, CHUNK), jnp.int32),
          pltpu.VMEM((2, K, CHUNK, D1), jnp.float32),
          pltpu.VMEM((CHUNK,), jnp.float32),
          pltpu.VMEM((RPT, D1), jnp.float32),
          pltpu.VMEM((RPT,), jnp.float32),
          pltpu.SMEM((RPT,), jnp.float32),
          pltpu.VMEM_SHARED((N_ACC, D1), jnp.float32),
          pltpu.VMEM_SHARED((N_ACC, D1), jnp.float32),
          pltpu.VMEM_SHARED((N_ACC,), jnp.float32),
      ] + [pltpu.SemaphoreType.DMA] * 5,
  )
  def kern(src_hbm, dst_hbm, h1_hbm, ones_hbm, zeros_hbm, zeros1_hbm,
           agg_hbm, dinv_hbm,
           src_v, dst_v, rows_v, ones_v, tab_v, dslice_v, dinv_sm,
           tab_sh, acc_sh, deg_sh, g0, g1, s0, s1, t0):
    g_sem = (g0, g1)
    s_sem = (s0, s1)
    c = lax.axis_index("c")
    s = lax.axis_index("s")
    row0 = s * RPT
    pltpu.async_copy(h1_hbm.at[pl.ds(row0, RPT)], tab_v, t0)
    pltpu.async_copy(zeros_hbm, acc_sh.at[pl.ds(row0, RPT)], s0)
    pltpu.async_copy(zeros1_hbm, deg_sh.at[pl.ds(row0, RPT)], s1)
    pltpu.async_copy(ones_hbm, ones_v, g0)
    pltpu.async_copy(src_hbm.at[c].at[s], src_v, g0)
    pltpu.async_copy(dst_hbm.at[0].at[s], dst_v.at[0], g1)
    pltpu.async_copy(dst_hbm.at[1].at[s], dst_v.at[1], g1)
    pltpu.make_async_copy(zeros_hbm, acc_sh.at[pl.ds(row0, RPT)], s0).wait()
    pltpu.make_async_copy(zeros1_hbm, deg_sh.at[pl.ds(row0, RPT)], s1).wait()
    pltpu.make_async_copy(ones_hbm, ones_v, g0).wait()
    pltpu.make_async_copy(src_hbm.at[c].at[s], src_v, g0).wait()
    pltpu.make_async_copy(dst_hbm.at[0].at[s], dst_v.at[0], g1).wait()
    pltpu.make_async_copy(dst_hbm.at[1].at[s], dst_v.at[1], g1).wait()
    plsc.subcore_barrier()

    def deg_fire(o, sem):
      def body(b, carry):
        for cc in range(NC):
          pltpu.async_copy(ones_v, deg_sh.at[dst_v.at[cc].at[o * 8 + b]],
                           sem, add=True)
        return carry
      lax.fori_loop(0, 8, body, 0)

    def deg_drain(o, sem):
      def body(b, carry):
        for cc in range(NC):
          pltpu.make_async_copy(ones_v,
                                deg_sh.at[dst_v.at[cc].at[o * 8 + b]],
                                sem).wait()
        return carry
      lax.fori_loop(0, 8, body, 0)

    deg_fire(0, g0)

    def deg_outer(m, carry):
      o = 2 * m
      deg_fire(o + 1, g1)
      deg_drain(o, g0)

      @pl.when(o + 2 < CH // 8)
      def _():
        deg_fire(o + 2, g0)
      deg_drain(o + 1, g1)
      return carry

    lax.fori_loop(0, CH // 16, deg_outer, 0)
    plsc.subcore_barrier()

    pltpu.sync_copy(deg_sh.at[pl.ds(row0, RPT)], dslice_v)

    def dinv_body(g, carry):
      deg = dslice_v[pl.ds(g * 16, 16)]
      dslice_v[pl.ds(g * 16, 16)] = _newton_rsqrt(deg + 1.0)
      return carry

    lax.fori_loop(0, RPT // 16, dinv_body, 0)

    pltpu.sync_copy(dslice_v, deg_sh.at[pl.ds(row0, RPT)])
    pltpu.sync_copy(deg_sh.at[pl.ds(row0, RPT)], dinv_sm)
    pltpu.make_async_copy(h1_hbm.at[pl.ds(row0, RPT)], tab_v, t0).wait()

    def scale_body(r, carry):
      tab_v[r, :] = tab_v[r, :] * dinv_sm[r]
      return carry

    lax.fori_loop(0, RPT, scale_body, 0)
    pltpu.sync_copy(tab_v, tab_sh.at[pl.ds(row0, RPT)])

    @pl.when(c == 0)
    def _():
      pltpu.async_copy(dslice_v, dinv_hbm.at[pl.ds(row0, RPT)], t0)
    plsc.subcore_barrier()

    def gather(j, buf, k, sem):
      pltpu.async_copy(tab_sh.at[src_v.at[j]], rows_v.at[buf].at[k], sem)

    def gather_wait(j, buf, k, sem):
      pltpu.make_async_copy(tab_sh.at[src_v.at[j]],
                            rows_v.at[buf].at[k], sem).wait()

    def scat(j, buf, k, sem):
      pltpu.async_copy(rows_v.at[buf].at[k], acc_sh.at[dst_v.at[c].at[j]],
                       sem, add=True)

    def scat_wait(j, buf, k, sem):
      pltpu.make_async_copy(rows_v.at[buf].at[k],
                            acc_sh.at[dst_v.at[c].at[j]], sem).wait()

    def loopk(fn, base, buf, sem):
      def body(k, carry):
        fn(base + k, buf, k, sem)
        return carry
      lax.fori_loop(0, K, body, 0)

    loopk(gather, 0, 0, g_sem[0])

    def block(o, buf):
      base = o * K
      loopk(gather_wait, base, buf, g_sem[buf])
      loopk(scat, base, buf, s_sem[buf])

      @pl.when(o > 0)
      def _():
        loopk(scat_wait, base - K, 1 - buf, s_sem[1 - buf])

      @pl.when(o + 1 < NB)
      def _():
        loopk(gather, base + K, 1 - buf, g_sem[1 - buf])

    def outer(m, carry):
      block(2 * m, 0)
      block(2 * m + 1, 1)
      return carry

    lax.fori_loop(0, NB // 2, outer, 0)
    loopk(scat_wait, CH - K, (NB - 1) % 2, s_sem[(NB - 1) % 2])

    @pl.when(c == 0)
    def _():
      pltpu.make_async_copy(dslice_v, dinv_hbm.at[pl.ds(row0, RPT)],
                            t0).wait()
    plsc.subcore_barrier()
    pltpu.sync_copy(acc_sh.at[pl.ds(row0, RPT)],
                    agg_hbm.at[c].at[pl.ds(row0, RPT)])

  return kern


def _edge_pass(d_feat):
  mesh = plsc.VectorSubcoreMesh(core_axis_name="c", subcore_axis_name="s")

  @functools.partial(
      pl.kernel,
      out_type=jax.ShapeDtypeStruct((NC, N_ACC, d_feat), jnp.float32),
      mesh=mesh,
      compiler_params=pltpu.CompilerParams(use_tc_tiling_on_sc=False),
      scratch_types=[
          pltpu.VMEM((CH, CHUNK), jnp.int32),
          pltpu.VMEM((CH, CHUNK), jnp.int32),
          pltpu.VMEM((2, K, CHUNK, d_feat), jnp.float32),
          pltpu.VMEM_SHARED((N, d_feat), jnp.float32),
          pltpu.VMEM_SHARED((N_ACC, d_feat), jnp.float32),
      ] + [pltpu.SemaphoreType.DMA] * 4,
  )
  def kern(src_hbm, dst_hbm, table_hbm, zeros_hbm, out_hbm,
           src_v, dst_v, rows_v, tab_sh, acc_sh, g0, g1, s0, s1):
    g_sem = (g0, g1)
    s_sem = (s0, s1)
    c = lax.axis_index("c")
    s = lax.axis_index("s")
    row0 = s * RPT
    trow = s * TPT
    pltpu.async_copy(table_hbm.at[pl.ds(trow, TPT)],
                     tab_sh.at[pl.ds(trow, TPT)], g0)
    pltpu.async_copy(zeros_hbm, acc_sh.at[pl.ds(row0, RPT)], g1)
    pltpu.async_copy(src_hbm.at[c].at[s], src_v, s0)
    pltpu.async_copy(dst_hbm.at[c].at[s], dst_v, s1)
    pltpu.make_async_copy(table_hbm.at[pl.ds(trow, TPT)],
                          tab_sh.at[pl.ds(trow, TPT)], g0).wait()
    pltpu.make_async_copy(zeros_hbm, acc_sh.at[pl.ds(row0, RPT)], g1).wait()
    pltpu.make_async_copy(src_hbm.at[c].at[s], src_v, s0).wait()
    pltpu.make_async_copy(dst_hbm.at[c].at[s], dst_v, s1).wait()
    plsc.subcore_barrier()

    def gather(j, buf, k, sem):
      pltpu.async_copy(tab_sh.at[src_v.at[j]], rows_v.at[buf].at[k], sem)

    def gather_wait(j, buf, k, sem):
      pltpu.make_async_copy(tab_sh.at[src_v.at[j]],
                            rows_v.at[buf].at[k], sem).wait()

    def scat(j, buf, k, sem):
      pltpu.async_copy(rows_v.at[buf].at[k], acc_sh.at[dst_v.at[j]], sem,
                       add=True)

    def scat_wait(j, buf, k, sem):
      pltpu.make_async_copy(rows_v.at[buf].at[k],
                            acc_sh.at[dst_v.at[j]], sem).wait()

    def loopk(fn, base, buf, sem):
      def body(k, carry):
        fn(base + k, buf, k, sem)
        return carry
      lax.fori_loop(0, K, body, 0)

    loopk(gather, 0, 0, g_sem[0])

    def block(o, buf):
      base = o * K
      loopk(gather_wait, base, buf, g_sem[buf])
      loopk(scat, base, buf, s_sem[buf])

      @pl.when(o > 0)
      def _():
        loopk(scat_wait, base - K, 1 - buf, s_sem[1 - buf])

      @pl.when(o + 1 < NB)
      def _():
        loopk(gather, base + K, 1 - buf, g_sem[1 - buf])

    def outer(m, carry):
      block(2 * m, 0)
      block(2 * m + 1, 1)
      return carry

    lax.fori_loop(0, NB // 2, outer, 0)
    loopk(scat_wait, CH - K, (NB - 1) % 2, s_sem[(NB - 1) % 2])
    plsc.subcore_barrier()
    pltpu.sync_copy(acc_sh.at[pl.ds(row0, RPT)],
                    out_hbm.at[c].at[pl.ds(row0, RPT)])

  return kern


def _tc_a(x_ref, w1_ref, h1_ref):
  h1_ref[0:N, :] = jnp.dot(x_ref[...], w1_ref[...],
                           preferred_element_type=jnp.float32)
  h1_ref[N:N_ACC, :] = jnp.zeros((N_ACC - N, D1), jnp.float32)


def _tc_b(agg_ref, h1_ref, dinv_ref, b1_ref, us_ref):
  dinv = dinv_ref[0:N][:, None]
  h1s = h1_ref[0:N, :] * dinv
  z = dinv * (agg_ref[0, 0:N, :] + agg_ref[1, 0:N, :] + h1s) + b1_ref[...]
  us_ref[...] = dinv * jnp.maximum(z, 0.0)


def _tc_c(agg_ref, us_ref, dinv_ref, b2_ref, w2_ref, out_ref):
  u2 = (dinv_ref[0:N][:, None]
        * (agg_ref[0, 0:N, :] + agg_ref[1, 0:N, :] + us_ref[...]))
  z = jnp.dot(u2, w2_ref[...], preferred_element_type=jnp.float32) + b2_ref[...]
  m = jnp.max(z, axis=1, keepdims=True)
  lse = jnp.log(jnp.sum(jnp.exp(z - m), axis=1, keepdims=True))
  out_ref[...] = z - m - lse


def kernel(x, edge_index, W1, b1, W2, b2):
  ei = edge_index.astype(jnp.int32)
  pad = E_PAD - E
  pad_ids = jnp.arange(pad, dtype=jnp.int32)
  src = jnp.concatenate([ei[0], pad_ids % N])
  dst = jnp.concatenate([ei[1], TRASH + pad_ids % (N_ACC - N)])
  src = src.reshape(NC, NS, CH, CHUNK)
  dst = dst.reshape(NC, NS, CH, CHUNK)

  d2 = W2.shape[1]
  ones_c = jnp.ones((CHUNK,), jnp.float32)
  zeros_d1 = jnp.zeros((RPT, D1), jnp.float32)
  zeros_1 = jnp.zeros((RPT,), jnp.float32)

  h1 = pl.pallas_call(
      _tc_a,
      out_shape=jax.ShapeDtypeStruct((N_ACC, D1), jnp.float32),
  )(x, W1)

  agg1, dinv = _fused_layer1()(src, dst, h1, ones_c, zeros_d1, zeros_1)

  us = pl.pallas_call(
      _tc_b,
      out_shape=jax.ShapeDtypeStruct((N, D1), jnp.float32),
  )(agg1, h1, dinv, b1[None, :])

  agg2 = _edge_pass(D1)(src, dst, us, zeros_d1)

  out = pl.pallas_call(
      _tc_c,
      out_shape=jax.ShapeDtypeStruct((N, d2), jnp.float32),
  )(agg2, us, dinv, b2[None, :], W2)

  return out

# --- scband reference (transcript-rebuilt; emitter-appended) ---
"""Pipeline reference for scband-gcnmodel-2147483648538 (READ-ONLY COPY).

The authoritative reference and input builder live on the scoring server;
editing this copy changes nothing except your own understanding.
"""

import jax, jax.numpy as jnp
import numpy as np

N_NODES = 10000


def gcn_conv(x, edge_index, W, b):
    num_nodes = x.shape[0]
    src = edge_index[0]
    dst = edge_index[1]
    # add self loops
    loop = jnp.arange(num_nodes, dtype=edge_index.dtype)
    src = jnp.concatenate([src, loop])
    dst = jnp.concatenate([dst, loop])
    # linear transform first (in_dim -> out_dim)
    h = x @ W
    # symmetric normalization D^-1/2 (A+I) D^-1/2
    deg = jnp.zeros((num_nodes,), dtype=x.dtype).at[dst].add(1.0)
    dinv = jnp.where(deg > 0, jax.lax.rsqrt(deg), 0.0)
    norm = dinv[src] * dinv[dst]
    # gather, scale, scatter-add
    msgs = h[src] * norm[:, None]
    out = jax.ops.segment_sum(msgs, dst, num_segments=num_nodes)
    return out + b


def setup_inputs(seed: int = 0) -> dict:
    key = jax.random.key(seed)
    k_x, k_e, k_w1, k_b1, k_w2, k_b2 = jax.random.split(key, 6)
    x = jax.random.normal(k_x, (N_NODES, 128), dtype=jnp.float32)
    edge_index = jax.random.randint(k_e, (2, 320000), 0, N_NODES, dtype=jnp.int64)
    # GCNConv params: glorot-ish init
    W1 = jax.random.normal(k_w1, (128, 16), dtype=jnp.float32) * (1.0 / np.sqrt(128))
    b1 = jnp.zeros((16,), dtype=jnp.float32)
    W2 = jax.random.normal(k_w2, (16, 40), dtype=jnp.float32) * (1.0 / np.sqrt(16))
    b2 = jnp.zeros((40,), dtype=jnp.float32)
    return {"x": x, "edge_index": edge_index, "W1": W1, "b1": b1, "W2": W2, "b2": b2}


def reference(x, edge_index, W1, b1, W2, b2):
    h = gcn_conv(x, edge_index, W1, b1)
    h = jax.nn.relu(h)
    h = gcn_conv(h, edge_index, W2, b2)
    return jax.nn.log_softmax(h, axis=1)

if __name__ == "__main__":
    import jax
    _d = setup_inputs()
    print(jax.jit(kernel)(*tuple(_d.values())))

</pallas_src>

<mosaic_0001>
#map = affine_map<(d0, d1) -> (0, 0, 0, 0)>
#map1 = affine_map<(d0, d1) -> (0, 0)>
#map2 = affine_map<(d0, d1) -> (0)>
#map3 = affine_map<(d0, d1) -> (0, 0, 0)>
module attributes {stable_mosaic.version = 14 : i64} {
  func.func @kern(%arg0: i32, %arg1: i32, %arg2: memref<2x16x80x128xi32, #tpu.memory_space<hbm>>, %arg3: memref<2x16x80x128xi32, #tpu.memory_space<hbm>>, %arg4: memref<10240x16xf32, #tpu.memory_space<hbm>>, %arg5: memref<128xf32, #tpu.memory_space<hbm>>, %arg6: memref<640x16xf32, #tpu.memory_space<hbm>>, %arg7: memref<640xf32, #tpu.memory_space<hbm>>, %arg8: memref<2x10240x16xf32, #tpu.memory_space<hbm>>, %arg9: memref<10240xf32, #tpu.memory_space<hbm>>, %arg10: memref<80x128xi32, #tpu.memory_space<vmem>>, %arg11: memref<2x80x128xi32, #tpu.memory_space<vmem>>, %arg12: memref<2x10x128x16xf32, #tpu.memory_space<vmem>>, %arg13: memref<128xf32, #tpu.memory_space<vmem>>, %arg14: memref<640x16xf32, #tpu.memory_space<vmem>>, %arg15: memref<640xf32, #tpu.memory_space<vmem>>, %arg16: memref<640xf32, #tpu.memory_space<smem>>, %arg17: memref<10240x16xf32, #tpu.memory_space<vmem_shared>>, %arg18: memref<10240x16xf32, #tpu.memory_space<vmem_shared>>, %arg19: memref<10240xf32, #tpu.memory_space<vmem_shared>>, %arg20: memref<!tpu.dma_semaphore, #tpu.memory_space<semaphore_mem>>, %arg21: memref<!tpu.dma_semaphore, #tpu.memory_space<semaphore_mem>>, %arg22: memref<!tpu.dma_semaphore, #tpu.memory_space<semaphore_mem>>, %arg23: memref<!tpu.dma_semaphore, #tpu.memory_space<semaphore_mem>>, %arg24: memref<!tpu.dma_semaphore, #tpu.memory_space<semaphore_mem>>) attributes {dimension_semantics = [#tpu.dimension_semantics<core_parallel>, #tpu.dimension_semantics<subcore_parallel>], iteration_bounds = array<i64: 2, 16>, scalar_prefetch = 0 : i64, scratch_operands = 15 : i64, tpu.core_type = #tpu.core_type<sc_vector_subcore>, window_params = [{transform_indices = #map}, {transform_indices = #map}, {transform_indices = #map1}, {transform_indices = #map2}, {transform_indices = #map1}, {transform_indices = #map2}, {transform_indices = #map3}, {transform_indices = #map2}]} {
    %mul3A = arith.constant 640 : i32
    %mul3A_0 = arith.muli %arg1, %mul3A : i32
    %dma_start3A = arith.constant 0 : i32
    %dma_start3A_1 = tpu.memref_slice %arg4[%mul3A_0, %dma_start3A] : memref<10240x16xf32, #tpu.memory_space<hbm>> -> memref<640x16xf32, #tpu.memory_space<hbm>>
    %dma_start3A_2 = arith.constant 0 : i32
    %dma_start3A_3 = tpu.memref_slice %arg4[%mul3A_0, %dma_start3A_2] : memref<10240x16xf32, #tpu.memory_space<hbm>> -> memref<640x16xf32, #tpu.memory_space<hbm>>
    tpu.enqueue_dma source(%dma_start3A_3 : memref<640x16xf32, #tpu.memory_space<hbm>>) target(%arg14 : memref<640x16xf32, #tpu.memory_space<vmem>>) target_semaphore(%arg24 : memref<!tpu.dma_semaphore, #tpu.memory_space<semaphore_mem>>)
    %dma_start3A_4 = arith.constant 0 : i32
    %dma_start3A_5 = tpu.memref_slice %arg18[%mul3A_0, %dma_start3A_4] : memref<10240x16xf32, #tpu.memory_space<vmem_shared>> -> memref<640x16xf32, #tpu.memory_space<vmem_shared>>
    tpu.enqueue_dma source(%arg6 : memref<640x16xf32, #tpu.memory_space<hbm>>) target(%dma_start3A_5 : memref<640x16xf32, #tpu.memory_space<vmem_shared>>) target_semaphore(%arg22 : memref<!tpu.dma_semaphore, #tpu.memory_space<semaphore_mem>>)
    %dma_start3A_6 = tpu.memref_slice %arg19[%mul3A_0] : memref<10240xf32, #tpu.memory_space<vmem_shared>> -> memref<640xf32, #tpu.memory_space<vmem_shared>>
    tpu.enqueue_dma source(%arg7 : memref<640xf32, #tpu.memory_space<hbm>>) target(%dma_start3A_6 : memref<640xf32, #tpu.memory_space<vmem_shared>>) target_semaphore(%arg23 : memref<!tpu.dma_semaphore, #tpu.memory_space<semaphore_mem>>)
    tpu.enqueue_dma source(%arg5 : memref<128xf32, #tpu.memory_space<hbm>>) target(%arg13 : memref<128xf32, #tpu.memory_space<vmem>>) target_semaphore(%arg20 : memref<!tpu.dma_semaphore, #tpu.memory_space<semaphore_mem>>)
    %dma_start3A_7 = arith.constant 0 : i32
    %dma_start3A_8 = arith.constant 0 : i32
    %dma_start3A_9 = arith.constant 0 : i32
    %dma_start3A_10 = tpu.memref_slice %arg2[%arg0, %dma_start3A_7, %dma_start3A_8, %dma_start3A_9] : memref<2x16x80x128xi32, #tpu.memory_space<hbm>> -> memref<1x16x80x128xi32, #tpu.memory_space<hbm>>
    %dma_start3A_11 = tpu.memref_squeeze %dma_start3A_10 : memref<1x16x80x128xi32, #tpu.memory_space<hbm>> -> memref<16x80x128xi32, #tpu.memory_space<hbm>>
    %dma_start3A_12 = arith.constant 0 : i32
    %dma_start3A_13 = arith.constant 0 : i32
    %dma_start3A_14 = tpu.memref_slice %dma_start3A_11[%arg1, %dma_start3A_12, %dma_start3A_13] : memref<16x80x128xi32, #tpu.memory_space<hbm>> -> memref<1x80x128xi32, #tpu.memory_space<hbm>>
    %dma_start3A_15 = tpu.memref_squeeze %dma_start3A_14 : memref<1x80x128xi32, #tpu.memory_space<hbm>> -> memref<80x128xi32, #tpu.memory_space<hbm>>
    %dma_start3A_16 = arith.constant 0 : i32
    %dma_start3A_17 = arith.constant 0 : i32
    %dma_start3A_18 = arith.constant 0 : i32
    %dma_start3A_19 = tpu.memref_slice %arg2[%arg0, %dma_start3A_16, %dma_start3A_17, %dma_start3A_18] : memref<2x16x80x128xi32, #tpu.memory_space<hbm>> -> memref<1x16x80x128xi32, #tpu.memory_space<hbm>>
    %dma_start3A_20 = tpu.memref_squeeze %dma_start3A_19 : memref<1x16x80x128xi32, #tpu.memory_space<hbm>> -> memref<16x80x128xi32, #tpu.memory_space<hbm>>
    %dma_start3A_21 = arith.constant 0 : i32
    %dma_start3A_22 = arith.constant 0 : i32
    %dma_start3A_23 = tpu.memref_slice %dma_start3A_20[%arg1, %dma_start3A_21, %dma_start3A_22] : memref<16x80x128xi32, #tpu.memory_space<hbm>> -> memref<1x80x128xi32, #tpu.memory_space<hbm>>
    %dma_start3A_24 = tpu.memref_squeeze %dma_start3A_23 : memref<1x80x128xi32, #tpu.memory_space<hbm>> -> memref<80x128xi32, #tpu.memory_space<hbm>>
    tpu.enqueue_dma source(%dma_start3A_24 : memref<80x128xi32, #tpu.memory_space<hbm>>) target(%arg10 : memref<80x128xi32, #tpu.memory_space<vmem>>) target_semaphore(%arg20 : memref<!tpu.dma_semaphore, #tpu.memory_space<semaphore_mem>>)
    %dma_start3A_25 = arith.constant 0 : i32
    %dma_start3A_26 = arith.constant 0 : i32
    %dma_start3A_27 = arith.constant 0 : i32
    %dma_start3A_28 = arith.constant 0 : i32
    %dma_start3A_29 = tpu.memref_slice %arg11[%dma_start3A_26, %dma_start3A_27, %dma_start3A_28] : memref<2x80x128xi32, #tpu.memory_space<vmem>> -> memref<1x80x128xi32, #tpu.memory_space<vmem>>
    %dma_start3A_30 = tpu.memref_squeeze %dma_start3A_29 : memref<1x80x128xi32, #tpu.memory_space<vmem>> -> memref<80x128xi32, #tpu.memory_space<vmem>>
    %dma_start3A_31 = arith.constant 0 : i32
    %dma_start3A_32 = arith.constant 0 : i32
    %dma_start3A_33 = arith.constant 0 : i32
    %dma_start3A_34 = tpu.memref_slice %arg3[%dma_start3A_25, %dma_start3A_31, %dma_start3A_32, %dma_start3A_33] : memref<2x16x80x128xi32, #tpu.memory_space<hbm>> -> memref<1x16x80x128xi32, #tpu.memory_space<hbm>>
    %dma_start3A_35 = tpu.memref_squeeze %dma_start3A_34 : memref<1x16x80x128xi32, #tpu.memory_space<hbm>> -> memref<16x80x128xi32, #tpu.memory_space<hbm>>
    %dma_start3A_36 = arith.constant 0 : i32
    %dma_start3A_37 = arith.constant 0 : i32
    %dma_start3A_38 = tpu.memref_slice %dma_start3A_35[%arg1, %dma_start3A_36, %dma_start3A_37] : memref<16x80x128xi32, #tpu.memory_space<hbm>> -> memref<1x80x128xi32, #tpu.memory_space<hbm>>
    %dma_start3A_39 = tpu.memref_squeeze %dma_start3A_38 : memref<1x80x128xi32, #tpu.memory_space<hbm>> -> memref<80x128xi32, #tpu.memory_space<hbm>>
    %dma_start3A_40 = arith.constant 0 : i32
    %dma_start3A_41 = arith.constant 0 : i32
    %dma_start3A_42 = tpu.memref_slice %arg11[%dma_start3A_26, %dma_start3A_40, %dma_start3A_41] : memref<2x80x128xi32, #tpu.memory_space<vmem>> -> memref<1x80x128xi32, #tpu.memory_space<vmem>>
    %dma_start3A_43 = tpu.memref_squeeze %dma_start3A_42 : memref<1x80x128xi32, #tpu.memory_space<vmem>> -> memref<80x128xi32, #tpu.memory_space<vmem>>
    %dma_start3A_44 = arith.constant 0 : i32
    %dma_start3A_45 = arith.constant 0 : i32
    %dma_start3A_46 = arith.constant 0 : i32
    %dma_start3A_47 = tpu.memref_slice %arg3[%dma_start3A_25, %dma_start3A_44, %dma_start3A_45, %dma_start3A_46] : memref<2x16x80x128xi32, #tpu.memory_space<hbm>> -> memref<1x16x80x128xi32, #tpu.memory_space<hbm>>
    %dma_start3A_48 = tpu.memref_squeeze %dma_start3A_47 : memref<1x16x80x128xi32, #tpu.memory_space<hbm>> -> memref<16x80x128xi32, #tpu.memory_space<hbm>>
    %dma_start3A_49 = arith.constant 0 : i32
    %dma_start3A_50 = arith.constant 0 : i32
    %dma_start3A_51 = tpu.memref_slice %dma_start3A_48[%arg1, %dma_start3A_49, %dma_start3A_50] : memref<16x80x128xi32, #tpu.memory_space<hbm>> -> memref<1x80x128xi32, #tpu.memory_space<hbm>>
    %dma_start3A_52 = tpu.memref_squeeze %dma_start3A_51 : memref<1x80x128xi32, #tpu.memory_space<hbm>> -> memref<80x128xi32, #tpu.memory_space<hbm>>
    tpu.enqueue_dma source(%dma_start3A_52 : memref<80x128xi32, #tpu.memory_space<hbm>>) target(%dma_start3A_43 : memref<80x128xi32, #tpu.memory_space<vmem>>) target_semaphore(%arg21 : memref<!tpu.dma_semaphore, #tpu.memory_space<semaphore_mem>>)
    %dma_start3A_53 = arith.constant 1 : i32
    %dma_start3A_54 = arith.constant 1 : i32
    %dma_start3A_55 = arith.constant 0 : i32
    %dma_start3A_56 = arith.constant 0 : i32
    %dma_start3A_57 = tpu.memref_slice %arg11[%dma_start3A_54, %dma_start3A_55, %dma_start3A_56] : memref<2x80x128xi32, #tpu.memory_space<vmem>> -> memref<1x80x128xi32, #tpu.memory_space<vmem>>
    %dma_start3A_58 = tpu.memref_squeeze %dma_start3A_57 : memref<1x80x128xi32, #tpu.memory_space<vmem>> -> memref<80x128xi32, #tpu.memory_space<vmem>>
    %dma_start3A_59 = arith.constant 0 : i32
    %dma_start3A_60 = arith.constant 0 : i32
    %dma_start3A_61 = arith.constant 0 : i32
    %dma_start3A_62 = tpu.memref_slice %arg3[%dma_start3A_53, %dma_start3A_59, %dma_start3A_60, %dma_start3A_61] : memref<2x16x80x128xi32, #tpu.memory_space<hbm>> -> memref<1x16x80x128xi32, #tpu.memory_space<hbm>>
    %dma_start3A_63 = tpu.memref_squeeze %dma_start3A_62 : memref<1x16x80x128xi32, #tpu.memory_space<hbm>> -> memref<16x80x128xi32, #tpu.memory_space<hbm>>
    %dma_start3A_64 = arith.constant 0 : i32
    %dma_start3A_65 = arith.constant 0 : i32
    %dma_start3A_66 = tpu.memref_slice %dma_start3A_63[%arg1, %dma_start3A_64, %dma_start3A_65] : memref<16x80x128xi32, #tpu.memory_space<hbm>> -> memref<1x80x128xi32, #tpu.memory_space<hbm>>
    %dma_start3A_67 = tpu.memref_squeeze %dma_start3A_66 : memref<1x80x128xi32, #tpu.memory_space<hbm>> -> memref<80x128xi32, #tpu.memory_space<hbm>>
    %dma_start3A_68 = arith.constant 0 : i32
    %dma_start3A_69 = arith.constant 0 : i32
    %dma_start3A_70 = tpu.memref_slice %arg11[%dma_start3A_54, %dma_start3A_68, %dma_start3A_69] : memref<2x80x128xi32, #tpu.memory_space<vmem>> -> memref<1x80x128xi32, #tpu.memory_space<vmem>>
    %dma_start3A_71 = tpu.memref_squeeze %dma_start3A_70 : memref<1x80x128xi32, #tpu.memory_space<vmem>> -> memref<80x128xi32, #tpu.memory_space<vmem>>
    %dma_start3A_72 = arith.constant 0 : i32
    %dma_start3A_73 = arith.constant 0 : i32
    %dma_start3A_74 = arith.constant 0 : i32
    %dma_start3A_75 = tpu.memref_slice %arg3[%dma_start3A_53, %dma_start3A_72, %dma_start3A_73, %dma_start3A_74] : memref<2x16x80x128xi32, #tpu.memory_space<hbm>> -> memref<1x16x80x128xi32, #tpu.memory_space<hbm>>
    %dma_start3A_76 = tpu.memref_squeeze %dma_start3A_75 : memref<1x16x80x128xi32, #tpu.memory_space<hbm>> -> memref<16x80x128xi32, #tpu.memory_space<hbm>>
    %dma_start3A_77 = arith.constant 0 : i32
    %dma_start3A_78 = arith.constant 0 : i32
    %dma_start3A_79 = tpu.memref_slice %dma_start3A_76[%arg1, %dma_start3A_77, %dma_start3A_78] : memref<16x80x128xi32, #tpu.memory_space<hbm>> -> memref<1x80x128xi32, #tpu.memory_space<hbm>>
    %dma_start3A_80 = tpu.memref_squeeze %dma_start3A_79 : memref<1x80x128xi32, #tpu.memory_space<hbm>> -> memref<80x128xi32, #tpu.memory_space<hbm>>
    tpu.enqueue_dma source(%dma_start3A_80 : memref<80x128xi32, #tpu.memory_space<hbm>>) target(%dma_start3A_71 : memref<80x128xi32, #tpu.memory_space<vmem>>) target_semaphore(%arg21 : memref<!tpu.dma_semaphore, #tpu.memory_space<semaphore_mem>>)
    %dma_wait3A = arith.constant 0 : i32
    %dma_wait3A_81 = tpu.memref_slice %arg18[%mul3A_0, %dma_wait3A] : memref<10240x16xf32, #tpu.memory_space<vmem_shared>> -> memref<640x16xf32, #tpu.memory_space<vmem_shared>>
    tpu.wait_dma2 semaphore(%arg22 : memref<!tpu.dma_semaphore, #tpu.memory_space<semaphore_mem>>) src(%arg6 : memref<640x16xf32, #tpu.memory_space<hbm>>) dst(%dma_wait3A_81 : memref<640x16xf32, #tpu.memory_space<vmem_shared>>)
    %dma_wait3A_82 = tpu.memref_slice %arg19[%mul3A_0] : memref<10240xf32, #tpu.memory_space<vmem_shared>> -> memref<640xf32, #tpu.memory_space<vmem_shared>>
    tpu.wait_dma2 semaphore(%arg23 : memref<!tpu.dma_semaphore, #tpu.memory_space<semaphore_mem>>) src(%arg7 : memref<640xf32, #tpu.memory_space<hbm>>) dst(%dma_wait3A_82 : memref<640xf32, #tpu.memory_space<vmem_shared>>)
    tpu.wait_dma2 semaphore(%arg20 : memref<!tpu.dma_semaphore, #tpu.memory_space<semaphore_mem>>) src(%arg5 : memref<128xf32, #tpu.memory_space<hbm>>) dst(%arg13 : memref<128xf32, #tpu.memory_space<vmem>>)
    %dma_wait3A_83 = arith.constant 0 : i32
    %dma_wait3A_84 = arith.constant 0 : i32
    %dma_wait3A_85 = arith.constant 0 : i32
    %dma_wait3A_86 = tpu.memref_slice %arg2[%arg0, %dma_wait3A_83, %dma_wait3A_84, %dma_wait3A_85] : memref<2x16x80x128xi32, #tpu.memory_space<hbm>> -> memref<1x16x80x128xi32, #tpu.memory_space<hbm>>
    %dma_wait3A_87 = tpu.memref_squeeze %dma_wait3A_86 : memref<1x16x80x128xi32, #tpu.memory_space<hbm>> -> memref<16x80x128xi32, #tpu.memory_space<hbm>>
    %dma_wait3A_88 = arith.constant 0 : i32
    %dma_wait3A_89 = arith.constant 0 : i32
    %dma_wait3A_90 = tpu.memref_slice %dma_wait3A_87[%arg1, %dma_wait3A_88, %dma_wait3A_89] : memref<16x80x128xi32, #tpu.memory_space<hbm>> -> memref<1x80x128xi32, #tpu.memory_space<hbm>>
    %dma_wait3A_91 = tpu.memref_squeeze %dma_wait3A_90 : memref<1x80x128xi32, #tpu.memory_space<hbm>> -> memref<80x128xi32, #tpu.memory_space<hbm>>
    %dma_wait3A_92 = arith.constant 0 : i32
    %dma_wait3A_93 = arith.constant 0 : i32
    %dma_wait3A_94 = arith.constant 0 : i32
    %dma_wait3A_95 = tpu.memref_slice %arg2[%arg0, %dma_wait3A_92, %dma_wait3A_93, %dma_wait3A_94] : memref<2x16x80x128xi32, #tpu.memory_space<hbm>> -> memref<1x16x80x128xi32, #tpu.memory_space<hbm>>
    %dma_wait3A_96 = tpu.memref_squeeze %dma_wait3A_95 : memref<1x16x80x128xi32, #tpu.memory_space<hbm>> -> memref<16x80x128xi32, #tpu.memory_space<hbm>>
    %dma_wait3A_97 = arith.constant 0 : i32
    %dma_wait3A_98 = arith.constant 0 : i32
    %dma_wait3A_99 = tpu.memref_slice %dma_wait3A_96[%arg1, %dma_wait3A_97, %dma_wait3A_98] : memref<16x80x128xi32, #tpu.memory_space<hbm>> -> memref<1x80x128xi32, #tpu.memory_space<hbm>>
    %dma_wait3A_100 = tpu.memref_squeeze %dma_wait3A_99 : memref<1x80x128xi32, #tpu.memory_space<hbm>> -> memref<80x128xi32, #tpu.memory_space<hbm>>
    tpu.wait_dma2 semaphore(%arg20 : memref<!tpu.dma_semaphore, #tpu.memory_space<semaphore_mem>>) src(%dma_wait3A_100 : memref<80x128xi32, #tpu.memory_space<hbm>>) dst(%arg10 : memref<80x128xi32, #tpu.memory_space<vmem>>)
    %dma_wait3A_101 = arith.constant 0 : i32
    %dma_wait3A_102 = arith.constant 0 : i32
    %dma_wait3A_103 = arith.constant 0 : i32
    %dma_wait3A_104 = arith.constant 0 : i32
    %dma_wait3A_105 = tpu.memref_slice %arg11[%dma_wait3A_102, %dma_wait3A_103, %dma_wait3A_104] : memref<2x80x128xi32, #tpu.memory_space<vmem>> -> memref<1x80x128xi32, #tpu.memory_space<vmem>>
    %dma_wait3A_106 = tpu.memref_squeeze %dma_wait3A_105 : memref<1x80x128xi32, #tpu.memory_space<vmem>> -> memref<80x128xi32, #tpu.memory_space<vmem>>
    %dma_wait3A_107 = arith.constant 0 : i32
    %dma_wait3A_108 = arith.constant 0 : i32
    %dma_wait3A_109 = arith.constant 0 : i32
    %dma_wait3A_110 = tpu.memref_slice %arg3[%dma_wait3A_101, %dma_wait3A_107, %dma_wait3A_108, %dma_wait3A_109] : memref<2x16x80x128xi32, #tpu.memory_space<hbm>> -> memref<1x16x80x128xi32, #tpu.memory_space<hbm>>
    %dma_wait3A_111 = tpu.memref_squeeze %dma_wait3A_110 : memref<1x16x80x128xi32, #tpu.memory_space<hbm>> -> memref<16x80x128xi32, #tpu.memory_space<hbm>>
    %dma_wait3A_112 = arith.constant 0 : i32
    %dma_wait3A_113 = arith.constant 0 : i32
    %dma_wait3A_114 = tpu.memref_slice %dma_wait3A_111[%arg1, %dma_wait3A_112, %dma_wait3A_113] : memref<16x80x128xi32, #tpu.memory_space<hbm>> -> memref<1x80x128xi32, #tpu.memory_space<hbm>>
    %dma_wait3A_115 = tpu.memref_squeeze %dma_wait3A_114 : memref<1x80x128xi32, #tpu.memory_space<hbm>> -> memref<80x128xi32, #tpu.memory_space<hbm>>
    %dma_wait3A_116 = arith.constant 0 : i32
    %dma_wait3A_117 = arith.constant 0 : i32
    %dma_wait3A_118 = tpu.memref_slice %arg11[%dma_wait3A_102, %dma_wait3A_116, %dma_wait3A_117] : memref<2x80x128xi32, #tpu.memory_space<vmem>> -> memref<1x80x128xi32, #tpu.memory_space<vmem>>
    %dma_wait3A_119 = tpu.memref_squeeze %dma_wait3A_118 : memref<1x80x128xi32, #tpu.memory_space<vmem>> -> memref<80x128xi32, #tpu.memory_space<vmem>>
    %dma_wait3A_120 = arith.constant 0 : i32
    %dma_wait3A_121 = arith.constant 0 : i32
    %dma_wait3A_122 = arith.constant 0 : i32
    %dma_wait3A_123 = tpu.memref_slice %arg3[%dma_wait3A_101, %dma_wait3A_120, %dma_wait3A_121, %dma_wait3A_122] : memref<2x16x80x128xi32, #tpu.memory_space<hbm>> -> memref<1x16x80x128xi32, #tpu.memory_space<hbm>>
    %dma_wait3A_124 = tpu.memref_squeeze %dma_wait3A_123 : memref<1x16x80x128xi32, #tpu.memory_space<hbm>> -> memref<16x80x128xi32, #tpu.memory_space<hbm>>
    %dma_wait3A_125 = arith.constant 0 : i32
    %dma_wait3A_126 = arith.constant 0 : i32
    %dma_wait3A_127 = tpu.memref_slice %dma_wait3A_124[%arg1, %dma_wait3A_125, %dma_wait3A_126] : memref<16x80x128xi32, #tpu.memory_space<hbm>> -> memref<1x80x128xi32, #tpu.memory_space<hbm>>
    %dma_wait3A_128 = tpu.memref_squeeze %dma_wait3A_127 : memref<1x80x128xi32, #tpu.memory_space<hbm>> -> memref<80x128xi32, #tpu.memory_space<hbm>>
    tpu.wait_dma2 semaphore(%arg21 : memref<!tpu.dma_semaphore, #tpu.memory_space<semaphore_mem>>) src(%dma_wait3A_128 : memref<80x128xi32, #tpu.memory_space<hbm>>) dst(%dma_wait3A_119 : memref<80x128xi32, #tpu.memory_space<vmem>>)
    %dma_wait3A_129 = arith.constant 1 : i32
    %dma_wait3A_130 = arith.constant 1 : i32
    %dma_wait3A_131 = arith.constant 0 : i32
    %dma_wait3A_132 = arith.constant 0 : i32
    %dma_wait3A_133 = tpu.memref_slice %arg11[%dma_wait3A_130, %dma_wait3A_131, %dma_wait3A_132] : memref<2x80x128xi32, #tpu.memory_space<vmem>> -> memref<1x80x128xi32, #tpu.memory_space<vmem>>
    %dma_wait3A_134 = tpu.memref_squeeze %dma_wait3A_133 : memref<1x80x128xi32, #tpu.memory_space<vmem>> -> memref<80x128xi32, #tpu.memory_space<vmem>>
    %dma_wait3A_135 = arith.constant 0 : i32
    %dma_wait3A_136 = arith.constant 0 : i32
    %dma_wait3A_137 = arith.constant 0 : i32
    %dma_wait3A_138 = tpu.memref_slice %arg3[%dma_wait3A_129, %dma_wait3A_135, %dma_wait3A_136, %dma_wait3A_137] : memref<2x16x80x128xi32, #tpu.memory_space<hbm>> -> memref<1x16x80x128xi32, #tpu.memory_space<hbm>>
    %dma_wait3A_139 = tpu.memref_squeeze %dma_wait3A_138 : memref<1x16x80x128xi32, #tpu.memory_space<hbm>> -> memref<16x80x128xi32, #tpu.memory_space<hbm>>
    %dma_wait3A_140 = arith.constant 0 : i32
    %dma_wait3A_141 = arith.constant 0 : i32
    %dma_wait3A_142 = tpu.memref_slice %dma_wait3A_139[%arg1, %dma_wait3A_140, %dma_wait3A_141] : memref<16x80x128xi32, #tpu.memory_space<hbm>> -> memref<1x80x128xi32, #tpu.memory_space<hbm>>
    %dma_wait3A_143 = tpu.memref_squeeze %dma_wait3A_142 : memref<1x80x128xi32, #tpu.memory_space<hbm>> -> memref<80x128xi32, #tpu.memory_space<hbm>>
    %dma_wait3A_144 = arith.constant 0 : i32
    %dma_wait3A_145 = arith.constant 0 : i32
    %dma_wait3A_146 = tpu.memref_slice %arg11[%dma_wait3A_130, %dma_wait3A_144, %dma_wait3A_145] : memref<2x80x128xi32, #tpu.memory_space<vmem>> -> memref<1x80x128xi32, #tpu.memory_space<vmem>>
    %dma_wait3A_147 = tpu.memref_squeeze %dma_wait3A_146 : memref<1x80x128xi32, #tpu.memory_space<vmem>> -> memref<80x128xi32, #tpu.memory_space<vmem>>
    %dma_wait3A_148 = arith.constant 0 : i32
    %dma_wait3A_149 = arith.constant 0 : i32
    %dma_wait3A_150 = arith.constant 0 : i32
    %dma_wait3A_151 = tpu.memref_slice %arg3[%dma_wait3A_129, %dma_wait3A_148, %dma_wait3A_149, %dma_wait3A_150] : memref<2x16x80x128xi32, #tpu.memory_space<hbm>> -> memref<1x16x80x128xi32, #tpu.memory_space<hbm>>
    %dma_wait3A_152 = tpu.memref_squeeze %dma_wait3A_151 : memref<1x16x80x128xi32, #tpu.memory_space<hbm>> -> memref<16x80x128xi32, #tpu.memory_space<hbm>>
    %dma_wait3A_153 = arith.constant 0 : i32
    %dma_wait3A_154 = arith.constant 0 : i32
    %dma_wait3A_155 = tpu.memref_slice %dma_wait3A_152[%arg1, %dma_wait3A_153, %dma_wait3A_154] : memref<16x80x128xi32, #tpu.memory_space<hbm>> -> memref<1x80x128xi32, #tpu.memory_space<hbm>>
    %dma_wait3A_156 = tpu.memref_squeeze %dma_wait3A_155 : memref<1x80x128xi32, #tpu.memory_space<hbm>> -> memref<80x128xi32, #tpu.memory_space<hbm>>
    tpu.wait_dma2 semaphore(%arg21 : memref<!tpu.dma_semaphore, #tpu.memory_space<semaphore_mem>>) src(%dma_wait3A_156 : memref<80x128xi32, #tpu.memory_space<hbm>>) dst(%dma_wait3A_147 : memref<80x128xi32, #tpu.memory_space<vmem>>)
    %barrier3A = arith.constant 0 : index
    tpu.barrier barrier_id(%barrier3A)
    %scan3A = arith.constant 0 : i32
    %scan3A_157 = arith.constant 0 : i32
    %scan3A_158 = arith.constant 8 : i32
    %scan3A_159 = arith.addi %scan3A_157, %scan3A_158 : i32
    %scan3A_160 = arith.constant 1 : i32
    scf.for %scan3A_212 = %scan3A_157 to %scan3A_159 step %scan3A_160  : i32 {
      %add3A = arith.constant 0 : i32
      %add3A_213 = arith.addi %add3A, %scan3A_212 : i32
      %dma_start3A_214 = arith.constant 0 : i32
      %dma_start3A_215 = arith.constant 0 : i32
      %dma_start3A_216 = arith.constant 0 : i32
      %dma_start3A_217 = tpu.memref_slice %arg11[%dma_start3A_214, %dma_start3A_215, %dma_start3A_216] : memref<2x80x128xi32, #tpu.memory_space<vmem>> -> memref<1x80x128xi32, #tpu.memory_space<vmem>>
      %dma_start3A_218 = tpu.memref_squeeze %dma_start3A_217 : memref<1x80x128xi32, #tpu.memory_space<vmem>> -> memref<80x128xi32, #tpu.memory_space<vmem>>
      %dma_start3A_219 = arith.constant 0 : i32
      %dma_start3A_220 = tpu.memref_slice %dma_start3A_218[%add3A_213, %dma_start3A_219] : memref<80x128xi32, #tpu.memory_space<vmem>> -> memref<1x128xi32, #tpu.memory_space<vmem>>
      %dma_start3A_221 = tpu.memref_squeeze %dma_start3A_220 : memref<1x128xi32, #tpu.memory_space<vmem>> -> memref<128xi32, #tpu.memory_space<vmem>>
      %dma_start3A_222 = arith.constant 0 : i32
      %dma_start3A_223 = tpu.memref_slice %arg19[%dma_start3A_222] : memref<10240xf32, #tpu.memory_space<vmem_shared>> -> memref<10240xf32, #tpu.memory_space<vmem_shared>>
      tpu.enqueue_indirect_dma source(%arg13 : memref<128xf32, #tpu.memory_space<vmem>>) target(%dma_start3A_223 : memref<10240xf32, #tpu.memory_space<vmem_shared>>) offsets(%dma_start3A_221 : memref<128xi32, #tpu.memory_space<vmem>>) semaphore(%arg20 : memref<!tpu.dma_semaphore, #tpu.memory_space<semaphore_mem>>) {add = true}
      %add3A_224 = arith.constant 0 : i32
      %add3A_225 = arith.addi %add3A_224, %scan3A_212 : i32
      %dma_start3A_226 = arith.constant 1 : i32
      %dma_start3A_227 = arith.constant 0 : i32
      %dma_start3A_228 = arith.constant 0 : i32
      %dma_start3A_229 = tpu.memref_slice %arg11[%dma_start3A_226, %dma_start3A_227, %dma_start3A_228] : memref<2x80x128xi32, #tpu.memory_space<vmem>> -> memref<1x80x128xi32, #tpu.memory_space<vmem>>
      %dma_start3A_230 = tpu.memref_squeeze %dma_start3A_229 : memref<1x80x128xi32, #tpu.memory_space<vmem>> -> memref<80x128xi32, #tpu.memory_space<vmem>>
      %dma_start3A_231 = arith.constant 0 : i32
      %dma_start3A_232 = tpu.memref_slice %dma_start3A_230[%add3A_225, %dma_start3A_231] : memref<80x128xi32, #tpu.memory_space<vmem>> -> memref<1x128xi32, #tpu.memory_space<vmem>>
      %dma_start3A_233 = tpu.memref_squeeze %dma_start3A_232 : memref<1x128xi32, #tpu.memory_space<vmem>> -> memref<128xi32, #tpu.memory_space<vmem>>
      %dma_start3A_234 = arith.constant 0 : i32
      %dma_start3A_235 = tpu.memref_slice %arg19[%dma_start3A_234] : memref<10240xf32, #tpu.memory_space<vmem_shared>> -> memref<10240xf32, #tpu.memory_space<vmem_shared>>
      tpu.enqueue_indirect_dma source(%arg13 : memref<128xf32, #tpu.memory_space<vmem>>) target(%dma_start3A_235 : memref<10240xf32, #tpu.memory_space<vmem_shared>>) offsets(%dma_start3A_233 : memref<128xi32, #tpu.memory_space<vmem>>) semaphore(%arg20 : memref<!tpu.dma_semaphore, #tpu.memory_space<semaphore_mem>>) {add = true}
    }
    %scan3A_161 = arith.constant 8 : i32
    %scan3A_162 = arith.constant 0 : i32
    %scan3A_163 = arith.constant 0 : i32
    %scan3A_164 = arith.constant 5 : i32
    %scan3A_165 = arith.addi %scan3A_163, %scan3A_164 : i32
    %scan3A_166 = arith.constant 1 : i32
    scf.for %scan3A_212 = %scan3A_163 to %scan3A_165 step %scan3A_166  : i32 {
      %mul3A_213 = arith.constant 2 : i32
      %mul3A_214 = arith.muli %mul3A_213, %scan3A_212 : i32
      %add3A = arith.constant 1 : i32
      %add3A_215 = arith.addi %mul3A_214, %add3A : i32
      %scan3A_216 = arith.constant 0 : i32
      %scan3A_217 = arith.constant 0 : i32
      %scan3A_218 = arith.constant 8 : i32
      %scan3A_219 = arith.addi %scan3A_217, %scan3A_218 : i32
      %scan3A_220 = arith.constant 1 : i32
      scf.for %scan3A_242 = %scan3A_217 to %scan3A_219 step %scan3A_220  : i32 {
        %mul3A_243 = arith.constant 8 : i32
        %mul3A_244 = arith.muli %add3A_215, %mul3A_243 : i32
        %add3A_245 = arith.addi %mul3A_244, %scan3A_242 : i32
        %dma_start3A_246 = arith.constant 0 : i32
        %dma_start3A_247 = arith.constant 0 : i32
        %dma_start3A_248 = arith.constant 0 : i32
        %dma_start3A_249 = tpu.memref_slice %arg11[%dma_start3A_246, %dma_start3A_247, %dma_start3A_248] : memref<2x80x128xi32, #tpu.memory_space<vmem>> -> memref<1x80x128xi32, #tpu.memory_space<vmem>>
        %dma_start3A_250 = tpu.memref_squeeze %dma_start3A_249 : memref<1x80x128xi32, #tpu.memory_space<vmem>> -> memref<80x128xi32, #tpu.memory_space<vmem>>
        %dma_start3A_251 = arith.constant 0 : i32
        %dma_start3A_252 = tpu.memref_slice %dma_start3A_250[%add3A_245, %dma_start3A_251] : memref<80x128xi32, #tpu.memory_space<vmem>> -> memref<1x128xi32, #tpu.memory_space<vmem>>
        %dma_start3A_253 = tpu.memref_squeeze %dma_start3A_252 : memref<1x128xi32, #tpu.memory_space<vmem>> -> memref<128xi32, #tpu.memory_space<vmem>>
        %dma_start3A_254 = arith.constant 0 : i32
        %dma_start3A_255 = tpu.memref_slice %arg19[%dma_start3A_254] : memref<10240xf32, #tpu.memory_space<vmem_shared>> -> memref<10240xf32, #tpu.memory_space<vmem_shared>>
        tpu.enqueue_indirect_dma source(%arg13 : memref<128xf32, #tpu.memory_space<vmem>>) target(%dma_start3A_255 : memref<10240xf32, #tpu.memory_space<vmem_shared>>) offsets(%dma_start3A_253 : memref<128xi32, #tpu.memory_space<vmem>>) semaphore(%arg21 : memref<!tpu.dma_semaphore, #tpu.memory_space<semaphore_mem>>) {add = true}
        %mul3A_256 = arith.constant 8 : i32
        %mul3A_257 = arith.muli %add3A_215, %mul3A_256 : i32
        %add3A_258 = arith.addi %mul3A_257, %scan3A_242 : i32
        %dma_start3A_259 = arith.constant 1 : i32
        %dma_start3A_260 = arith.constant 0 : i32
        %dma_start3A_261 = arith.constant 0 : i32
        %dma_start3A_262 = tpu.memref_slice %arg11[%dma_start3A_259, %dma_start3A_260, %dma_start3A_261] : memref<2x80x128xi32, #tpu.memory_space<vmem>> -> memref<1x80x128xi32, #tpu.memory_space<vmem>>
        %dma_start3A_263 = tpu.memref_squeeze %dma_start3A_262 : memref<1x80x128xi32, #tpu.memory_space<vmem>> -> memref<80x128xi32, #tpu.memory_space<vmem>>
        %dma_start3A_264 = arith.constant 0 : i32
        %dma_start3A_265 = tpu.memref_slice %dma_start3A_263[%add3A_258, %dma_start3A_264] : memref<80x128xi32, #tpu.memory_space<vmem>> -> memref<1x128xi32, #tpu.memory_space<vmem>>
        %dma_start3A_266 = tpu.memref_squeeze %dma_start3A_265 : memref<1x128xi32, #tpu.memory_space<vmem>> -> memref<128xi32, #tpu.memory_space<vmem>>
        %dma_start3A_267 = arith.constant 0 : i32
        %dma_start3A_268 = tpu.memref_slice %arg19[%dma_start3A_267] : memref<10240xf32, #tpu.memory_space<vmem_shared>> -> memref<10240xf32, #tpu.memory_space<vmem_shared>>
        tpu.enqueue_indirect_dma source(%arg13 : memref<128xf32, #tpu.memory_space<vmem>>) target(%dma_start3A_268 : memref<10240xf32, #tpu.memory_space<vmem_shared>>) offsets(%dma_start3A_266 : memref<128xi32, #tpu.memory_space<vmem>>) semaphore(%arg21 : memref<!tpu.dma_semaphore, #tpu.memory_space<semaphore_mem>>) {add = true}
      }
      %scan3A_221 = arith.constant 8 : i32
      %scan3A_222 = arith.constant 0 : i32
      %scan3A_223 = arith.constant 0 : i32
      %scan3A_224 = arith.constant 8 : i32
      %scan3A_225 = arith.addi %scan3A_223, %scan3A_224 : i32
      %scan3A_226 = arith.constant 1 : i32
      scf.for %scan3A_242 = %scan3A_223 to %scan3A_225 step %scan3A_226  : i32 {
        %mul3A_243 = arith.constant 8 : i32
        %mul3A_244 = arith.muli %mul3A_214, %mul3A_243 : i32
        %add3A_245 = arith.addi %mul3A_244, %scan3A_242 : i32
        %dma_wait3A_246 = arith.constant 0 : i32
        %dma_wait3A_247 = arith.constant 0 : i32
        %dma_wait3A_248 = arith.constant 0 : i32
        %dma_wait3A_249 = tpu.memref_slice %arg11[%dma_wait3A_246, %dma_wait3A_247, %dma_wait3A_248] : memref<2x80x128xi32, #tpu.memory_space<vmem>> -> memref<1x80x128xi32, #tpu.memory_space<vmem>>
        %dma_wait3A_250 = tpu.memref_squeeze %dma_wait3A_249 : memref<1x80x128xi32, #tpu.memory_space<vmem>> -> memref<80x128xi32, #tpu.memory_space<vmem>>
        %dma_wait3A_251 = arith.constant 0 : i32
        %dma_wait3A_252 = tpu.memref_slice %dma_wait3A_250[%add3A_245, %dma_wait3A_251] : memref<80x128xi32, #tpu.memory_space<vmem>> -> memref<1x128xi32, #tpu.memory_space<vmem>>
        %dma_wait3A_253 = tpu.memref_squeeze %dma_wait3A_252 : memref<1x128xi32, #tpu.memory_space<vmem>> -> memref<128xi32, #tpu.memory_space<vmem>>
        %dma_wait3A_254 = arith.constant 0 : i32
        %dma_wait3A_255 = tpu.memref_slice %arg19[%dma_wait3A_254] : memref<10240xf32, #tpu.memory_space<vmem_shared>> -> memref<10240xf32, #tpu.memory_space<vmem_shared>>
        tpu.wait_indirect_dma semaphore(%arg20 : memref<!tpu.dma_semaphore, #tpu.memory_space<semaphore_mem>>) src(%arg13 : memref<128xf32, #tpu.memory_space<vmem>>) dst(%dma_wait3A_255 : memref<10240xf32, #tpu.memory_space<vmem_shared>>)
        %mul3A_256 = arith.constant 8 : i32
        %mul3A_257 = arith.muli %mul3A_214, %mul3A_256 : i32
        %add3A_258 = arith.addi %mul3A_257, %scan3A_242 : i32
        %dma_wait3A_259 = arith.constant 1 : i32
        %dma_wait3A_260 = arith.constant 0 : i32
        %dma_wait3A_261 = arith.constant 0 : i32
        %dma_wait3A_262 = tpu.memref_slice %arg11[%dma_wait3A_259, %dma_wait3A_260, %dma_wait3A_261] : memref<2x80x128xi32, #tpu.memory_space<vmem>> -> memref<1x80x128xi32, #tpu.memory_space<vmem>>
        %dma_wait3A_263 = tpu.memref_squeeze %dma_wait3A_262 : memref<1x80x128xi32, #tpu.memory_space<vmem>> -> memref<80x128xi32, #tpu.memory_space<vmem>>
        %dma_wait3A_264 = arith.constant 0 : i32
        %dma_wait3A_265 = tpu.memref_slice %dma_wait3A_263[%add3A_258, %dma_wait3A_264] : memref<80x128xi32, #tpu.memory_space<vmem>> -> memref<1x128xi32, #tpu.memory_space<vmem>>
        %dma_wait3A_266 = tpu.memref_squeeze %dma_wait3A_265 : memref<1x128xi32, #tpu.memory_space<vmem>> -> memref<128xi32, #tpu.memory_space<vmem>>
        %dma_wait3A_267 = arith.constant 0 : i32
        %dma_wait3A_268 = tpu.memref_slice %arg19[%dma_wait3A_267] : memref<10240xf32, #tpu.memory_space<vmem_shared>> -> memref<10240xf32, #tpu.memory_space<vmem_shared>>
        tpu.wait_indirect_dma semaphore(%arg20 : memref<!tpu.dma_semaphore, #tpu.memory_space<semaphore_mem>>) src(%arg13 : memref<128xf32, #tpu.memory_space<vmem>>) dst(%dma_wait3A_268 : memref<10240xf32, #tpu.memory_space<vmem_shared>>)
      }
      %scan3A_227 = arith.constant 8 : i32
      %add3A_228 = arith.constant 2 : i32
      %add3A_229 = arith.addi %mul3A_214, %add3A_228 : i32
      %lt3A = arith.constant 10 : i32
      %lt3A_230 = arith.cmpi slt, %add3A_229, %lt3A : i32
      %convert_element_type3A_231 = arith.extui %lt3A_230 : i1 to i32
      %cond3A_232 = arith.constant 0 : i32
      %cond3A_233 = arith.cmpi ne, %convert_element_type3A_231, %cond3A_232 : i32
      scf.if %cond3A_233 {
        %add3A_242 = arith.constant 2 : i32
        %add3A_243 = arith.addi %mul3A_214, %add3A_242 : i32
        %scan3A_244 = arith.constant 0 : i32
        %scan3A_245 = arith.constant 0 : i32
        %scan3A_246 = arith.constant 8 : i32
        %scan3A_247 = arith.addi %scan3A_245, %scan3A_246 : i32
        %scan3A_248 = arith.constant 1 : i32
        scf.for %scan3A_250 = %scan3A_245 to %scan3A_247 step %scan3A_248  : i32 {
          %mul3A_251 = arith.constant 8 : i32
          %mul3A_252 = arith.muli %add3A_243, %mul3A_251 : i32
          %add3A_253 = arith.addi %mul3A_252, %scan3A_250 : i32
          %dma_start3A_254 = arith.constant 0 : i32
          %dma_start3A_255 = arith.constant 0 : i32
          %dma_start3A_256 = arith.constant 0 : i32
          %dma_start3A_257 = tpu.memref_slice %arg11[%dma_start3A_254, %dma_start3A_255, %dma_start3A_256] : memref<2x80x128xi32, #tpu.memory_space<vmem>> -> memref<1x80x128xi32, #tpu.memory_space<vmem>>
          %dma_start3A_258 = tpu.memref_squeeze %dma_start3A_257 : memref<1x80x128xi32, #tpu.memory_space<vmem>> -> memref<80x128xi32, #tpu.memory_space<vmem>>
          %dma_start3A_259 = arith.constant 0 : i32
          %dma_start3A_260 = tpu.memref_slice %dma_start3A_258[%add3A_253, %dma_start3A_259] : memref<80x128xi32, #tpu.memory_space<vmem>> -> memref<1x128xi32, #tpu.memory_space<vmem>>
          %dma_start3A_261 = tpu.memref_squeeze %dma_start3A_260 : memref<1x128xi32, #tpu.memory_space<vmem>> -> memref<128xi32, #tpu.memory_space<vmem>>
          %dma_start3A_262 = arith.constant 0 : i32
          %dma_start3A_263 = tpu.memref_slice %arg19[%dma_start3A_262] : memref<10240xf32, #tpu.memory_space<vmem_shared>> -> memref<10240xf32, #tpu.memory_space<vmem_shared>>
          tpu.enqueue_indirect_dma source(%arg13 : memref<128xf32, #tpu.memory_space<vmem>>) target(%dma_start3A_263 : memref<10240xf32, #tpu.memory_space<vmem_shared>>) offsets(%dma_start3A_261 : memref<128xi32, #tpu.memory_space<vmem>>) semaphore(%arg20 : memref<!tpu.dma_semaphore, #tpu.memory_space<semaphore_mem>>) {add = true}
          %mul3A_264 = arith.constant 8 : i32
          %mul3A_265 = arith.muli %add3A_243, %mul3A_264 : i32
          %add3A_266 = arith.addi %mul3A_265, %scan3A_250 : i32
          %dma_start3A_267 = arith.constant 1 : i32
          %dma_start3A_268 = arith.constant 0 : i32
          %dma_start3A_269 = arith.constant 0 : i32
          %dma_start3A_270 = tpu.memref_slice %arg11[%dma_start3A_267, %dma_start3A_268, %dma_start3A_269] : memref<2x80x128xi32, #tpu.memory_space<vmem>> -> memref<1x80x128xi32, #tpu.memory_space<vmem>>
          %dma_start3A_271 = tpu.memref_squeeze %dma_start3A_270 : memref<1x80x128xi32, #tpu.memory_space<vmem>> -> memref<80x128xi32, #tpu.memory_space<vmem>>
          %dma_start3A_272 = arith.constant 0 : i32
          %dma_start3A_273 = tpu.memref_slice %dma_start3A_271[%add3A_266, %dma_start3A_272] : memref<80x128xi32, #tpu.memory_space<vmem>> -> memref<1x128xi32, #tpu.memory_space<vmem>>
          %dma_start3A_274 = tpu.memref_squeeze %dma_start3A_273 : memref<1x128xi32, #tpu.memory_space<vmem>> -> memref<128xi32, #tpu.memory_space<vmem>>
          %dma_start3A_275 = arith.constant 0 : i32
          %dma_start3A_276 = tpu.memref_slice %arg19[%dma_start3A_275] : memref<10240xf32, #tpu.memory_space<vmem_shared>> -> memref<10240xf32, #tpu.memory_space<vmem_shared>>
          tpu.enqueue_indirect_dma source(%arg13 : memref<128xf32, #tpu.memory_space<vmem>>) target(%dma_start3A_276 : memref<10240xf32, #tpu.memory_space<vmem_shared>>) offsets(%dma_start3A_274 : memref<128xi32, #tpu.memory_space<vmem>>) semaphore(%arg20 : memref<!tpu.dma_semaphore, #tpu.memory_space<semaphore_mem>>) {add = true}
        }
        %scan3A_249 = arith.constant 8 : i32
      } else {
      }
      %add3A_234 = arith.constant 1 : i32
      %add3A_235 = arith.addi %mul3A_214, %add3A_234 : i32
      %scan3A_236 = arith.constant 0 : i32
      %scan3A_237 = arith.constant 0 : i32
      %scan3A_238 = arith.constant 8 : i32
      %scan3A_239 = arith.addi %scan3A_237, %scan3A_238 : i32
      %scan3A_240 = arith.constant 1 : i32
      scf.for %scan3A_242 = %scan3A_237 to %scan3A_239 step %scan3A_240  : i32 {
        %mul3A_243 = arith.constant 8 : i32
        %mul3A_244 = arith.muli %add3A_235, %mul3A_243 : i32
        %add3A_245 = arith.addi %mul3A_244, %scan3A_242 : i32
        %dma_wait3A_246 = arith.constant 0 : i32
        %dma_wait3A_247 = arith.constant 0 : i32
        %dma_wait3A_248 = arith.constant 0 : i32
        %dma_wait3A_249 = tpu.memref_slice %arg11[%dma_wait3A_246, %dma_wait3A_247, %dma_wait3A_248] : memref<2x80x128xi32, #tpu.memory_space<vmem>> -> memref<1x80x128xi32, #tpu.memory_space<vmem>>
        %dma_wait3A_250 = tpu.memref_squeeze %dma_wait3A_249 : memref<1x80x128xi32, #tpu.memory_space<vmem>> -> memref<80x128xi32, #tpu.memory_space<vmem>>
        %dma_wait3A_251 = arith.constant 0 : i32
        %dma_wait3A_252 = tpu.memref_slice %dma_wait3A_250[%add3A_245, %dma_wait3A_251] : memref<80x128xi32, #tpu.memory_space<vmem>> -> memref<1x128xi32, #tpu.memory_space<vmem>>
        %dma_wait3A_253 = tpu.memref_squeeze %dma_wait3A_252 : memref<1x128xi32, #tpu.memory_space<vmem>> -> memref<128xi32, #tpu.memory_space<vmem>>
        %dma_wait3A_254 = arith.constant 0 : i32
        %dma_wait3A_255 = tpu.memref_slice %arg19[%dma_wait3A_254] : memref<10240xf32, #tpu.memory_space<vmem_shared>> -> memref<10240xf32, #tpu.memory_space<vmem_shared>>
        tpu.wait_indirect_dma semaphore(%arg21 : memref<!tpu.dma_semaphore, #tpu.memory_space<semaphore_mem>>) src(%arg13 : memref<128xf32, #tpu.memory_space<vmem>>) dst(%dma_wait3A_255 : memref<10240xf32, #tpu.memory_space<vmem_shared>>)
        %mul3A_256 = arith.constant 8 : i32
        %mul3A_257 = arith.muli %add3A_235, %mul3A_256 : i32
        %add3A_258 = arith.addi %mul3A_257, %scan3A_242 : i32
        %dma_wait3A_259 = arith.constant 1 : i32
        %dma_wait3A_260 = arith.constant 0 : i32
        %dma_wait3A_261 = arith.constant 0 : i32
        %dma_wait3A_262 = tpu.memref_slice %arg11[%dma_wait3A_259, %dma_wait3A_260, %dma_wait3A_261] : memref<2x80x128xi32, #tpu.memory_space<vmem>> -> memref<1x80x128xi32, #tpu.memory_space<vmem>>
        %dma_wait3A_263 = tpu.memref_squeeze %dma_wait3A_262 : memref<1x80x128xi32, #tpu.memory_space<vmem>> -> memref<80x128xi32, #tpu.memory_space<vmem>>
        %dma_wait3A_264 = arith.constant 0 : i32
        %dma_wait3A_265 = tpu.memref_slice %dma_wait3A_263[%add3A_258, %dma_wait3A_264] : memref<80x128xi32, #tpu.memory_space<vmem>> -> memref<1x128xi32, #tpu.memory_space<vmem>>
        %dma_wait3A_266 = tpu.memref_squeeze %dma_wait3A_265 : memref<1x128xi32, #tpu.memory_space<vmem>> -> memref<128xi32, #tpu.memory_space<vmem>>
        %dma_wait3A_267 = arith.constant 0 : i32
        %dma_wait3A_268 = tpu.memref_slice %arg19[%dma_wait3A_267] : memref<10240xf32, #tpu.memory_space<vmem_shared>> -> memref<10240xf32, #tpu.memory_space<vmem_shared>>
        tpu.wait_indirect_dma semaphore(%arg21 : memref<!tpu.dma_semaphore, #tpu.memory_space<semaphore_mem>>) src(%arg13 : memref<128xf32, #tpu.memory_space<vmem>>) dst(%dma_wait3A_268 : memref<10240xf32, #tpu.memory_space<vmem_shared>>)
      }
      %scan3A_241 = arith.constant 8 : i32
    }
    %scan3A_167 = arith.constant 5 : i32
    %barrier3A_168 = arith.constant 0 : index
    tpu.barrier barrier_id(%barrier3A_168)
    "tpu.region"() ({
      %run_scoped3A = tpu.sem_alloc : memref<!tpu.dma_semaphore, #tpu.memory_space<semaphore_mem>>
      %dma_start3A_212 = tpu.memref_slice %arg19[%mul3A_0] : memref<10240xf32, #tpu.memory_space<vmem_shared>> -> memref<640xf32, #tpu.memory_space<vmem_shared>>
      %dma_start3A_213 = tpu.memref_slice %arg19[%mul3A_0] : memref<10240xf32, #tpu.memory_space<vmem_shared>> -> memref<640xf32, #tpu.memory_space<vmem_shared>>
      tpu.enqueue_dma source(%dma_start3A_213 : memref<640xf32, #tpu.memory_space<vmem_shared>>) target(%arg15 : memref<640xf32, #tpu.memory_space<vmem>>) target_semaphore(%run_scoped3A : memref<!tpu.dma_semaphore, #tpu.memory_space<semaphore_mem>>)
      %dma_wait3A_214 = tpu.memref_slice %arg19[%mul3A_0] : memref<10240xf32, #tpu.memory_space<vmem_shared>> -> memref<640xf32, #tpu.memory_space<vmem_shared>>
      %dma_wait3A_215 = tpu.memref_slice %arg19[%mul3A_0] : memref<10240xf32, #tpu.memory_space<vmem_shared>> -> memref<640xf32, #tpu.memory_space<vmem_shared>>
      tpu.wait_dma2 semaphore(%run_scoped3A : memref<!tpu.dma_semaphore, #tpu.memory_space<semaphore_mem>>) src(%dma_wait3A_215 : memref<640xf32, #tpu.memory_space<vmem_shared>>) dst(%arg15 : memref<640xf32, #tpu.memory_space<vmem>>)
      tpu.yield
    }) : () -> ()
    %scan3A_169 = arith.constant 0 : i32
    %scan3A_170 = arith.constant 0 : i32
    %scan3A_171 = arith.constant 40 : i32
    %scan3A_172 = arith.addi %scan3A_170, %scan3A_171 : i32
    %scan3A_173 = arith.constant 1 : i32
    scf.for %scan3A_212 = %scan3A_170 to %scan3A_172 step %scan3A_173  : i32 {
      %mul3A_213 = arith.constant 16 : i32
      %mul3A_214 = arith.muli %scan3A_212, %mul3A_213 : i32
      %get3A = arith.index_cast %mul3A_214 : i32 to index
      %get3A_215 = tpu.vector_load %arg15[%get3A] {strides = array<i32>} : memref<640xf32, #tpu.memory_space<vmem>>, vector<16xf32>,
      %get3A_216 = vector.shape_cast %get3A_215 : vector<16xf32> to vector<16xf32>
      %add3A = arith.constant 1.000000e+00 : f32
      %add3A_217 = vector.broadcast %add3A : f32 to vector<16xf32>
      %add3A_218 = arith.addf %get3A_216, %add3A_217 : vector<16xf32>
      %div3A = arith.constant 1.000000e+00 : f32
      %div3A_219 = vector.broadcast %div3A : f32 to vector<16xf32>
      %div3A_220 = arith.divf %div3A_219, %add3A_218 : vector<16xf32>
      %mul3A_221 = arith.constant 5.000000e-01 : f32
      %mul3A_222 = vector.broadcast %mul3A_221 : f32 to vector<16xf32>
      %mul3A_223 = arith.mulf %mul3A_222, %add3A_218 : vector<16xf32>
      %mul3A_224 = arith.mulf %mul3A_223, %div3A_220 : vector<16xf32>
      %mul3A_225 = arith.mulf %mul3A_224, %div3A_220 : vector<16xf32>
      %sub3A = arith.constant 1.500000e+00 : f32
      %sub3A_226 = vector.broadcast %sub3A : f32 to vector<16xf32>
      %sub3A_227 = arith.subf %sub3A_226, %mul3A_225 : vector<16xf32>
      %mul3A_228 = arith.mulf %div3A_220, %sub3A_227 : vector<16xf32>
      %mul3A_229 = arith.constant 5.000000e-01 : f32
      %mul3A_230 = vector.broadcast %mul3A_229 : f32 to vector<16xf32>
      %mul3A_231 = arith.mulf %mul3A_230, %add3A_218 : vector<16xf32>
      %mul3A_232 = arith.mulf %mul3A_231, %mul3A_228 : vector<16xf32>
      %mul3A_233 = arith.mulf %mul3A_232, %mul3A_228 : vector<16xf32>
      %sub3A_234 = arith.constant 1.500000e+00 : f32
      %sub3A_235 = vector.broadcast %sub3A_234 : f32 to vector<16xf32>
      %sub3A_236 = arith.subf %sub3A_235, %mul3A_233 : vector<16xf32>
      %mul3A_237 = arith.mulf %mul3A_228, %sub3A_236 : vector<16xf32>
      %mul3A_238 = arith.constant 5.000000e-01 : f32
      %mul3A_239 = vector.broadcast %mul3A_238 : f32 to vector<16xf32>
      %mul3A_240 = arith.mulf %mul3A_239, %add3A_218 : vector<16xf32>
      %mul3A_241 = arith.mulf %mul3A_240, %mul3A_237 : vector<16xf32>
      %mul3A_242 = arith.mulf %mul3A_241, %mul3A_237 : vector<16xf32>
      %sub3A_243 = arith.constant 1.500000e+00 : f32
      %sub3A_244 = vector.broadcast %sub3A_243 : f32 to vector<16xf32>
      %sub3A_245 = arith.subf %sub3A_244, %mul3A_242 : vector<16xf32>
      %mul3A_246 = arith.mulf %mul3A_237, %sub3A_245 : vector<16xf32>
      %mul3A_247 = arith.constant 5.000000e-01 : f32
      %mul3A_248 = vector.broadcast %mul3A_247 : f32 to vector<16xf32>
      %mul3A_249 = arith.mulf %mul3A_248, %add3A_218 : vector<16xf32>
      %mul3A_250 = arith.mulf %mul3A_249, %mul3A_246 : vector<16xf32>
      %mul3A_251 = arith.mulf %mul3A_250, %mul3A_246 : vector<16xf32>
      %sub3A_252 = arith.constant 1.500000e+00 : f32
      %sub3A_253 = vector.broadcast %sub3A_252 : f32 to vector<16xf32>
      %sub3A_254 = arith.subf %sub3A_253, %mul3A_251 : vector<16xf32>
      %mul3A_255 = arith.mulf %mul3A_246, %sub3A_254 : vector<16xf32>
      %mul3A_256 = arith.constant 5.000000e-01 : f32
      %mul3A_257 = vector.broadcast %mul3A_256 : f32 to vector<16xf32>
      %mul3A_258 = arith.mulf %mul3A_257, %add3A_218 : vector<16xf32>
      %mul3A_259 = arith.mulf %mul3A_258, %mul3A_255 : vector<16xf32>
      %mul3A_260 = arith.mulf %mul3A_259, %mul3A_255 : vector<16xf32>
      %sub3A_261 = arith.constant 1.500000e+00 : f32
      %sub3A_262 = vector.broadcast %sub3A_261 : f32 to vector<16xf32>
      %sub3A_263 = arith.subf %sub3A_262, %mul3A_260 : vector<16xf32>
      %mul3A_264 = arith.mulf %mul3A_255, %sub3A_263 : vector<16xf32>
      %mul3A_265 = arith.constant 5.000000e-01 : f32
      %mul3A_266 = vector.broadcast %mul3A_265 : f32 to vector<16xf32>
      %mul3A_267 = arith.mulf %mul3A_266, %add3A_218 : vector<16xf32>
      %mul3A_268 = arith.mulf %mul3A_267, %mul3A_264 : vector<16xf32>
      %mul3A_269 = arith.mulf %mul3A_268, %mul3A_264 : vector<16xf32>
      %sub3A_270 = arith.constant 1.500000e+00 : f32
      %sub3A_271 = vector.broadcast %sub3A_270 : f32 to vector<16xf32>
      %sub3A_272 = arith.subf %sub3A_271, %mul3A_269 : vector<16xf32>
      %mul3A_273 = arith.mulf %mul3A_264, %sub3A_272 : vector<16xf32>
      %mul3A_274 = arith.constant 5.000000e-01 : f32
      %mul3A_275 = vector.broadcast %mul3A_274 : f32 to vector<16xf32>
      %mul3A_276 = arith.mulf %mul3A_275, %add3A_218 : vector<16xf32>
      %mul3A_277 = arith.mulf %mul3A_276, %mul3A_273 : vector<16xf32>
      %mul3A_278 = arith.mulf %mul3A_277, %mul3A_273 : vector<16xf32>
      %sub3A_279 = arith.constant 1.500000e+00 : f32
      %sub3A_280 = vector.broadcast %sub3A_279 : f32 to vector<16xf32>
      %sub3A_281 = arith.subf %sub3A_280, %mul3A_278 : vector<16xf32>
      %mul3A_282 = arith.mulf %mul3A_273, %sub3A_281 : vector<16xf32>
      %mul3A_283 = arith.constant 5.000000e-01 : f32
      %mul3A_284 = vector.broadcast %mul3A_283 : f32 to vector<16xf32>
      %mul3A_285 = arith.mulf %mul3A_284, %add3A_218 : vector<16xf32>
      %mul3A_286 = arith.mulf %mul3A_285, %mul3A_282 : vector<16xf32>
      %mul3A_287 = arith.mulf %mul3A_286, %mul3A_282 : vector<16xf32>
      %sub3A_288 = arith.constant 1.500000e+00 : f32
      %sub3A_289 = vector.broadcast %sub3A_288 : f32 to vector<16xf32>
      %sub3A_290 = arith.subf %sub3A_289, %mul3A_287 : vector<16xf32>
      %mul3A_291 = arith.mulf %mul3A_282, %sub3A_290 : vector<16xf32>
      %mul3A_292 = arith.constant 5.000000e-01 : f32
      %mul3A_293 = vector.broadcast %mul3A_292 : f32 to vector<16xf32>
      %mul3A_294 = arith.mulf %mul3A_293, %add3A_218 : vector<16xf32>
      %mul3A_295 = arith.mulf %mul3A_294, %mul3A_291 : vector<16xf32>
      %mul3A_296 = arith.mulf %mul3A_295, %mul3A_291 : vector<16xf32>
      %sub3A_297 = arith.constant 1.500000e+00 : f32
      %sub3A_298 = vector.broadcast %sub3A_297 : f32 to vector<16xf32>
      %sub3A_299 = arith.subf %sub3A_298, %mul3A_296 : vector<16xf32>
      %mul3A_300 = arith.mulf %mul3A_291, %sub3A_299 : vector<16xf32>
      %mul3A_301 = arith.constant 5.000000e-01 : f32
      %mul3A_302 = vector.broadcast %mul3A_301 : f32 to vector<16xf32>
      %mul3A_303 = arith.mulf %mul3A_302, %add3A_218 : vector<16xf32>
      %mul3A_304 = arith.mulf %mul3A_303, %mul3A_300 : vector<16xf32>
      %mul3A_305 = arith.mulf %mul3A_304, %mul3A_300 : vector<16xf32>
      %sub3A_306 = arith.constant 1.500000e+00 : f32
      %sub3A_307 = vector.broadcast %sub3A_306 : f32 to vector<16xf32>
      %sub3A_308 = arith.subf %sub3A_307, %mul3A_305 : vector<16xf32>
      %mul3A_309 = arith.mulf %mul3A_300, %sub3A_308 : vector<16xf32>
      %mul3A_310 = arith.constant 5.000000e-01 : f32
      %mul3A_311 = vector.broadcast %mul3A_310 : f32 to vector<16xf32>
      %mul3A_312 = arith.mulf %mul3A_311, %add3A_218 : vector<16xf32>
      %mul3A_313 = arith.mulf %mul3A_312, %mul3A_309 : vector<16xf32>
      %mul3A_314 = arith.mulf %mul3A_313, %mul3A_309 : vector<16xf32>
      %sub3A_315 = arith.constant 1.500000e+00 : f32
      %sub3A_316 = vector.broadcast %sub3A_315 : f32 to vector<16xf32>
      %sub3A_317 = arith.subf %sub3A_316, %mul3A_314 : vector<16xf32>
      %mul3A_318 = arith.mulf %mul3A_309, %sub3A_317 : vector<16xf32>
      %mul3A_319 = arith.constant 5.000000e-01 : f32
      %mul3A_320 = vector.broadcast %mul3A_319 : f32 to vector<16xf32>
      %mul3A_321 = arith.mulf %mul3A_320, %add3A_218 : vector<16xf32>
      %mul3A_322 = arith.mulf %mul3A_321, %mul3A_318 : vector<16xf32>
      %mul3A_323 = arith.mulf %mul3A_322, %mul3A_318 : vector<16xf32>
      %sub3A_324 = arith.constant 1.500000e+00 : f32
      %sub3A_325 = vector.broadcast %sub3A_324 : f32 to vector<16xf32>
      %sub3A_326 = arith.subf %sub3A_325, %mul3A_323 : vector<16xf32>
      %mul3A_327 = arith.mulf %mul3A_318, %sub3A_326 : vector<16xf32>
      %mul3A_328 = arith.constant 5.000000e-01 : f32
      %mul3A_329 = vector.broadcast %mul3A_328 : f32 to vector<16xf32>
      %mul3A_330 = arith.mulf %mul3A_329, %add3A_218 : vector<16xf32>
      %mul3A_331 = arith.mulf %mul3A_330, %mul3A_327 : vector<16xf32>
      %mul3A_332 = arith.mulf %mul3A_331, %mul3A_327 : vector<16xf32>
      %sub3A_333 = arith.constant 1.500000e+00 : f32
      %sub3A_334 = vector.broadcast %sub3A_333 : f32 to vector<16xf32>
      %sub3A_335 = arith.subf %sub3A_334, %mul3A_332 : vector<16xf32>
      %mul3A_336 = arith.mulf %mul3A_327, %sub3A_335 : vector<16xf32>
      %mul3A_337 = arith.constant 5.000000e-01 : f32
      %mul3A_338 = vector.broadcast %mul3A_337 : f32 to vector<16xf32>
      %mul3A_339 = arith.mulf %mul3A_338, %add3A_218 : vector<16xf32>
      %mul3A_340 = arith.mulf %mul3A_339, %mul3A_336 : vector<16xf32>
      %mul3A_341 = arith.mulf %mul3A_340, %mul3A_336 : vector<16xf32>
      %sub3A_342 = arith.constant 1.500000e+00 : f32
      %sub3A_343 = vector.broadcast %sub3A_342 : f32 to vector<16xf32>
      %sub3A_344 = arith.subf %sub3A_343, %mul3A_341 : vector<16xf32>
      %mul3A_345 = arith.mulf %mul3A_336, %sub3A_344 : vector<16xf32>
      %mul3A_346 = arith.constant 5.000000e-01 : f32
      %mul3A_347 = vector.broadcast %mul3A_346 : f32 to vector<16xf32>
      %mul3A_348 = arith.mulf %mul3A_347, %add3A_218 : vector<16xf32>
      %mul3A_349 = arith.mulf %mul3A_348, %mul3A_345 : vector<16xf32>
      %mul3A_350 = arith.mulf %mul3A_349, %mul3A_345 : vector<16xf32>
      %sub3A_351 = arith.constant 1.500000e+00 : f32
      %sub3A_352 = vector.broadcast %sub3A_351 : f32 to vector<16xf32>
      %sub3A_353 = arith.subf %sub3A_352, %mul3A_350 : vector<16xf32>
      %mul3A_354 = arith.mulf %mul3A_345, %sub3A_353 : vector<16xf32>
      %mul3A_355 = arith.constant 5.000000e-01 : f32
      %mul3A_356 = vector.broadcast %mul3A_355 : f32 to vector<16xf32>
      %mul3A_357 = arith.mulf %mul3A_356, %add3A_218 : vector<16xf32>
      %mul3A_358 = arith.mulf %mul3A_357, %mul3A_354 : vector<16xf32>
      %mul3A_359 = arith.mulf %mul3A_358, %mul3A_354 : vector<16xf32>
      %sub3A_360 = arith.constant 1.500000e+00 : f32
      %sub3A_361 = vector.broadcast %sub3A_360 : f32 to vector<16xf32>
      %sub3A_362 = arith.subf %sub3A_361, %mul3A_359 : vector<16xf32>
      %mul3A_363 = arith.mulf %mul3A_354, %sub3A_362 : vector<16xf32>
      %mul3A_364 = arith.constant 5.000000e-01 : f32
      %mul3A_365 = vector.broadcast %mul3A_364 : f32 to vector<16xf32>
      %mul3A_366 = arith.mulf %mul3A_365, %add3A_218 : vector<16xf32>
      %mul3A_367 = arith.mulf %mul3A_366, %mul3A_363 : vector<16xf32>
      %mul3A_368 = arith.mulf %mul3A_367, %mul3A_363 : vector<16xf32>
      %sub3A_369 = arith.constant 1.500000e+00 : f32
      %sub3A_370 = vector.broadcast %sub3A_369 : f32 to vector<16xf32>
      %sub3A_371 = arith.subf %sub3A_370, %mul3A_368 : vector<16xf32>
      %mul3A_372 = arith.mulf %mul3A_363, %sub3A_371 : vector<16xf32>
      %mul3A_373 = arith.constant 5.000000e-01 : f32
      %mul3A_374 = vector.broadcast %mul3A_373 : f32 to vector<16xf32>
      %mul3A_375 = arith.mulf %mul3A_374, %add3A_218 : vector<16xf32>
      %mul3A_376 = arith.mulf %mul3A_375, %mul3A_372 : vector<16xf32>
      %mul3A_377 = arith.mulf %mul3A_376, %mul3A_372 : vector<16xf32>
      %sub3A_378 = arith.constant 1.500000e+00 : f32
      %sub3A_379 = vector.broadcast %sub3A_378 : f32 to vector<16xf32>
      %sub3A_380 = arith.subf %sub3A_379, %mul3A_377 : vector<16xf32>
      %mul3A_381 = arith.mulf %mul3A_372, %sub3A_380 : vector<16xf32>
      %mul3A_382 = arith.constant 5.000000e-01 : f32
      %mul3A_383 = vector.broadcast %mul3A_382 : f32 to vector<16xf32>
      %mul3A_384 = arith.mulf %mul3A_383, %add3A_218 : vector<16xf32>
      %mul3A_385 = arith.mulf %mul3A_384, %mul3A_381 : vector<16xf32>
      %mul3A_386 = arith.mulf %mul3A_385, %mul3A_381 : vector<16xf32>
      %sub3A_387 = arith.constant 1.500000e+00 : f32
      %sub3A_388 = vector.broadcast %sub3A_387 : f32 to vector<16xf32>
      %sub3A_389 = arith.subf %sub3A_388, %mul3A_386 : vector<16xf32>
      %mul3A_390 = arith.mulf %mul3A_381, %sub3A_389 : vector<16xf32>
      %mul3A_391 = arith.constant 5.000000e-01 : f32
      %mul3A_392 = vector.broadcast %mul3A_391 : f32 to vector<16xf32>
      %mul3A_393 = arith.mulf %mul3A_392, %add3A_218 : vector<16xf32>
      %mul3A_394 = arith.mulf %mul3A_393, %mul3A_390 : vector<16xf32>
      %mul3A_395 = arith.mulf %mul3A_394, %mul3A_390 : vector<16xf32>
      %sub3A_396 = arith.constant 1.500000e+00 : f32
      %sub3A_397 = vector.broadcast %sub3A_396 : f32 to vector<16xf32>
      %sub3A_398 = arith.subf %sub3A_397, %mul3A_395 : vector<16xf32>
      %mul3A_399 = arith.mulf %mul3A_390, %sub3A_398 : vector<16xf32>
      %mul3A_400 = arith.constant 5.000000e-01 : f32
      %mul3A_401 = vector.broadcast %mul3A_400 : f32 to vector<16xf32>
      %mul3A_402 = arith.mulf %mul3A_401, %add3A_218 : vector<16xf32>
      %mul3A_403 = arith.mulf %mul3A_402, %mul3A_399 : vector<16xf32>
      %mul3A_404 = arith.mulf %mul3A_403, %mul3A_399 : vector<16xf32>
      %sub3A_405 = arith.constant 1.500000e+00 : f32
      %sub3A_406 = vector.broadcast %sub3A_405 : f32 to vector<16xf32>
      %sub3A_407 = arith.subf %sub3A_406, %mul3A_404 : vector<16xf32>
      %mul3A_408 = arith.mulf %mul3A_399, %sub3A_407 : vector<16xf32>
      %mul3A_409 = arith.constant 5.000000e-01 : f32
      %mul3A_410 = vector.broadcast %mul3A_409 : f32 to vector<16xf32>
      %mul3A_411 = arith.mulf %mul3A_410, %add3A_218 : vector<16xf32>
      %mul3A_412 = arith.mulf %mul3A_411, %mul3A_408 : vector<16xf32>
      %mul3A_413 = arith.mulf %mul3A_412, %mul3A_408 : vector<16xf32>
      %sub3A_414 = arith.constant 1.500000e+00 : f32
      %sub3A_415 = vector.broadcast %sub3A_414 : f32 to vector<16xf32>
      %sub3A_416 = arith.subf %sub3A_415, %mul3A_413 : vector<16xf32>
      %mul3A_417 = arith.mulf %mul3A_408, %sub3A_416 : vector<16xf32>
      %mul3A_418 = arith.constant 16 : i32
      %mul3A_419 = arith.muli %scan3A_212, %mul3A_418 : i32
      %swap3A = arith.index_cast %mul3A_419 : i32 to index
      %swap3A_420 = tpu.vector_load %arg15[%swap3A] {strides = array<i32>} : memref<640xf32, #tpu.memory_space<vmem>>, vector<16xf32>,
      %swap3A_421 = vector.shape_cast %swap3A_420 : vector<16xf32> to vector<16xf32>
      %swap3A_422 = vector.shape_cast %mul3A_417 : vector<16xf32> to vector<16xf32>
      tpu.vector_store %arg15[%swap3A], %swap3A_422 {strides = array<i32>} : memref<640xf32, #tpu.memory_space<vmem>>, vector<16xf32>,
    }
    %scan3A_174 = arith.constant 40 : i32
    "tpu.region"() ({
      %run_scoped3A = tpu.sem_alloc : memref<!tpu.dma_semaphore, #tpu.memory_space<semaphore_mem>>
      %dma_start3A_212 = tpu.memref_slice %arg19[%mul3A_0] : memref<10240xf32, #tpu.memory_space<vmem_shared>> -> memref<640xf32, #tpu.memory_space<vmem_shared>>
      %dma_start3A_213 = tpu.memref_slice %arg19[%mul3A_0] : memref<10240xf32, #tpu.memory_space<vmem_shared>> -> memref<640xf32, #tpu.memory_space<vmem_shared>>
      tpu.enqueue_dma source(%arg15 : memref<640xf32, #tpu.memory_space<vmem>>) target(%dma_start3A_213 : memref<640xf32, #tpu.memory_space<vmem_shared>>) target_semaphore(%run_scoped3A : memref<!tpu.dma_semaphore, #tpu.memory_space<semaphore_mem>>)
      %dma_wait3A_214 = tpu.memref_slice %arg19[%mul3A_0] : memref<10240xf32, #tpu.memory_space<vmem_shared>> -> memref<640xf32, #tpu.memory_space<vmem_shared>>
      %dma_wait3A_215 = tpu.memref_slice %arg19[%mul3A_0] : memref<10240xf32, #tpu.memory_space<vmem_shared>> -> memref<640xf32, #tpu.memory_space<vmem_shared>>
      tpu.wait_dma2 semaphore(%run_scoped3A : memref<!tpu.dma_semaphore, #tpu.memory_space<semaphore_mem>>) src(%arg15 : memref<640xf32, #tpu.memory_space<vmem>>) dst(%dma_wait3A_215 : memref<640xf32, #tpu.memory_space<vmem_shared>>)
      tpu.yield
    }) : () -> ()
    "tpu.region"() ({
      %run_scoped3A = tpu.sem_alloc : memref<!tpu.dma_semaphore, #tpu.memory_space<semaphore_mem>>
      %dma_start3A_212 = tpu.memref_slice %arg19[%mul3A_0] : memref<10240xf32, #tpu.memory_space<vmem_shared>> -> memref<640xf32, #tpu.memory_space<vmem_shared>>
      tpu.enqueue_dma source(%dma_start3A_212 : memref<640xf32, #tpu.memory_space<vmem_shared>>) target(%arg16 : memref<640xf32, #tpu.memory_space<smem>>) target_semaphore(%run_scoped3A : memref<!tpu.dma_semaphore, #tpu.memory_space<semaphore_mem>>)
      %dma_wait3A_213 = tpu.memref_slice %arg19[%mul3A_0] : memref<10240xf32, #tpu.memory_space<vmem_shared>> -> memref<640xf32, #tpu.memory_space<vmem_shared>>
      tpu.wait_dma2 semaphore(%run_scoped3A : memref<!tpu.dma_semaphore, #tpu.memory_space<semaphore_mem>>) src(%dma_wait3A_213 : memref<640xf32, #tpu.memory_space<vmem_shared>>) dst(%arg16 : memref<640xf32, #tpu.memory_space<smem>>)
      tpu.yield
    }) : () -> ()
    %dma_wait3A_175 = arith.constant 0 : i32
    %dma_wait3A_176 = tpu.memref_slice %arg4[%mul3A_0, %dma_wait3A_175] : memref<10240x16xf32, #tpu.memory_space<hbm>> -> memref<640x16xf32, #tpu.memory_space<hbm>>
    %dma_wait3A_177 = arith.constant 0 : i32
    %dma_wait3A_178 = tpu.memref_slice %arg4[%mul3A_0, %dma_wait3A_177] : memref<10240x16xf32, #tpu.memory_space<hbm>> -> memref<640x16xf32, #tpu.memory_space<hbm>>
    tpu.wait_dma2 semaphore(%arg24 : memref<!tpu.dma_semaphore, #tpu.memory_space<semaphore_mem>>) src(%dma_wait3A_178 : memref<640x16xf32, #tpu.memory_space<hbm>>) dst(%arg14 : memref<640x16xf32, #tpu.memory_space<vmem>>)
    %scan3A_179 = arith.constant 0 : i32
    %scan3A_180 = arith.constant 0 : i32
    %scan3A_181 = arith.constant 640 : i32
    %scan3A_182 = arith.addi %scan3A_180, %scan3A_181 : i32
    %scan3A_183 = arith.constant 1 : i32
    scf.for %scan3A_212 = %scan3A_180 to %scan3A_182 step %scan3A_183  : i32 {
      %get3A = arith.index_cast %scan3A_212 : i32 to index
      %get3A_213 = arith.constant 0 : index
      %get3A_214 = tpu.vector_load %arg14[%get3A, %get3A_213] {strides = array<i32>} : memref<640x16xf32, #tpu.memory_space<vmem>>, vector<1x16xf32>,
      %get3A_215 = vector.shape_cast %get3A_214 : vector<1x16xf32> to vector<16xf32>
      %get3A_216 = arith.index_cast %scan3A_212 : i32 to index
      %get3A_217 = memref.load %arg16[%get3A_216] : memref<640xf32, #tpu.memory_space<smem>>
      %mul3A_218 = vector.broadcast %get3A_217 : f32 to vector<16xf32>
      %mul3A_219 = arith.mulf %get3A_215, %mul3A_218 : vector<16xf32>
      %swap3A = arith.index_cast %scan3A_212 : i32 to index
      %swap3A_220 = arith.constant 0 : index
      %swap3A_221 = tpu.vector_load %arg14[%swap3A, %swap3A_220] {strides = array<i32>} : memref<640x16xf32, #tpu.memory_space<vmem>>, vector<1x16xf32>,
      %swap3A_222 = vector.shape_cast %swap3A_221 : vector<1x16xf32> to vector<16xf32>
      %swap3A_223 = vector.shape_cast %mul3A_219 : vector<16xf32> to vector<1x16xf32>
      tpu.vector_store %arg14[%swap3A, %swap3A_220], %swap3A_223 {strides = array<i32>} : memref<640x16xf32, #tpu.memory_space<vmem>>, vector<1x16xf32>,
    }
    %scan3A_184 = arith.constant 640 : i32
    "tpu.region"() ({
      %run_scoped3A = tpu.sem_alloc : memref<!tpu.dma_semaphore, #tpu.memory_space<semaphore_mem>>
      %dma_start3A_212 = arith.constant 0 : i32
      %dma_start3A_213 = tpu.memref_slice %arg17[%mul3A_0, %dma_start3A_212] : memref<10240x16xf32, #tpu.memory_space<vmem_shared>> -> memref<640x16xf32, #tpu.memory_space<vmem_shared>>
      %dma_start3A_214 = arith.constant 0 : i32
      %dma_start3A_215 = tpu.memref_slice %arg17[%mul3A_0, %dma_start3A_214] : memref<10240x16xf32, #tpu.memory_space<vmem_shared>> -> memref<640x16xf32, #tpu.memory_space<vmem_shared>>
      tpu.enqueue_dma source(%arg14 : memref<640x16xf32, #tpu.memory_space<vmem>>) target(%dma_start3A_215 : memref<640x16xf32, #tpu.memory_space<vmem_shared>>) target_semaphore(%run_scoped3A : memref<!tpu.dma_semaphore, #tpu.memory_space<semaphore_mem>>)
      %dma_wait3A_216 = arith.constant 0 : i32
      %dma_wait3A_217 = tpu.memref_slice %arg17[%mul3A_0, %dma_wait3A_216] : memref<10240x16xf32, #tpu.memory_space<vmem_shared>> -> memref<640x16xf32, #tpu.memory_space<vmem_shared>>
      %dma_wait3A_218 = arith.constant 0 : i32
      %dma_wait3A_219 = tpu.memref_slice %arg17[%mul3A_0, %dma_wait3A_218] : memref<10240x16xf32, #tpu.memory_space<vmem_shared>> -> memref<640x16xf32, #tpu.memory_space<vmem_shared>>
      tpu.wait_dma2 semaphore(%run_scoped3A : memref<!tpu.dma_semaphore, #tpu.memory_space<semaphore_mem>>) src(%arg14 : memref<640x16xf32, #tpu.memory_space<vmem>>) dst(%dma_wait3A_219 : memref<640x16xf32, #tpu.memory_space<vmem_shared>>)
      tpu.yield
    }) : () -> ()
    %eq3A = arith.constant 0 : i32
    %eq3A_185 = arith.cmpi eq, %arg0, %eq3A : i32
    %convert_element_type3A = arith.extui %eq3A_185 : i1 to i32
    %cond3A = arith.constant 0 : i32
    %cond3A_186 = arith.cmpi ne, %convert_element_type3A, %cond3A : i32
    scf.if %cond3A_186 {
      %dma_start3A_212 = tpu.memref_slice %arg9[%mul3A_0] : memref<10240xf32, #tpu.memory_space<hbm>> -> memref<640xf32, #tpu.memory_space<hbm>>
      %dma_start3A_213 = tpu.memref_slice %arg9[%mul3A_0] : memref<10240xf32, #tpu.memory_space<hbm>> -> memref<640xf32, #tpu.memory_space<hbm>>
      tpu.enqueue_dma source(%arg15 : memref<640xf32, #tpu.memory_space<vmem>>) target(%dma_start3A_213 : memref<640xf32, #tpu.memory_space<hbm>>) target_semaphore(%arg24 : memref<!tpu.dma_semaphore, #tpu.memory_space<semaphore_mem>>)
    } else {
    }
    %barrier3A_187 = arith.constant 0 : index
    tpu.barrier barrier_id(%barrier3A_187)
    %scan3A_188 = arith.constant 0 : i32
    %scan3A_189 = arith.constant 0 : i32
    %scan3A_190 = arith.constant 10 : i32
    %scan3A_191 = arith.addi %scan3A_189, %scan3A_190 : i32
    %scan3A_192 = arith.constant 1 : i32
    scf.for %scan3A_212 = %scan3A_189 to %scan3A_191 step %scan3A_192  : i32 {
      %add3A = arith.constant 0 : i32
      %add3A_213 = arith.addi %add3A, %scan3A_212 : i32
      %dma_start3A_214 = arith.constant 0 : i32
      %dma_start3A_215 = arith.constant 0 : i32
      %dma_start3A_216 = arith.constant 0 : i32
      %dma_start3A_217 = arith.constant 0 : i32
      %dma_start3A_218 = tpu.memref_slice %arg12[%dma_start3A_214, %dma_start3A_215, %dma_start3A_216, %dma_start3A_217] : memref<2x10x128x16xf32, #tpu.memory_space<vmem>> -> memref<1x10x128x16xf32, #tpu.memory_space<vmem>>
      %dma_start3A_219 = tpu.memref_squeeze %dma_start3A_218 : memref<1x10x128x16xf32, #tpu.memory_space<vmem>> -> memref<10x128x16xf32, #tpu.memory_space<vmem>>
      %dma_start3A_220 = arith.constant 0 : i32
      %dma_start3A_221 = arith.constant 0 : i32
      %dma_start3A_222 = tpu.memref_slice %dma_start3A_219[%scan3A_212, %dma_start3A_220, %dma_start3A_221] : memref<10x128x16xf32, #tpu.memory_space<vmem>> -> memref<1x128x16xf32, #tpu.memory_space<vmem>>
      %dma_start3A_223 = tpu.memref_squeeze %dma_start3A_222 : memref<1x128x16xf32, #tpu.memory_space<vmem>> -> memref<128x16xf32, #tpu.memory_space<vmem>>
      %dma_start3A_224 = arith.constant 0 : i32
      %dma_start3A_225 = tpu.memref_slice %arg10[%add3A_213, %dma_start3A_224] : memref<80x128xi32, #tpu.memory_space<vmem>> -> memref<1x128xi32, #tpu.memory_space<vmem>>
      %dma_start3A_226 = tpu.memref_squeeze %dma_start3A_225 : memref<1x128xi32, #tpu.memory_space<vmem>> -> memref<128xi32, #tpu.memory_space<vmem>>
      %dma_start3A_227 = arith.constant 0 : i32
      %dma_start3A_228 = arith.constant 0 : i32
      %dma_start3A_229 = tpu.memref_slice %arg17[%dma_start3A_227, %dma_start3A_228] : memref<10240x16xf32, #tpu.memory_space<vmem_shared>> -> memref<10240x16xf32, #tpu.memory_space<vmem_shared>>
      tpu.enqueue_indirect_dma source(%dma_start3A_229 : memref<10240x16xf32, #tpu.memory_space<vmem_shared>>) target(%dma_start3A_223 : memref<128x16xf32, #tpu.memory_space<vmem>>) offsets(%dma_start3A_226 : memref<128xi32, #tpu.memory_space<vmem>>) semaphore(%arg20 : memref<!tpu.dma_semaphore, #tpu.memory_space<semaphore_mem>>)
    }
    %scan3A_193 = arith.constant 10 : i32
    %scan3A_194 = arith.constant 0 : i32
    %scan3A_195 = arith.constant 0 : i32
    %scan3A_196 = arith.constant 4 : i32
    %scan3A_197 = arith.addi %scan3A_195, %scan3A_196 : i32
    %scan3A_198 = arith.constant 1 : i32
    scf.for %scan3A_212 = %scan3A_195 to %scan3A_197 step %scan3A_198  : i32 {
      %mul3A_213 = arith.constant 2 : i32
      %mul3A_214 = arith.muli %mul3A_213, %scan3A_212 : i32
      %mul3A_215 = arith.constant 10 : i32
      %mul3A_216 = arith.muli %mul3A_214, %mul3A_215 : i32
      %scan3A_217 = arith.constant 0 : i32
      %scan3A_218 = arith.constant 0 : i32
      %scan3A_219 = arith.constant 10 : i32
      %scan3A_220 = arith.addi %scan3A_218, %scan3A_219 : i32
      %scan3A_221 = arith.constant 1 : i32
      scf.for %scan3A_268 = %scan3A_218 to %scan3A_220 step %scan3A_221  : i32 {
        %add3A_269 = arith.addi %mul3A_216, %scan3A_268 : i32
        %dma_wait3A_270 = arith.constant 0 : i32
        %dma_wait3A_271 = arith.constant 0 : i32
        %dma_wait3A_272 = arith.constant 0 : i32
        %dma_wait3A_273 = arith.constant 0 : i32
        %dma_wait3A_274 = tpu.memref_slice %arg12[%dma_wait3A_270, %dma_wait3A_271, %dma_wait3A_272, %dma_wait3A_273] : memref<2x10x128x16xf32, #tpu.memory_space<vmem>> -> memref<1x10x128x16xf32, #tpu.memory_space<vmem>>
        %dma_wait3A_275 = tpu.memref_squeeze %dma_wait3A_274 : memref<1x10x128x16xf32, #tpu.memory_space<vmem>> -> memref<10x128x16xf32, #tpu.memory_space<vmem>>
        %dma_wait3A_276 = arith.constant 0 : i32
        %dma_wait3A_277 = arith.constant 0 : i32
        %dma_wait3A_278 = tpu.memref_slice %dma_wait3A_275[%scan3A_268, %dma_wait3A_276, %dma_wait3A_277] : memref<10x128x16xf32, #tpu.memory_space<vmem>> -> memref<1x128x16xf32, #tpu.memory_space<vmem>>
        %dma_wait3A_279 = tpu.memref_squeeze %dma_wait3A_278 : memref<1x128x16xf32, #tpu.memory_space<vmem>> -> memref<128x16xf32, #tpu.memory_space<vmem>>
        %dma_wait3A_280 = arith.constant 0 : i32
        %dma_wait3A_281 = tpu.memref_slice %arg10[%add3A_269, %dma_wait3A_280] : memref<80x128xi32, #tpu.memory_space<vmem>> -> memref<1x128xi32, #tpu.memory_space<vmem>>
        %dma_wait3A_282 = tpu.memref_squeeze %dma_wait3A_281 : memref<1x128xi32, #tpu.memory_space<vmem>> -> memref<128xi32, #tpu.memory_space<vmem>>
        %dma_wait3A_283 = arith.constant 0 : i32
        %dma_wait3A_284 = arith.constant 0 : i32
        %dma_wait3A_285 = tpu.memref_slice %arg17[%dma_wait3A_283, %dma_wait3A_284] : memref<10240x16xf32, #tpu.memory_space<vmem_shared>> -> memref<10240x16xf32, #tpu.memory_space<vmem_shared>>
        tpu.wait_indirect_dma semaphore(%arg20 : memref<!tpu.dma_semaphore, #tpu.memory_space<semaphore_mem>>) src(%dma_wait3A_285 : memref<10240x16xf32, #tpu.memory_space<vmem_shared>>) dst(%dma_wait3A_279 : memref<128x16xf32, #tpu.memory_space<vmem>>)
      }
      %scan3A_222 = arith.constant 10 : i32
      %scan3A_223 = arith.constant 0 : i32
      %scan3A_224 = arith.constant 0 : i32
      %scan3A_225 = arith.constant 10 : i32
      %scan3A_226 = arith.addi %scan3A_224, %scan3A_225 : i32
      %scan3A_227 = arith.constant 1 : i32
      scf.for %scan3A_268 = %scan3A_224 to %scan3A_226 step %scan3A_227  : i32 {
        %add3A_269 = arith.addi %mul3A_216, %scan3A_268 : i32
        %dma_start3A_270 = arith.constant 0 : i32
        %dma_start3A_271 = arith.constant 0 : i32
        %dma_start3A_272 = arith.constant 0 : i32
        %dma_start3A_273 = arith.constant 0 : i32
        %dma_start3A_274 = tpu.memref_slice %arg12[%dma_start3A_270, %dma_start3A_271, %dma_start3A_272, %dma_start3A_273] : memref<2x10x128x16xf32, #tpu.memory_space<vmem>> -> memref<1x10x128x16xf32, #tpu.memory_space<vmem>>
        %dma_start3A_275 = tpu.memref_squeeze %dma_start3A_274 : memref<1x10x128x16xf32, #tpu.memory_space<vmem>> -> memref<10x128x16xf32, #tpu.memory_space<vmem>>
        %dma_start3A_276 = arith.constant 0 : i32
        %dma_start3A_277 = arith.constant 0 : i32
        %dma_start3A_278 = tpu.memref_slice %dma_start3A_275[%scan3A_268, %dma_start3A_276, %dma_start3A_277] : memref<10x128x16xf32, #tpu.memory_space<vmem>> -> memref<1x128x16xf32, #tpu.memory_space<vmem>>
        %dma_start3A_279 = tpu.memref_squeeze %dma_start3A_278 : memref<1x128x16xf32, #tpu.memory_space<vmem>> -> memref<128x16xf32, #tpu.memory_space<vmem>>
        %dma_start3A_280 = arith.constant 0 : i32
        %dma_start3A_281 = arith.constant 0 : i32
        %dma_start3A_282 = tpu.memref_slice %arg11[%arg0, %dma_start3A_280, %dma_start3A_281] : memref<2x80x128xi32, #tpu.memory_space<vmem>> -> memref<1x80x128xi32, #tpu.memory_space<vmem>>
        %dma_start3A_283 = tpu.memref_squeeze %dma_start3A_282 : memref<1x80x128xi32, #tpu.memory_space<vmem>> -> memref<80x128xi32, #tpu.memory_space<vmem>>
        %dma_start3A_284 = arith.constant 0 : i32
        %dma_start3A_285 = tpu.memref_slice %dma_start3A_283[%add3A_269, %dma_start3A_284] : memref<80x128xi32, #tpu.memory_space<vmem>> -> memref<1x128xi32, #tpu.memory_space<vmem>>
        %dma_start3A_286 = tpu.memref_squeeze %dma_start3A_285 : memref<1x128xi32, #tpu.memory_space<vmem>> -> memref<128xi32, #tpu.memory_space<vmem>>
        %dma_start3A_287 = arith.constant 0 : i32
        %dma_start3A_288 = arith.constant 0 : i32
        %dma_start3A_289 = tpu.memref_slice %arg18[%dma_start3A_287, %dma_start3A_288] : memref<10240x16xf32, #tpu.memory_space<vmem_shared>> -> memref<10240x16xf32, #tpu.memory_space<vmem_shared>>
        tpu.enqueue_indirect_dma source(%dma_start3A_279 : memref<128x16xf32, #tpu.memory_space<vmem>>) target(%dma_start3A_289 : memref<10240x16xf32, #tpu.memory_space<vmem_shared>>) offsets(%dma_start3A_286 : memref<128xi32, #tpu.memory_space<vmem>>) semaphore(%arg22 : memref<!tpu.dma_semaphore, #tpu.memory_space<semaphore_mem>>) {add = true}
      }
      %scan3A_228 = arith.constant 10 : i32
      %gt3A = arith.constant 0 : i32
      %gt3A_229 = arith.cmpi sgt, %mul3A_214, %gt3A : i32
      %convert_element_type3A_230 = arith.extui %gt3A_229 : i1 to i32
      %cond3A_231 = arith.constant 0 : i32
      %cond3A_232 = arith.cmpi ne, %convert_element_type3A_230, %cond3A_231 : i32
      scf.if %cond3A_232 {
        %sub3A = arith.constant 10 : i32
        %sub3A_268 = arith.subi %mul3A_216, %sub3A : i32
        %scan3A_269 = arith.constant 0 : i32
        %scan3A_270 = arith.constant 0 : i32
        %scan3A_271 = arith.constant 10 : i32
        %scan3A_272 = arith.addi %scan3A_270, %scan3A_271 : i32
        %scan3A_273 = arith.constant 1 : i32
        scf.for %scan3A_275 = %scan3A_270 to %scan3A_272 step %scan3A_273  : i32 {
          %add3A_276 = arith.addi %sub3A_268, %scan3A_275 : i32
          %dma_wait3A_277 = arith.constant 1 : i32
          %dma_wait3A_278 = arith.constant 0 : i32
          %dma_wait3A_279 = arith.constant 0 : i32
          %dma_wait3A_280 = arith.constant 0 : i32
          %dma_wait3A_281 = tpu.memref_slice %arg12[%dma_wait3A_277, %dma_wait3A_278, %dma_wait3A_279, %dma_wait3A_280] : memref<2x10x128x16xf32, #tpu.memory_space<vmem>> -> memref<1x10x128x16xf32, #tpu.memory_space<vmem>>
          %dma_wait3A_282 = tpu.memref_squeeze %dma_wait3A_281 : memref<1x10x128x16xf32, #tpu.memory_space<vmem>> -> memref<10x128x16xf32, #tpu.memory_space<vmem>>
          %dma_wait3A_283 = arith.constant 0 : i32
          %dma_wait3A_284 = arith.constant 0 : i32
          %dma_wait3A_285 = tpu.memref_slice %dma_wait3A_282[%scan3A_275, %dma_wait3A_283, %dma_wait3A_284] : memref<10x128x16xf32, #tpu.memory_space<vmem>> -> memref<1x128x16xf32, #tpu.memory_space<vmem>>
          %dma_wait3A_286 = tpu.memref_squeeze %dma_wait3A_285 : memref<1x128x16xf32, #tpu.memory_space<vmem>> -> memref<128x16xf32, #tpu.memory_space<vmem>>
          %dma_wait3A_287 = arith.constant 0 : i32
          %dma_wait3A_288 = arith.constant 0 : i32
          %dma_wait3A_289 = tpu.memref_slice %arg11[%arg0, %dma_wait3A_287, %dma_wait3A_288] : memref<2x80x128xi32, #tpu.memory_space<vmem>> -> memref<1x80x128xi32, #tpu.memory_space<vmem>>
          %dma_wait3A_290 = tpu.memref_squeeze %dma_wait3A_289 : memref<1x80x128xi32, #tpu.memory_space<vmem>> -> memref<80x128xi32, #tpu.memory_space<vmem>>
          %dma_wait3A_291 = arith.constant 0 : i32
          %dma_wait3A_292 = tpu.memref_slice %dma_wait3A_290[%add3A_276, %dma_wait3A_291] : memref<80x128xi32, #tpu.memory_space<vmem>> -> memref<1x128xi32, #tpu.memory_space<vmem>>
          %dma_wait3A_293 = tpu.memref_squeeze %dma_wait3A_292 : memref<1x128xi32, #tpu.memory_space<vmem>> -> memref<128xi32, #tpu.memory_space<vmem>>
          %dma_wait3A_294 = arith.constant 0 : i32
          %dma_wait3A_295 = arith.constant 0 : i32
          %dma_wait3A_296 = tpu.memref_slice %arg18[%dma_wait3A_294, %dma_wait3A_295] : memref<10240x16xf32, #tpu.memory_space<vmem_shared>> -> memref<10240x16xf32, #tpu.memory_space<vmem_shared>>
          tpu.wait_indirect_dma semaphore(%arg23 : memref<!tpu.dma_semaphore, #tpu.memory_space<semaphore_mem>>) src(%dma_wait3A_286 : memref<128x16xf32, #tpu.memory_space<vmem>>) dst(%dma_wait3A_296 : memref<10240x16xf32, #tpu.memory_space<vmem_shared>>)
        }
        %scan3A_274 = arith.constant 10 : i32
      } else {
      }
      %add3A = arith.constant 1 : i32
      %add3A_233 = arith.addi %mul3A_214, %add3A : i32
      %lt3A = arith.constant 8 : i32
      %lt3A_234 = arith.cmpi slt, %add3A_233, %lt3A : i32
      %convert_element_type3A_235 = arith.extui %lt3A_234 : i1 to i32
      %cond3A_236 = arith.constant 0 : i32
      %cond3A_237 = arith.cmpi ne, %convert_element_type3A_235, %cond3A_236 : i32
      scf.if %cond3A_237 {
        %add3A_268 = arith.constant 10 : i32
        %add3A_269 = arith.addi %mul3A_216, %add3A_268 : i32
        %scan3A_270 = arith.constant 0 : i32
        %scan3A_271 = arith.constant 0 : i32
        %scan3A_272 = arith.constant 10 : i32
        %scan3A_273 = arith.addi %scan3A_271, %scan3A_272 : i32
        %scan3A_274 = arith.constant 1 : i32
        scf.for %scan3A_276 = %scan3A_271 to %scan3A_273 step %scan3A_274  : i32 {
          %add3A_277 = arith.addi %add3A_269, %scan3A_276 : i32
          %dma_start3A_278 = arith.constant 1 : i32
          %dma_start3A_279 = arith.constant 0 : i32
          %dma_start3A_280 = arith.constant 0 : i32
          %dma_start3A_281 = arith.constant 0 : i32
          %dma_start3A_282 = tpu.memref_slice %arg12[%dma_start3A_278, %dma_start3A_279, %dma_start3A_280, %dma_start3A_281] : memref<2x10x128x16xf32, #tpu.memory_space<vmem>> -> memref<1x10x128x16xf32, #tpu.memory_space<vmem>>
          %dma_start3A_283 = tpu.memref_squeeze %dma_start3A_282 : memref<1x10x128x16xf32, #tpu.memory_space<vmem>> -> memref<10x128x16xf32, #tpu.memory_space<vmem>>
          %dma_start3A_284 = arith.constant 0 : i32
          %dma_start3A_285 = arith.constant 0 : i32
          %dma_start3A_286 = tpu.memref_slice %dma_start3A_283[%scan3A_276, %dma_start3A_284, %dma_start3A_285] : memref<10x128x16xf32, #tpu.memory_space<vmem>> -> memref<1x128x16xf32, #tpu.memory_space<vmem>>
          %dma_start3A_287 = tpu.memref_squeeze %dma_start3A_286 : memref<1x128x16xf32, #tpu.memory_space<vmem>> -> memref<128x16xf32, #tpu.memory_space<vmem>>
          %dma_start3A_288 = arith.constant 0 : i32
          %dma_start3A_289 = tpu.memref_slice %arg10[%add3A_277, %dma_start3A_288] : memref<80x128xi32, #tpu.memory_space<vmem>> -> memref<1x128xi32, #tpu.memory_space<vmem>>
          %dma_start3A_290 = tpu.memref_squeeze %dma_start3A_289 : memref<1x128xi32, #tpu.memory_space<vmem>> -> memref<128xi32, #tpu.memory_space<vmem>>
          %dma_start3A_291 = arith.constant 0 : i32
          %dma_start3A_292 = arith.constant 0 : i32
          %dma_start3A_293 = tpu.memref_slice %arg17[%dma_start3A_291, %dma_start3A_292] : memref<10240x16xf32, #tpu.memory_space<vmem_shared>> -> memref<10240x16xf32, #tpu.memory_space<vmem_shared>>
          tpu.enqueue_indirect_dma source(%dma_start3A_293 : memref<10240x16xf32, #tpu.memory_space<vmem_shared>>) target(%dma_start3A_287 : memref<128x16xf32, #tpu.memory_space<vmem>>) offsets(%dma_start3A_290 : memref<128xi32, #tpu.memory_space<vmem>>) semaphore(%arg21 : memref<!tpu.dma_semaphore, #tpu.memory_space<semaphore_mem>>)
        }
        %scan3A_275 = arith.constant 10 : i32
      } else {
      }
      %mul3A_238 = arith.constant 2 : i32
      %mul3A_239 = arith.muli %mul3A_238, %scan3A_212 : i32
      %add3A_240 = arith.constant 1 : i32
      %add3A_241 = arith.addi %mul3A_239, %add3A_240 : i32
      %mul3A_242 = arith.constant 10 : i32
      %mul3A_243 = arith.muli %add3A_241, %mul3A_242 : i32
      %scan3A_244 = arith.constant 0 : i32
      %scan3A_245 = arith.constant 0 : i32
      %scan3A_246 = arith.constant 10 : i32
      %scan3A_247 = arith.addi %scan3A_245, %scan3A_246 : i32
      %scan3A_248 = arith.constant 1 : i32
      scf.for %scan3A_268 = %scan3A_245 to %scan3A_247 step %scan3A_248  : i32 {
        %add3A_269 = arith.addi %mul3A_243, %scan3A_268 : i32
        %dma_wait3A_270 = arith.constant 1 : i32
        %dma_wait3A_271 = arith.constant 0 : i32
        %dma_wait3A_272 = arith.constant 0 : i32
        %dma_wait3A_273 = arith.constant 0 : i32
        %dma_wait3A_274 = tpu.memref_slice %arg12[%dma_wait3A_270, %dma_wait3A_271, %dma_wait3A_272, %dma_wait3A_273] : memref<2x10x128x16xf32, #tpu.memory_space<vmem>> -> memref<1x10x128x16xf32, #tpu.memory_space<vmem>>
        %dma_wait3A_275 = tpu.memref_squeeze %dma_wait3A_274 : memref<1x10x128x16xf32, #tpu.memory_space<vmem>> -> memref<10x128x16xf32, #tpu.memory_space<vmem>>
        %dma_wait3A_276 = arith.constant 0 : i32
        %dma_wait3A_277 = arith.constant 0 : i32
        %dma_wait3A_278 = tpu.memref_slice %dma_wait3A_275[%scan3A_268, %dma_wait3A_276, %dma_wait3A_277] : memref<10x128x16xf32, #tpu.memory_space<vmem>> -> memref<1x128x16xf32, #tpu.memory_space<vmem>>
        %dma_wait3A_279 = tpu.memref_squeeze %dma_wait3A_278 : memref<1x128x16xf32, #tpu.memory_space<vmem>> -> memref<128x16xf32, #tpu.memory_space<vmem>>
        %dma_wait3A_280 = arith.constant 0 : i32
        %dma_wait3A_281 = tpu.memref_slice %arg10[%add3A_269, %dma_wait3A_280] : memref<80x128xi32, #tpu.memory_space<vmem>> -> memref<1x128xi32, #tpu.memory_space<vmem>>
        %dma_wait3A_282 = tpu.memref_squeeze %dma_wait3A_281 : memref<1x128xi32, #tpu.memory_space<vmem>> -> memref<128xi32, #tpu.memory_space<vmem>>
        %dma_wait3A_283 = arith.constant 0 : i32
        %dma_wait3A_284 = arith.constant 0 : i32
        %dma_wait3A_285 = tpu.memref_slice %arg17[%dma_wait3A_283, %dma_wait3A_284] : memref<10240x16xf32, #tpu.memory_space<vmem_shared>> -> memref<10240x16xf32, #tpu.memory_space<vmem_shared>>
        tpu.wait_indirect_dma semaphore(%arg21 : memref<!tpu.dma_semaphore, #tpu.memory_space<semaphore_mem>>) src(%dma_wait3A_285 : memref<10240x16xf32, #tpu.memory_space<vmem_shared>>) dst(%dma_wait3A_279 : memref<128x16xf32, #tpu.memory_space<vmem>>)
      }
      %scan3A_249 = arith.constant 10 : i32
      %scan3A_250 = arith.constant 0 : i32
      %scan3A_251 = arith.constant 0 : i32
      %scan3A_252 = arith.constant 10 : i32
      %scan3A_253 = arith.addi %scan3A_251, %scan3A_252 : i32
      %scan3A_254 = arith.constant 1 : i32
      scf.for %scan3A_268 = %scan3A_251 to %scan3A_253 step %scan3A_254  : i32 {
        %add3A_269 = arith.addi %mul3A_243, %scan3A_268 : i32
        %dma_start3A_270 = arith.constant 1 : i32
        %dma_start3A_271 = arith.constant 0 : i32
        %dma_start3A_272 = arith.constant 0 : i32
        %dma_start3A_273 = arith.constant 0 : i32
        %dma_start3A_274 = tpu.memref_slice %arg12[%dma_start3A_270, %dma_start3A_271, %dma_start3A_272, %dma_start3A_273] : memref<2x10x128x16xf32, #tpu.memory_space<vmem>> -> memref<1x10x128x16xf32, #tpu.memory_space<vmem>>
        %dma_start3A_275 = tpu.memref_squeeze %dma_start3A_274 : memref<1x10x128x16xf32, #tpu.memory_space<vmem>> -> memref<10x128x16xf32, #tpu.memory_space<vmem>>
        %dma_start3A_276 = arith.constant 0 : i32
        %dma_start3A_277 = arith.constant 0 : i32
        %dma_start3A_278 = tpu.memref_slice %dma_start3A_275[%scan3A_268, %dma_start3A_276, %dma_start3A_277] : memref<10x128x16xf32, #tpu.memory_space<vmem>> -> memref<1x128x16xf32, #tpu.memory_space<vmem>>
        %dma_start3A_279 = tpu.memref_squeeze %dma_start3A_278 : memref<1x128x16xf32, #tpu.memory_space<vmem>> -> memref<128x16xf32, #tpu.memory_space<vmem>>
        %dma_start3A_280 = arith.constant 0 : i32
        %dma_start3A_281 = arith.constant 0 : i32
        %dma_start3A_282 = tpu.memref_slice %arg11[%arg0, %dma_start3A_280, %dma_start3A_281] : memref<2x80x128xi32, #tpu.memory_space<vmem>> -> memref<1x80x128xi32, #tpu.memory_space<vmem>>
        %dma_start3A_283 = tpu.memref_squeeze %dma_start3A_282 : memref<1x80x128xi32, #tpu.memory_space<vmem>> -> memref<80x128xi32, #tpu.memory_space<vmem>>
        %dma_start3A_284 = arith.constant 0 : i32
        %dma_start3A_285 = tpu.memref_slice %dma_start3A_283[%add3A_269, %dma_start3A_284] : memref<80x128xi32, #tpu.memory_space<vmem>> -> memref<1x128xi32, #tpu.memory_space<vmem>>
        %dma_start3A_286 = tpu.memref_squeeze %dma_start3A_285 : memref<1x128xi32, #tpu.memory_space<vmem>> -> memref<128xi32, #tpu.memory_space<vmem>>
        %dma_start3A_287 = arith.constant 0 : i32
        %dma_start3A_288 = arith.constant 0 : i32
        %dma_start3A_289 = tpu.memref_slice %arg18[%dma_start3A_287, %dma_start3A_288] : memref<10240x16xf32, #tpu.memory_space<vmem_shared>> -> memref<10240x16xf32, #tpu.memory_space<vmem_shared>>
        tpu.enqueue_indirect_dma source(%dma_start3A_279 : memref<128x16xf32, #tpu.memory_space<vmem>>) target(%dma_start3A_289 : memref<10240x16xf32, #tpu.memory_space<vmem_shared>>) offsets(%dma_start3A_286 : memref<128xi32, #tpu.memory_space<vmem>>) semaphore(%arg23 : memref<!tpu.dma_semaphore, #tpu.memory_space<semaphore_mem>>) {add = true}
      }
      %scan3A_255 = arith.constant 10 : i32
      %gt3A_256 = arith.constant 0 : i32
      %gt3A_257 = arith.cmpi sgt, %add3A_241, %gt3A_256 : i32
      %convert_element_type3A_258 = arith.extui %gt3A_257 : i1 to i32
      %cond3A_259 = arith.constant 0 : i32
      %cond3A_260 = arith.cmpi ne, %convert_element_type3A_258, %cond3A_259 : i32
      scf.if %cond3A_260 {
        %sub3A = arith.constant 10 : i32
        %sub3A_268 = arith.subi %mul3A_243, %sub3A : i32
        %scan3A_269 = arith.constant 0 : i32
        %scan3A_270 = arith.constant 0 : i32
        %scan3A_271 = arith.constant 10 : i32
        %scan3A_272 = arith.addi %scan3A_270, %scan3A_271 : i32
        %scan3A_273 = arith.constant 1 : i32
        scf.for %scan3A_275 = %scan3A_270 to %scan3A_272 step %scan3A_273  : i32 {
          %add3A_276 = arith.addi %sub3A_268, %scan3A_275 : i32
          %dma_wait3A_277 = arith.constant 0 : i32
          %dma_wait3A_278 = arith.constant 0 : i32
          %dma_wait3A_279 = arith.constant 0 : i32
          %dma_wait3A_280 = arith.constant 0 : i32
          %dma_wait3A_281 = tpu.memref_slice %arg12[%dma_wait3A_277, %dma_wait3A_278, %dma_wait3A_279, %dma_wait3A_280] : memref<2x10x128x16xf32, #tpu.memory_space<vmem>> -> memref<1x10x128x16xf32, #tpu.memory_space<vmem>>
          %dma_wait3A_282 = tpu.memref_squeeze %dma_wait3A_281 : memref<1x10x128x16xf32, #tpu.memory_space<vmem>> -> memref<10x128x16xf32, #tpu.memory_space<vmem>>
          %dma_wait3A_283 = arith.constant 0 : i32
          %dma_wait3A_284 = arith.constant 0 : i32
          %dma_wait3A_285 = tpu.memref_slice %dma_wait3A_282[%scan3A_275, %dma_wait3A_283, %dma_wait3A_284] : memref<10x128x16xf32, #tpu.memory_space<vmem>> -> memref<1x128x16xf32, #tpu.memory_space<vmem>>
          %dma_wait3A_286 = tpu.memref_squeeze %dma_wait3A_285 : memref<1x128x16xf32, #tpu.memory_space<vmem>> -> memref<128x16xf32, #tpu.memory_space<vmem>>
          %dma_wait3A_287 = arith.constant 0 : i32
          %dma_wait3A_288 = arith.constant 0 : i32
          %dma_wait3A_289 = tpu.memref_slice %arg11[%arg0, %dma_wait3A_287, %dma_wait3A_288] : memref<2x80x128xi32, #tpu.memory_space<vmem>> -> memref<1x80x128xi32, #tpu.memory_space<vmem>>
          %dma_wait3A_290 = tpu.memref_squeeze %dma_wait3A_289 : memref<1x80x128xi32, #tpu.memory_space<vmem>> -> memref<80x128xi32, #tpu.memory_space<vmem>>
          %dma_wait3A_291 = arith.constant 0 : i32
          %dma_wait3A_292 = tpu.memref_slice %dma_wait3A_290[%add3A_276, %dma_wait3A_291] : memref<80x128xi32, #tpu.memory_space<vmem>> -> memref<1x128xi32, #tpu.memory_space<vmem>>
          %dma_wait3A_293 = tpu.memref_squeeze %dma_wait3A_292 : memref<1x128xi32, #tpu.memory_space<vmem>> -> memref<128xi32, #tpu.memory_space<vmem>>
          %dma_wait3A_294 = arith.constant 0 : i32
          %dma_wait3A_295 = arith.constant 0 : i32
          %dma_wait3A_296 = tpu.memref_slice %arg18[%dma_wait3A_294, %dma_wait3A_295] : memref<10240x16xf32, #tpu.memory_space<vmem_shared>> -> memref<10240x16xf32, #tpu.memory_space<vmem_shared>>
          tpu.wait_indirect_dma semaphore(%arg22 : memref<!tpu.dma_semaphore, #tpu.memory_space<semaphore_mem>>) src(%dma_wait3A_286 : memref<128x16xf32, #tpu.memory_space<vmem>>) dst(%dma_wait3A_296 : memref<10240x16xf32, #tpu.memory_space<vmem_shared>>)
        }
        %scan3A_274 = arith.constant 10 : i32
      } else {
      }
      %add3A_261 = arith.constant 1 : i32
      %add3A_262 = arith.addi %add3A_241, %add3A_261 : i32
      %lt3A_263 = arith.constant 8 : i32
      %lt3A_264 = arith.cmpi slt, %add3A_262, %lt3A_263 : i32
      %convert_element_type3A_265 = arith.extui %lt3A_264 : i1 to i32
      %cond3A_266 = arith.constant 0 : i32
      %cond3A_267 = arith.cmpi ne, %convert_element_type3A_265, %cond3A_266 : i32
      scf.if %cond3A_267 {
        %add3A_268 = arith.constant 10 : i32
        %add3A_269 = arith.addi %mul3A_243, %add3A_268 : i32
        %scan3A_270 = arith.constant 0 : i32
        %scan3A_271 = arith.constant 0 : i32
        %scan3A_272 = arith.constant 10 : i32
        %scan3A_273 = arith.addi %scan3A_271, %scan3A_272 : i32
        %scan3A_274 = arith.constant 1 : i32
        scf.for %scan3A_276 = %scan3A_271 to %scan3A_273 step %scan3A_274  : i32 {
          %add3A_277 = arith.addi %add3A_269, %scan3A_276 : i32
          %dma_start3A_278 = arith.constant 0 : i32
          %dma_start3A_279 = arith.constant 0 : i32
          %dma_start3A_280 = arith.constant 0 : i32
          %dma_start3A_281 = arith.constant 0 : i32
          %dma_start3A_282 = tpu.memref_slice %arg12[%dma_start3A_278, %dma_start3A_279, %dma_start3A_280, %dma_start3A_281] : memref<2x10x128x16xf32, #tpu.memory_space<vmem>> -> memref<1x10x128x16xf32, #tpu.memory_space<vmem>>
          %dma_start3A_283 = tpu.memref_squeeze %dma_start3A_282 : memref<1x10x128x16xf32, #tpu.memory_space<vmem>> -> memref<10x128x16xf32, #tpu.memory_space<vmem>>
          %dma_start3A_284 = arith.constant 0 : i32
          %dma_start3A_285 = arith.constant 0 : i32
          %dma_start3A_286 = tpu.memref_slice %dma_start3A_283[%scan3A_276, %dma_start3A_284, %dma_start3A_285] : memref<10x128x16xf32, #tpu.memory_space<vmem>> -> memref<1x128x16xf32, #tpu.memory_space<vmem>>
          %dma_start3A_287 = tpu.memref_squeeze %dma_start3A_286 : memref<1x128x16xf32, #tpu.memory_space<vmem>> -> memref<128x16xf32, #tpu.memory_space<vmem>>
          %dma_start3A_288 = arith.constant 0 : i32
          %dma_start3A_289 = tpu.memref_slice %arg10[%add3A_277, %dma_start3A_288] : memref<80x128xi32, #tpu.memory_space<vmem>> -> memref<1x128xi32, #tpu.memory_space<vmem>>
          %dma_start3A_290 = tpu.memref_squeeze %dma_start3A_289 : memref<1x128xi32, #tpu.memory_space<vmem>> -> memref<128xi32, #tpu.memory_space<vmem>>
          %dma_start3A_291 = arith.constant 0 : i32
          %dma_start3A_292 = arith.constant 0 : i32
          %dma_start3A_293 = tpu.memref_slice %arg17[%dma_start3A_291, %dma_start3A_292] : memref<10240x16xf32, #tpu.memory_space<vmem_shared>> -> memref<10240x16xf32, #tpu.memory_space<vmem_shared>>
          tpu.enqueue_indirect_dma source(%dma_start3A_293 : memref<10240x16xf32, #tpu.memory_space<vmem_shared>>) target(%dma_start3A_287 : memref<128x16xf32, #tpu.memory_space<vmem>>) offsets(%dma_start3A_290 : memref<128xi32, #tpu.memory_space<vmem>>) semaphore(%arg20 : memref<!tpu.dma_semaphore, #tpu.memory_space<semaphore_mem>>)
        }
        %scan3A_275 = arith.constant 10 : i32
      } else {
      }
    }
    %scan3A_199 = arith.constant 4 : i32
    %scan3A_200 = arith.constant 0 : i32
    %scan3A_201 = arith.constant 0 : i32
    %scan3A_202 = arith.constant 10 : i32
    %scan3A_203 = arith.addi %scan3A_201, %scan3A_202 : i32
    %scan3A_204 = arith.constant 1 : i32
    scf.for %scan3A_212 = %scan3A_201 to %scan3A_203 step %scan3A_204  : i32 {
      %add3A = arith.constant 70 : i32
      %add3A_213 = arith.addi %add3A, %scan3A_212 : i32
      %dma_wait3A_214 = arith.constant 1 : i32
      %dma_wait3A_215 = arith.constant 0 : i32
      %dma_wait3A_216 = arith.constant 0 : i32
      %dma_wait3A_217 = arith.constant 0 : i32
      %dma_wait3A_218 = tpu.memref_slice %arg12[%dma_wait3A_214, %dma_wait3A_215, %dma_wait3A_216, %dma_wait3A_217] : memref<2x10x128x16xf32, #tpu.memory_space<vmem>> -> memref<1x10x128x16xf32, #tpu.memory_space<vmem>>
      %dma_wait3A_219 = tpu.memref_squeeze %dma_wait3A_218 : memref<1x10x128x16xf32, #tpu.memory_space<vmem>> -> memref<10x128x16xf32, #tpu.memory_space<vmem>>
      %dma_wait3A_220 = arith.constant 0 : i32
      %dma_wait3A_221 = arith.constant 0 : i32
      %dma_wait3A_222 = tpu.memref_slice %dma_wait3A_219[%scan3A_212, %dma_wait3A_220, %dma_wait3A_221] : memref<10x128x16xf32, #tpu.memory_space<vmem>> -> memref<1x128x16xf32, #tpu.memory_space<vmem>>
      %dma_wait3A_223 = tpu.memref_squeeze %dma_wait3A_222 : memref<1x128x16xf32, #tpu.memory_space<vmem>> -> memref<128x16xf32, #tpu.memory_space<vmem>>
      %dma_wait3A_224 = arith.constant 0 : i32
      %dma_wait3A_225 = arith.constant 0 : i32
      %dma_wait3A_226 = tpu.memref_slice %arg11[%arg0, %dma_wait3A_224, %dma_wait3A_225] : memref<2x80x128xi32, #tpu.memory_space<vmem>> -> memref<1x80x128xi32, #tpu.memory_space<vmem>>
      %dma_wait3A_227 = tpu.memref_squeeze %dma_wait3A_226 : memref<1x80x128xi32, #tpu.memory_space<vmem>> -> memref<80x128xi32, #tpu.memory_space<vmem>>
      %dma_wait3A_228 = arith.constant 0 : i32
      %dma_wait3A_229 = tpu.memref_slice %dma_wait3A_227[%add3A_213, %dma_wait3A_228] : memref<80x128xi32, #tpu.memory_space<vmem>> -> memref<1x128xi32, #tpu.memory_space<vmem>>
      %dma_wait3A_230 = tpu.memref_squeeze %dma_wait3A_229 : memref<1x128xi32, #tpu.memory_space<vmem>> -> memref<128xi32, #tpu.memory_space<vmem>>
      %dma_wait3A_231 = arith.constant 0 : i32
      %dma_wait3A_232 = arith.constant 0 : i32
      %dma_wait3A_233 = tpu.memref_slice %arg18[%dma_wait3A_231, %dma_wait3A_232] : memref<10240x16xf32, #tpu.memory_space<vmem_shared>> -> memref<10240x16xf32, #tpu.memory_space<vmem_shared>>
      tpu.wait_indirect_dma semaphore(%arg23 : memref<!tpu.dma_semaphore, #tpu.memory_space<semaphore_mem>>) src(%dma_wait3A_223 : memref<128x16xf32, #tpu.memory_space<vmem>>) dst(%dma_wait3A_233 : memref<10240x16xf32, #tpu.memory_space<vmem_shared>>)
    }
    %scan3A_205 = arith.constant 10 : i32
    %eq3A_206 = arith.constant 0 : i32
    %eq3A_207 = arith.cmpi eq, %arg0, %eq3A_206 : i32
    %convert_element_type3A_208 = arith.extui %eq3A_207 : i1 to i32
    %cond3A_209 = arith.constant 0 : i32
    %cond3A_210 = arith.cmpi ne, %convert_element_type3A_208, %cond3A_209 : i32
    scf.if %cond3A_210 {
      %dma_wait3A_212 = tpu.memref_slice %arg9[%mul3A_0] : memref<10240xf32, #tpu.memory_space<hbm>> -> memref<640xf32, #tpu.memory_space<hbm>>
      %dma_wait3A_213 = tpu.memref_slice %arg9[%mul3A_0] : memref<10240xf32, #tpu.memory_space<hbm>> -> memref<640xf32, #tpu.memory_space<hbm>>
      tpu.wait_dma2 semaphore(%arg24 : memref<!tpu.dma_semaphore, #tpu.memory_space<semaphore_mem>>) src(%arg15 : memref<640xf32, #tpu.memory_space<vmem>>) dst(%dma_wait3A_213 : memref<640xf32, #tpu.memory_space<hbm>>)
    } else {
    }
    %barrier3A_211 = arith.constant 0 : index
    tpu.barrier barrier_id(%barrier3A_211)
    "tpu.region"() ({
      %run_scoped3A = tpu.sem_alloc : memref<!tpu.dma_semaphore, #tpu.memory_space<semaphore_mem>>
      %dma_start3A_212 = arith.constant 0 : i32
      %dma_start3A_213 = arith.constant 0 : i32
      %dma_start3A_214 = tpu.memref_slice %arg8[%arg0, %dma_start3A_212, %dma_start3A_213] : memref<2x10240x16xf32, #tpu.memory_space<hbm>> -> memref<1x10240x16xf32, #tpu.memory_space<hbm>>
      %dma_start3A_215 = tpu.memref_squeeze %dma_start3A_214 : memref<1x10240x16xf32, #tpu.memory_space<hbm>> -> memref<10240x16xf32, #tpu.memory_space<hbm>>
      %dma_start3A_216 = arith.constant 0 : i32
      %dma_start3A_217 = tpu.memref_slice %dma_start3A_215[%mul3A_0, %dma_start3A_216] : memref<10240x16xf32, #tpu.memory_space<hbm>> -> memref<640x16xf32, #tpu.memory_space<hbm>>
      %dma_start3A_218 = arith.constant 0 : i32
      %dma_start3A_219 = tpu.memref_slice %arg18[%mul3A_0, %dma_start3A_218] : memref<10240x16xf32, #tpu.memory_space<vmem_shared>> -> memref<640x16xf32, #tpu.memory_space<vmem_shared>>
      tpu.enqueue_dma source(%dma_start3A_219 : memref<640x16xf32, #tpu.memory_space<vmem_shared>>) target(%dma_start3A_217 : memref<640x16xf32, #tpu.memory_space<hbm>>) target_semaphore(%run_scoped3A : memref<!tpu.dma_semaphore, #tpu.memory_space<semaphore_mem>>)
      %dma_wait3A_220 = arith.constant 0 : i32
      %dma_wait3A_221 = arith.constant 0 : i32
      %dma_wait3A_222 = tpu.memref_slice %arg8[%arg0, %dma_wait3A_220, %dma_wait3A_221] : memref<2x10240x16xf32, #tpu.memory_space<hbm>> -> memref<1x10240x16xf32, #tpu.memory_space<hbm>>
      %dma_wait3A_223 = tpu.memref_squeeze %dma_wait3A_222 : memref<1x10240x16xf32, #tpu.memory_space<hbm>> -> memref<10240x16xf32, #tpu.memory_space<hbm>>
      %dma_wait3A_224 = arith.constant 0 : i32
      %dma_wait3A_225 = tpu.memref_slice %dma_wait3A_223[%mul3A_0, %dma_wait3A_224] : memref<10240x16xf32, #tpu.memory_space<hbm>> -> memref<640x16xf32, #tpu.memory_space<hbm>>
      %dma_wait3A_226 = arith.constant 0 : i32
      %dma_wait3A_227 = tpu.memref_slice %arg18[%mul3A_0, %dma_wait3A_226] : memref<10240x16xf32, #tpu.memory_space<vmem_shared>> -> memref<640x16xf32, #tpu.memory_space<vmem_shared>>
      tpu.wait_dma2 semaphore(%run_scoped3A : memref<!tpu.dma_semaphore, #tpu.memory_space<semaphore_mem>>) src(%dma_wait3A_227 : memref<640x16xf32, #tpu.memory_space<vmem_shared>>) dst(%dma_wait3A_225 : memref<640x16xf32, #tpu.memory_space<hbm>>)
      tpu.yield
    }) : () -> ()
    return
  }
}

#map = affine_map<(d0, d1) -> (0, 0, 0, 0)>
#map1 = affine_map<(d0, d1) -> (0, 0)>
#map2 = affine_map<(d0, d1) -> (0, 0, 0)>
module attributes {stable_mosaic.version = 14 : i64} {
  func.func @kern(%arg0: i32, %arg1: i32, %arg2: memref<2x16x80x128xi32, #tpu.memory_space<hbm>>, %arg3: memref<2x16x80x128xi32, #tpu.memory_space<hbm>>, %arg4: memref<10000x16xf32, #tpu.memory_space<hbm>>, %arg5: memref<640x16xf32, #tpu.memory_space<hbm>>, %arg6: memref<2x10240x16xf32, #tpu.memory_space<hbm>>, %arg7: memref<80x128xi32, #tpu.memory_space<vmem>>, %arg8: memref<80x128xi32, #tpu.memory_space<vmem>>, %arg9: memref<2x10x128x16xf32, #tpu.memory_space<vmem>>, %arg10: memref<10000x16xf32, #tpu.memory_space<vmem_shared>>, %arg11: memref<10240x16xf32, #tpu.memory_space<vmem_shared>>, %arg12: memref<!tpu.dma_semaphore, #tpu.memory_space<semaphore_mem>>, %arg13: memref<!tpu.dma_semaphore, #tpu.memory_space<semaphore_mem>>, %arg14: memref<!tpu.dma_semaphore, #tpu.memory_space<semaphore_mem>>, %arg15: memref<!tpu.dma_semaphore, #tpu.memory_space<semaphore_mem>>) attributes {dimension_semantics = [#tpu.dimension_semantics<core_parallel>, #tpu.dimension_semantics<subcore_parallel>], iteration_bounds = array<i64: 2, 16>, scalar_prefetch = 0 : i64, scratch_operands = 9 : i64, tpu.core_type = #tpu.core_type<sc_vector_subcore>, window_params = [{transform_indices = #map}, {transform_indices = #map}, {transform_indices = #map1}, {transform_indices = #map1}, {transform_indices = #map2}]} {
    %mul3A = arith.constant 640 : i32
    %mul3A_0 = arith.muli %arg1, %mul3A : i32
    %mul3A_1 = arith.constant 625 : i32
    %mul3A_2 = arith.muli %arg1, %mul3A_1 : i32
    %dma_start3A = arith.constant 0 : i32
    %dma_start3A_3 = tpu.memref_slice %arg10[%mul3A_2, %dma_start3A] : memref<10000x16xf32, #tpu.memory_space<vmem_shared>> -> memref<625x16xf32, #tpu.memory_space<vmem_shared>>
    %dma_start3A_4 = arith.constant 0 : i32
    %dma_start3A_5 = tpu.memref_slice %arg4[%mul3A_2, %dma_start3A_4] : memref<10000x16xf32, #tpu.memory_space<hbm>> -> memref<625x16xf32, #tpu.memory_space<hbm>>
    tpu.enqueue_dma source(%dma_start3A_5 : memref<625x16xf32, #tpu.memory_space<hbm>>) target(%dma_start3A_3 : memref<625x16xf32, #tpu.memory_space<vmem_shared>>) target_semaphore(%arg12 : memref<!tpu.dma_semaphore, #tpu.memory_space<semaphore_mem>>)
    %dma_start3A_6 = arith.constant 0 : i32
    %dma_start3A_7 = tpu.memref_slice %arg11[%mul3A_0, %dma_start3A_6] : memref<10240x16xf32, #tpu.memory_space<vmem_shared>> -> memref<640x16xf32, #tpu.memory_space<vmem_shared>>
    tpu.enqueue_dma source(%arg5 : memref<640x16xf32, #tpu.memory_space<hbm>>) target(%dma_start3A_7 : memref<640x16xf32, #tpu.memory_space<vmem_shared>>) target_semaphore(%arg13 : memref<!tpu.dma_semaphore, #tpu.memory_space<semaphore_mem>>)
    %dma_start3A_8 = arith.constant 0 : i32
    %dma_start3A_9 = arith.constant 0 : i32
    %dma_start3A_10 = arith.constant 0 : i32
    %dma_start3A_11 = tpu.memref_slice %arg2[%arg0, %dma_start3A_8, %dma_start3A_9, %dma_start3A_10] : memref<2x16x80x128xi32, #tpu.memory_space<hbm>> -> memref<1x16x80x128xi32, #tpu.memory_space<hbm>>
    %dma_start3A_12 = tpu.memref_squeeze %dma_start3A_11 : memref<1x16x80x128xi32, #tpu.memory_space<hbm>> -> memref<16x80x128xi32, #tpu.memory_space<hbm>>
    %dma_start3A_13 = arith.constant 0 : i32
    %dma_start3A_14 = arith.constant 0 : i32
    %dma_start3A_15 = tpu.memref_slice %dma_start3A_12[%arg1, %dma_start3A_13, %dma_start3A_14] : memref<16x80x128xi32, #tpu.memory_space<hbm>> -> memref<1x80x128xi32, #tpu.memory_space<hbm>>
    %dma_start3A_16 = tpu.memref_squeeze %dma_start3A_15 : memref<1x80x128xi32, #tpu.memory_space<hbm>> -> memref<80x128xi32, #tpu.memory_space<hbm>>
    %dma_start3A_17 = arith.constant 0 : i32
    %dma_start3A_18 = arith.constant 0 : i32
    %dma_start3A_19 = arith.constant 0 : i32
    %dma_start3A_20 = tpu.memref_slice %arg2[%arg0, %dma_start3A_17, %dma_start3A_18, %dma_start3A_19] : memref<2x16x80x128xi32, #tpu.memory_space<hbm>> -> memref<1x16x80x128xi32, #tpu.memory_space<hbm>>
    %dma_start3A_21 = tpu.memref_squeeze %dma_start3A_20 : memref<1x16x80x128xi32, #tpu.memory_space<hbm>> -> memref<16x80x128xi32, #tpu.memory_space<hbm>>
    %dma_start3A_22 = arith.constant 0 : i32
    %dma_start3A_23 = arith.constant 0 : i32
    %dma_start3A_24 = tpu.memref_slice %dma_start3A_21[%arg1, %dma_start3A_22, %dma_start3A_23] : memref<16x80x128xi32, #tpu.memory_space<hbm>> -> memref<1x80x128xi32, #tpu.memory_space<hbm>>
    %dma_start3A_25 = tpu.memref_squeeze %dma_start3A_24 : memref<1x80x128xi32, #tpu.memory_space<hbm>> -> memref<80x128xi32, #tpu.memory_space<hbm>>
    tpu.enqueue_dma source(%dma_start3A_25 : memref<80x128xi32, #tpu.memory_space<hbm>>) target(%arg7 : memref<80x128xi32, #tpu.memory_space<vmem>>) target_semaphore(%arg14 : memref<!tpu.dma_semaphore, #tpu.memory_space<semaphore_mem>>)
    %dma_start3A_26 = arith.constant 0 : i32
    %dma_start3A_27 = arith.constant 0 : i32
    %dma_start3A_28 = arith.constant 0 : i32
    %dma_start3A_29 = tpu.memref_slice %arg3[%arg0, %dma_start3A_26, %dma_start3A_27, %dma_start3A_28] : memref<2x16x80x128xi32, #tpu.memory_space<hbm>> -> memref<1x16x80x128xi32, #tpu.memory_space<hbm>>
    %dma_start3A_30 = tpu.memref_squeeze %dma_start3A_29 : memref<1x16x80x128xi32, #tpu.memory_space<hbm>> -> memref<16x80x128xi32, #tpu.memory_space<hbm>>
    %dma_start3A_31 = arith.constant 0 : i32
    %dma_start3A_32 = arith.constant 0 : i32
    %dma_start3A_33 = tpu.memref_slice %dma_start3A_30[%arg1, %dma_start3A_31, %dma_start3A_32] : memref<16x80x128xi32, #tpu.memory_space<hbm>> -> memref<1x80x128xi32, #tpu.memory_space<hbm>>
    %dma_start3A_34 = tpu.memref_squeeze %dma_start3A_33 : memref<1x80x128xi32, #tpu.memory_space<hbm>> -> memref<80x128xi32, #tpu.memory_space<hbm>>
    %dma_start3A_35 = arith.constant 0 : i32
    %dma_start3A_36 = arith.constant 0 : i32
    %dma_start3A_37 = arith.constant 0 : i32
    %dma_start3A_38 = tpu.memref_slice %arg3[%arg0, %dma_start3A_35, %dma_start3A_36, %dma_start3A_37] : memref<2x16x80x128xi32, #tpu.memory_space<hbm>> -> memref<1x16x80x128xi32, #tpu.memory_space<hbm>>
    %dma_start3A_39 = tpu.memref_squeeze %dma_start3A_38 : memref<1x16x80x128xi32, #tpu.memory_space<hbm>> -> memref<16x80x128xi32, #tpu.memory_space<hbm>>
    %dma_start3A_40 = arith.constant 0 : i32
    %dma_start3A_41 = arith.constant 0 : i32
    %dma_start3A_42 = tpu.memref_slice %dma_start3A_39[%arg1, %dma_start3A_40, %dma_start3A_41] : memref<16x80x128xi32, #tpu.memory_space<hbm>> -> memref<1x80x128xi32, #tpu.memory_space<hbm>>
    %dma_start3A_43 = tpu.memref_squeeze %dma_start3A_42 : memref<1x80x128xi32, #tpu.memory_space<hbm>> -> memref<80x128xi32, #tpu.memory_space<hbm>>
    tpu.enqueue_dma source(%dma_start3A_43 : memref<80x128xi32, #tpu.memory_space<hbm>>) target(%arg8 : memref<80x128xi32, #tpu.memory_space<vmem>>) target_semaphore(%arg15 : memref<!tpu.dma_semaphore, #tpu.memory_space<semaphore_mem>>)
    %dma_wait3A = arith.constant 0 : i32
    %dma_wait3A_44 = tpu.memref_slice %arg10[%mul3A_2, %dma_wait3A] : memref<10000x16xf32, #tpu.memory_space<vmem_shared>> -> memref<625x16xf32, #tpu.memory_space<vmem_shared>>
    %dma_wait3A_45 = arith.constant 0 : i32
    %dma_wait3A_46 = tpu.memref_slice %arg4[%mul3A_2, %dma_wait3A_45] : memref<10000x16xf32, #tpu.memory_space<hbm>> -> memref<625x16xf32, #tpu.memory_space<hbm>>
    tpu.wait_dma2 semaphore(%arg12 : memref<!tpu.dma_semaphore, #tpu.memory_space<semaphore_mem>>) src(%dma_wait3A_46 : memref<625x16xf32, #tpu.memory_space<hbm>>) dst(%dma_wait3A_44 : memref<625x16xf32, #tpu.memory_space<vmem_shared>>)
    %dma_wait3A_47 = arith.constant 0 : i32
    %dma_wait3A_48 = tpu.memref_slice %arg11[%mul3A_0, %dma_wait3A_47] : memref<10240x16xf32, #tpu.memory_space<vmem_shared>> -> memref<640x16xf32, #tpu.memory_space<vmem_shared>>
    tpu.wait_dma2 semaphore(%arg13 : memref<!tpu.dma_semaphore, #tpu.memory_space<semaphore_mem>>) src(%arg5 : memref<640x16xf32, #tpu.memory_space<hbm>>) dst(%dma_wait3A_48 : memref<640x16xf32, #tpu.memory_space<vmem_shared>>)
    %dma_wait3A_49 = arith.constant 0 : i32
    %dma_wait3A_50 = arith.constant 0 : i32
    %dma_wait3A_51 = arith.constant 0 : i32
    %dma_wait3A_52 = tpu.memref_slice %arg2[%arg0, %dma_wait3A_49, %dma_wait3A_50, %dma_wait3A_51] : memref<2x16x80x128xi32, #tpu.memory_space<hbm>> -> memref<1x16x80x128xi32, #tpu.memory_space<hbm>>
    %dma_wait3A_53 = tpu.memref_squeeze %dma_wait3A_52 : memref<1x16x80x128xi32, #tpu.memory_space<hbm>> -> memref<16x80x128xi32, #tpu.memory_space<hbm>>
    %dma_wait3A_54 = arith.constant 0 : i32
    %dma_wait3A_55 = arith.constant 0 : i32
    %dma_wait3A_56 = tpu.memref_slice %dma_wait3A_53[%arg1, %dma_wait3A_54, %dma_wait3A_55] : memref<16x80x128xi32, #tpu.memory_space<hbm>> -> memref<1x80x128xi32, #tpu.memory_space<hbm>>
    %dma_wait3A_57 = tpu.memref_squeeze %dma_wait3A_56 : memref<1x80x128xi32, #tpu.memory_space<hbm>> -> memref<80x128xi32, #tpu.memory_space<hbm>>
    %dma_wait3A_58 = arith.constant 0 : i32
    %dma_wait3A_59 = arith.constant 0 : i32
    %dma_wait3A_60 = arith.constant 0 : i32
    %dma_wait3A_61 = tpu.memref_slice %arg2[%arg0, %dma_wait3A_58, %dma_wait3A_59, %dma_wait3A_60] : memref<2x16x80x128xi32, #tpu.memory_space<hbm>> -> memref<1x16x80x128xi32, #tpu.memory_space<hbm>>
    %dma_wait3A_62 = tpu.memref_squeeze %dma_wait3A_61 : memref<1x16x80x128xi32, #tpu.memory_space<hbm>> -> memref<16x80x128xi32, #tpu.memory_space<hbm>>
    %dma_wait3A_63 = arith.constant 0 : i32
    %dma_wait3A_64 = arith.constant 0 : i32
    %dma_wait3A_65 = tpu.memref_slice %dma_wait3A_62[%arg1, %dma_wait3A_63, %dma_wait3A_64] : memref<16x80x128xi32, #tpu.memory_space<hbm>> -> memref<1x80x128xi32, #tpu.memory_space<hbm>>
    %dma_wait3A_66 = tpu.memref_squeeze %dma_wait3A_65 : memref<1x80x128xi32, #tpu.memory_space<hbm>> -> memref<80x128xi32, #tpu.memory_space<hbm>>
    tpu.wait_dma2 semaphore(%arg14 : memref<!tpu.dma_semaphore, #tpu.memory_space<semaphore_mem>>) src(%dma_wait3A_66 : memref<80x128xi32, #tpu.memory_space<hbm>>) dst(%arg7 : memref<80x128xi32, #tpu.memory_space<vmem>>)
    %dma_wait3A_67 = arith.constant 0 : i32
    %dma_wait3A_68 = arith.constant 0 : i32
    %dma_wait3A_69 = arith.constant 0 : i32
    %dma_wait3A_70 = tpu.memref_slice %arg3[%arg0, %dma_wait3A_67, %dma_wait3A_68, %dma_wait3A_69] : memref<2x16x80x128xi32, #tpu.memory_space<hbm>> -> memref<1x16x80x128xi32, #tpu.memory_space<hbm>>
    %dma_wait3A_71 = tpu.memref_squeeze %dma_wait3A_70 : memref<1x16x80x128xi32, #tpu.memory_space<hbm>> -> memref<16x80x128xi32, #tpu.memory_space<hbm>>
    %dma_wait3A_72 = arith.constant 0 : i32
    %dma_wait3A_73 = arith.constant 0 : i32
    %dma_wait3A_74 = tpu.memref_slice %dma_wait3A_71[%arg1, %dma_wait3A_72, %dma_wait3A_73] : memref<16x80x128xi32, #tpu.memory_space<hbm>> -> memref<1x80x128xi32, #tpu.memory_space<hbm>>
    %dma_wait3A_75 = tpu.memref_squeeze %dma_wait3A_74 : memref<1x80x128xi32, #tpu.memory_space<hbm>> -> memref<80x128xi32, #tpu.memory_space<hbm>>
    %dma_wait3A_76 = arith.constant 0 : i32
    %dma_wait3A_77 = arith.constant 0 : i32
    %dma_wait3A_78 = arith.constant 0 : i32
    %dma_wait3A_79 = tpu.memref_slice %arg3[%arg0, %dma_wait3A_76, %dma_wait3A_77, %dma_wait3A_78] : memref<2x16x80x128xi32, #tpu.memory_space<hbm>> -> memref<1x16x80x128xi32, #tpu.memory_space<hbm>>
    %dma_wait3A_80 = tpu.memref_squeeze %dma_wait3A_79 : memref<1x16x80x128xi32, #tpu.memory_space<hbm>> -> memref<16x80x128xi32, #tpu.memory_space<hbm>>
    %dma_wait3A_81 = arith.constant 0 : i32
    %dma_wait3A_82 = arith.constant 0 : i32
    %dma_wait3A_83 = tpu.memref_slice %dma_wait3A_80[%arg1, %dma_wait3A_81, %dma_wait3A_82] : memref<16x80x128xi32, #tpu.memory_space<hbm>> -> memref<1x80x128xi32, #tpu.memory_space<hbm>>
    %dma_wait3A_84 = tpu.memref_squeeze %dma_wait3A_83 : memref<1x80x128xi32, #tpu.memory_space<hbm>> -> memref<80x128xi32, #tpu.memory_space<hbm>>
    tpu.wait_dma2 semaphore(%arg15 : memref<!tpu.dma_semaphore, #tpu.memory_space<semaphore_mem>>) src(%dma_wait3A_84 : memref<80x128xi32, #tpu.memory_space<hbm>>) dst(%arg8 : memref<80x128xi32, #tpu.memory_space<vmem>>)
    %barrier3A = arith.constant 0 : index
    tpu.barrier barrier_id(%barrier3A)
    %scan3A = arith.constant 0 : i32
    %scan3A_85 = arith.constant 0 : i32
    %scan3A_86 = arith.constant 10 : i32
    %scan3A_87 = arith.addi %scan3A_85, %scan3A_86 : i32
    %scan3A_88 = arith.constant 1 : i32
    scf.for %scan3A_103 = %scan3A_85 to %scan3A_87 step %scan3A_88  : i32 {
      %add3A = arith.constant 0 : i32
      %add3A_104 = arith.addi %add3A, %scan3A_103 : i32
      %dma_start3A_105 = arith.constant 0 : i32
      %dma_start3A_106 = arith.constant 0 : i32
      %dma_start3A_107 = arith.constant 0 : i32
      %dma_start3A_108 = arith.constant 0 : i32
      %dma_start3A_109 = tpu.memref_slice %arg9[%dma_start3A_105, %dma_start3A_106, %dma_start3A_107, %dma_start3A_108] : memref<2x10x128x16xf32, #tpu.memory_space<vmem>> -> memref<1x10x128x16xf32, #tpu.memory_space<vmem>>
      %dma_start3A_110 = tpu.memref_squeeze %dma_start3A_109 : memref<1x10x128x16xf32, #tpu.memory_space<vmem>> -> memref<10x128x16xf32, #tpu.memory_space<vmem>>
      %dma_start3A_111 = arith.constant 0 : i32
      %dma_start3A_112 = arith.constant 0 : i32
      %dma_start3A_113 = tpu.memref_slice %dma_start3A_110[%scan3A_103, %dma_start3A_111, %dma_start3A_112] : memref<10x128x16xf32, #tpu.memory_space<vmem>> -> memref<1x128x16xf32, #tpu.memory_space<vmem>>
      %dma_start3A_114 = tpu.memref_squeeze %dma_start3A_113 : memref<1x128x16xf32, #tpu.memory_space<vmem>> -> memref<128x16xf32, #tpu.memory_space<vmem>>
      %dma_start3A_115 = arith.constant 0 : i32
      %dma_start3A_116 = tpu.memref_slice %arg7[%add3A_104, %dma_start3A_115] : memref<80x128xi32, #tpu.memory_space<vmem>> -> memref<1x128xi32, #tpu.memory_space<vmem>>
      %dma_start3A_117 = tpu.memref_squeeze %dma_start3A_116 : memref<1x128xi32, #tpu.memory_space<vmem>> -> memref<128xi32, #tpu.memory_space<vmem>>
      %dma_start3A_118 = arith.constant 0 : i32
      %dma_start3A_119 = arith.constant 0 : i32
      %dma_start3A_120 = tpu.memref_slice %arg10[%dma_start3A_118, %dma_start3A_119] : memref<10000x16xf32, #tpu.memory_space<vmem_shared>> -> memref<10000x16xf32, #tpu.memory_space<vmem_shared>>
      tpu.enqueue_indirect_dma source(%dma_start3A_120 : memref<10000x16xf32, #tpu.memory_space<vmem_shared>>) target(%dma_start3A_114 : memref<128x16xf32, #tpu.memory_space<vmem>>) offsets(%dma_start3A_117 : memref<128xi32, #tpu.memory_space<vmem>>) semaphore(%arg12 : memref<!tpu.dma_semaphore, #tpu.memory_space<semaphore_mem>>)
    }
    %scan3A_89 = arith.constant 10 : i32
    %scan3A_90 = arith.constant 0 : i32
    %scan3A_91 = arith.constant 0 : i32
    %scan3A_92 = arith.constant 4 : i32
    %scan3A_93 = arith.addi %scan3A_91, %scan3A_92 : i32
    %scan3A_94 = arith.constant 1 : i32
    scf.for %scan3A_103 = %scan3A_91 to %scan3A_93 step %scan3A_94  : i32 {
      %mul3A_104 = arith.constant 2 : i32
      %mul3A_105 = arith.muli %mul3A_104, %scan3A_103 : i32
      %mul3A_106 = arith.constant 10 : i32
      %mul3A_107 = arith.muli %mul3A_105, %mul3A_106 : i32
      %scan3A_108 = arith.constant 0 : i32
      %scan3A_109 = arith.constant 0 : i32
      %scan3A_110 = arith.constant 10 : i32
      %scan3A_111 = arith.addi %scan3A_109, %scan3A_110 : i32
      %scan3A_112 = arith.constant 1 : i32
      scf.for %scan3A_157 = %scan3A_109 to %scan3A_111 step %scan3A_112  : i32 {
        %add3A_158 = arith.addi %mul3A_107, %scan3A_157 : i32
        %dma_wait3A_159 = arith.constant 0 : i32
        %dma_wait3A_160 = arith.constant 0 : i32
        %dma_wait3A_161 = arith.constant 0 : i32
        %dma_wait3A_162 = arith.constant 0 : i32
        %dma_wait3A_163 = tpu.memref_slice %arg9[%dma_wait3A_159, %dma_wait3A_160, %dma_wait3A_161, %dma_wait3A_162] : memref<2x10x128x16xf32, #tpu.memory_space<vmem>> -> memref<1x10x128x16xf32, #tpu.memory_space<vmem>>
        %dma_wait3A_164 = tpu.memref_squeeze %dma_wait3A_163 : memref<1x10x128x16xf32, #tpu.memory_space<vmem>> -> memref<10x128x16xf32, #tpu.memory_space<vmem>>
        %dma_wait3A_165 = arith.constant 0 : i32
        %dma_wait3A_166 = arith.constant 0 : i32
        %dma_wait3A_167 = tpu.memref_slice %dma_wait3A_164[%scan3A_157, %dma_wait3A_165, %dma_wait3A_166] : memref<10x128x16xf32, #tpu.memory_space<vmem>> -> memref<1x128x16xf32, #tpu.memory_space<vmem>>
        %dma_wait3A_168 = tpu.memref_squeeze %dma_wait3A_167 : memref<1x128x16xf32, #tpu.memory_space<vmem>> -> memref<128x16xf32, #tpu.memory_space<vmem>>
        %dma_wait3A_169 = arith.constant 0 : i32
        %dma_wait3A_170 = tpu.memref_slice %arg7[%add3A_158, %dma_wait3A_169] : memref<80x128xi32, #tpu.memory_space<vmem>> -> memref<1x128xi32, #tpu.memory_space<vmem>>
        %dma_wait3A_171 = tpu.memref_squeeze %dma_wait3A_170 : memref<1x128xi32, #tpu.memory_space<vmem>> -> memref<128xi32, #tpu.memory_space<vmem>>
        %dma_wait3A_172 = arith.constant 0 : i32
        %dma_wait3A_173 = arith.constant 0 : i32
        %dma_wait3A_174 = tpu.memref_slice %arg10[%dma_wait3A_172, %dma_wait3A_173] : memref<10000x16xf32, #tpu.memory_space<vmem_shared>> -> memref<10000x16xf32, #tpu.memory_space<vmem_shared>>
        tpu.wait_indirect_dma semaphore(%arg12 : memref<!tpu.dma_semaphore, #tpu.memory_space<semaphore_mem>>) src(%dma_wait3A_174 : memref<10000x16xf32, #tpu.memory_space<vmem_shared>>) dst(%dma_wait3A_168 : memref<128x16xf32, #tpu.memory_space<vmem>>)
      }
      %scan3A_113 = arith.constant 10 : i32
      %scan3A_114 = arith.constant 0 : i32
      %scan3A_115 = arith.constant 0 : i32
      %scan3A_116 = arith.constant 10 : i32
      %scan3A_117 = arith.addi %scan3A_115, %scan3A_116 : i32
      %scan3A_118 = arith.constant 1 : i32
      scf.for %scan3A_157 = %scan3A_115 to %scan3A_117 step %scan3A_118  : i32 {
        %add3A_158 = arith.addi %mul3A_107, %scan3A_157 : i32
        %dma_start3A_159 = arith.constant 0 : i32
        %dma_start3A_160 = arith.constant 0 : i32
        %dma_start3A_161 = arith.constant 0 : i32
        %dma_start3A_162 = arith.constant 0 : i32
        %dma_start3A_163 = tpu.memref_slice %arg9[%dma_start3A_159, %dma_start3A_160, %dma_start3A_161, %dma_start3A_162] : memref<2x10x128x16xf32, #tpu.memory_space<vmem>> -> memref<1x10x128x16xf32, #tpu.memory_space<vmem>>
        %dma_start3A_164 = tpu.memref_squeeze %dma_start3A_163 : memref<1x10x128x16xf32, #tpu.memory_space<vmem>> -> memref<10x128x16xf32, #tpu.memory_space<vmem>>
        %dma_start3A_165 = arith.constant 0 : i32
        %dma_start3A_166 = arith.constant 0 : i32
        %dma_start3A_167 = tpu.memref_slice %dma_start3A_164[%scan3A_157, %dma_start3A_165, %dma_start3A_166] : memref<10x128x16xf32, #tpu.memory_space<vmem>> -> memref<1x128x16xf32, #tpu.memory_space<vmem>>
        %dma_start3A_168 = tpu.memref_squeeze %dma_start3A_167 : memref<1x128x16xf32, #tpu.memory_space<vmem>> -> memref<128x16xf32, #tpu.memory_space<vmem>>
        %dma_start3A_169 = arith.constant 0 : i32
        %dma_start3A_170 = tpu.memref_slice %arg8[%add3A_158, %dma_start3A_169] : memref<80x128xi32, #tpu.memory_space<vmem>> -> memref<1x128xi32, #tpu.memory_space<vmem>>
        %dma_start3A_171 = tpu.memref_squeeze %dma_start3A_170 : memref<1x128xi32, #tpu.memory_space<vmem>> -> memref<128xi32, #tpu.memory_space<vmem>>
        %dma_start3A_172 = arith.constant 0 : i32
        %dma_start3A_173 = arith.constant 0 : i32
        %dma_start3A_174 = tpu.memref_slice %arg11[%dma_start3A_172, %dma_start3A_173] : memref<10240x16xf32, #tpu.memory_space<vmem_shared>> -> memref<10240x16xf32, #tpu.memory_space<vmem_shared>>
        tpu.enqueue_indirect_dma source(%dma_start3A_168 : memref<128x16xf32, #tpu.memory_space<vmem>>) target(%dma_start3A_174 : memref<10240x16xf32, #tpu.memory_space<vmem_shared>>) offsets(%dma_start3A_171 : memref<128xi32, #tpu.memory_space<vmem>>) semaphore(%arg14 : memref<!tpu.dma_semaphore, #tpu.memory_space<semaphore_mem>>) {add = true}
      }
      %scan3A_119 = arith.constant 10 : i32
      %gt3A = arith.constant 0 : i32
      %gt3A_120 = arith.cmpi sgt, %mul3A_105, %gt3A : i32
      %convert_element_type3A = arith.extui %gt3A_120 : i1 to i32
      %cond3A = arith.constant 0 : i32
      %cond3A_121 = arith.cmpi ne, %convert_element_type3A, %cond3A : i32
      scf.if %cond3A_121 {
        %sub3A = arith.constant 10 : i32
        %sub3A_157 = arith.subi %mul3A_107, %sub3A : i32
        %scan3A_158 = arith.constant 0 : i32
        %scan3A_159 = arith.constant 0 : i32
        %scan3A_160 = arith.constant 10 : i32
        %scan3A_161 = arith.addi %scan3A_159, %scan3A_160 : i32
        %scan3A_162 = arith.constant 1 : i32
        scf.for %scan3A_164 = %scan3A_159 to %scan3A_161 step %scan3A_162  : i32 {
          %add3A_165 = arith.addi %sub3A_157, %scan3A_164 : i32
          %dma_wait3A_166 = arith.constant 1 : i32
          %dma_wait3A_167 = arith.constant 0 : i32
          %dma_wait3A_168 = arith.constant 0 : i32
          %dma_wait3A_169 = arith.constant 0 : i32
          %dma_wait3A_170 = tpu.memref_slice %arg9[%dma_wait3A_166, %dma_wait3A_167, %dma_wait3A_168, %dma_wait3A_169] : memref<2x10x128x16xf32, #tpu.memory_space<vmem>> -> memref<1x10x128x16xf32, #tpu.memory_space<vmem>>
          %dma_wait3A_171 = tpu.memref_squeeze %dma_wait3A_170 : memref<1x10x128x16xf32, #tpu.memory_space<vmem>> -> memref<10x128x16xf32, #tpu.memory_space<vmem>>
          %dma_wait3A_172 = arith.constant 0 : i32
          %dma_wait3A_173 = arith.constant 0 : i32
          %dma_wait3A_174 = tpu.memref_slice %dma_wait3A_171[%scan3A_164, %dma_wait3A_172, %dma_wait3A_173] : memref<10x128x16xf32, #tpu.memory_space<vmem>> -> memref<1x128x16xf32, #tpu.memory_space<vmem>>
          %dma_wait3A_175 = tpu.memref_squeeze %dma_wait3A_174 : memref<1x128x16xf32, #tpu.memory_space<vmem>> -> memref<128x16xf32, #tpu.memory_space<vmem>>
          %dma_wait3A_176 = arith.constant 0 : i32
          %dma_wait3A_177 = tpu.memref_slice %arg8[%add3A_165, %dma_wait3A_176] : memref<80x128xi32, #tpu.memory_space<vmem>> -> memref<1x128xi32, #tpu.memory_space<vmem>>
          %dma_wait3A_178 = tpu.memref_squeeze %dma_wait3A_177 : memref<1x128xi32, #tpu.memory_space<vmem>> -> memref<128xi32, #tpu.memory_space<vmem>>
          %dma_wait3A_179 = arith.constant 0 : i32
          %dma_wait3A_180 = arith.constant 0 : i32
          %dma_wait3A_181 = tpu.memref_slice %arg11[%dma_wait3A_179, %dma_wait3A_180] : memref<10240x16xf32, #tpu.memory_space<vmem_shared>> -> memref<10240x16xf32, #tpu.memory_space<vmem_shared>>
          tpu.wait_indirect_dma semaphore(%arg15 : memref<!tpu.dma_semaphore, #tpu.memory_space<semaphore_mem>>) src(%dma_wait3A_175 : memref<128x16xf32, #tpu.memory_space<vmem>>) dst(%dma_wait3A_181 : memref<10240x16xf32, #tpu.memory_space<vmem_shared>>)
        }
        %scan3A_163 = arith.constant 10 : i32
      } else {
      }
      %add3A = arith.constant 1 : i32
      %add3A_122 = arith.addi %mul3A_105, %add3A : i32
      %lt3A = arith.constant 8 : i32
      %lt3A_123 = arith.cmpi slt, %add3A_122, %lt3A : i32
      %convert_element_type3A_124 = arith.extui %lt3A_123 : i1 to i32
      %cond3A_125 = arith.constant 0 : i32
      %cond3A_126 = arith.cmpi ne, %convert_element_type3A_124, %cond3A_125 : i32
      scf.if %cond3A_126 {
        %add3A_157 = arith.constant 10 : i32
        %add3A_158 = arith.addi %mul3A_107, %add3A_157 : i32
        %scan3A_159 = arith.constant 0 : i32
        %scan3A_160 = arith.constant 0 : i32
        %scan3A_161 = arith.constant 10 : i32
        %scan3A_162 = arith.addi %scan3A_160, %scan3A_161 : i32
        %scan3A_163 = arith.constant 1 : i32
        scf.for %scan3A_165 = %scan3A_160 to %scan3A_162 step %scan3A_163  : i32 {
          %add3A_166 = arith.addi %add3A_158, %scan3A_165 : i32
          %dma_start3A_167 = arith.constant 1 : i32
          %dma_start3A_168 = arith.constant 0 : i32
          %dma_start3A_169 = arith.constant 0 : i32
          %dma_start3A_170 = arith.constant 0 : i32
          %dma_start3A_171 = tpu.memref_slice %arg9[%dma_start3A_167, %dma_start3A_168, %dma_start3A_169, %dma_start3A_170] : memref<2x10x128x16xf32, #tpu.memory_space<vmem>> -> memref<1x10x128x16xf32, #tpu.memory_space<vmem>>
          %dma_start3A_172 = tpu.memref_squeeze %dma_start3A_171 : memref<1x10x128x16xf32, #tpu.memory_space<vmem>> -> memref<10x128x16xf32, #tpu.memory_space<vmem>>
          %dma_start3A_173 = arith.constant 0 : i32
          %dma_start3A_174 = arith.constant 0 : i32
          %dma_start3A_175 = tpu.memref_slice %dma_start3A_172[%scan3A_165, %dma_start3A_173, %dma_start3A_174] : memref<10x128x16xf32, #tpu.memory_space<vmem>> -> memref<1x128x16xf32, #tpu.memory_space<vmem>>
          %dma_start3A_176 = tpu.memref_squeeze %dma_start3A_175 : memref<1x128x16xf32, #tpu.memory_space<vmem>> -> memref<128x16xf32, #tpu.memory_space<vmem>>
          %dma_start3A_177 = arith.constant 0 : i32
          %dma_start3A_178 = tpu.memref_slice %arg7[%add3A_166, %dma_start3A_177] : memref<80x128xi32, #tpu.memory_space<vmem>> -> memref<1x128xi32, #tpu.memory_space<vmem>>
          %dma_start3A_179 = tpu.memref_squeeze %dma_start3A_178 : memref<1x128xi32, #tpu.memory_space<vmem>> -> memref<128xi32, #tpu.memory_space<vmem>>
          %dma_start3A_180 = arith.constant 0 : i32
          %dma_start3A_181 = arith.constant 0 : i32
          %dma_start3A_182 = tpu.memref_slice %arg10[%dma_start3A_180, %dma_start3A_181] : memref<10000x16xf32, #tpu.memory_space<vmem_shared>> -> memref<10000x16xf32, #tpu.memory_space<vmem_shared>>
          tpu.enqueue_indirect_dma source(%dma_start3A_182 : memref<10000x16xf32, #tpu.memory_space<vmem_shared>>) target(%dma_start3A_176 : memref<128x16xf32, #tpu.memory_space<vmem>>) offsets(%dma_start3A_179 : memref<128xi32, #tpu.memory_space<vmem>>) semaphore(%arg13 : memref<!tpu.dma_semaphore, #tpu.memory_space<semaphore_mem>>)
        }
        %scan3A_164 = arith.constant 10 : i32
      } else {
      }
      %mul3A_127 = arith.constant 2 : i32
      %mul3A_128 = arith.muli %mul3A_127, %scan3A_103 : i32
      %add3A_129 = arith.constant 1 : i32
      %add3A_130 = arith.addi %mul3A_128, %add3A_129 : i32
      %mul3A_131 = arith.constant 10 : i32
      %mul3A_132 = arith.muli %add3A_130, %mul3A_131 : i32
      %scan3A_133 = arith.constant 0 : i32
      %scan3A_134 = arith.constant 0 : i32
      %scan3A_135 = arith.constant 10 : i32
      %scan3A_136 = arith.addi %scan3A_134, %scan3A_135 : i32
      %scan3A_137 = arith.constant 1 : i32
      scf.for %scan3A_157 = %scan3A_134 to %scan3A_136 step %scan3A_137  : i32 {
        %add3A_158 = arith.addi %mul3A_132, %scan3A_157 : i32
        %dma_wait3A_159 = arith.constant 1 : i32
        %dma_wait3A_160 = arith.constant 0 : i32
        %dma_wait3A_161 = arith.constant 0 : i32
        %dma_wait3A_162 = arith.constant 0 : i32
        %dma_wait3A_163 = tpu.memref_slice %arg9[%dma_wait3A_159, %dma_wait3A_160, %dma_wait3A_161, %dma_wait3A_162] : memref<2x10x128x16xf32, #tpu.memory_space<vmem>> -> memref<1x10x128x16xf32, #tpu.memory_space<vmem>>
        %dma_wait3A_164 = tpu.memref_squeeze %dma_wait3A_163 : memref<1x10x128x16xf32, #tpu.memory_space<vmem>> -> memref<10x128x16xf32, #tpu.memory_space<vmem>>
        %dma_wait3A_165 = arith.constant 0 : i32
        %dma_wait3A_166 = arith.constant 0 : i32
        %dma_wait3A_167 = tpu.memref_slice %dma_wait3A_164[%scan3A_157, %dma_wait3A_165, %dma_wait3A_166] : memref<10x128x16xf32, #tpu.memory_space<vmem>> -> memref<1x128x16xf32, #tpu.memory_space<vmem>>
        %dma_wait3A_168 = tpu.memref_squeeze %dma_wait3A_167 : memref<1x128x16xf32, #tpu.memory_space<vmem>> -> memref<128x16xf32, #tpu.memory_space<vmem>>
        %dma_wait3A_169 = arith.constant 0 : i32
        %dma_wait3A_170 = tpu.memref_slice %arg7[%add3A_158, %dma_wait3A_169] : memref<80x128xi32, #tpu.memory_space<vmem>> -> memref<1x128xi32, #tpu.memory_space<vmem>>
        %dma_wait3A_171 = tpu.memref_squeeze %dma_wait3A_170 : memref<1x128xi32, #tpu.memory_space<vmem>> -> memref<128xi32, #tpu.memory_space<vmem>>
        %dma_wait3A_172 = arith.constant 0 : i32
        %dma_wait3A_173 = arith.constant 0 : i32
        %dma_wait3A_174 = tpu.memref_slice %arg10[%dma_wait3A_172, %dma_wait3A_173] : memref<10000x16xf32, #tpu.memory_space<vmem_shared>> -> memref<10000x16xf32, #tpu.memory_space<vmem_shared>>
        tpu.wait_indirect_dma semaphore(%arg13 : memref<!tpu.dma_semaphore, #tpu.memory_space<semaphore_mem>>) src(%dma_wait3A_174 : memref<10000x16xf32, #tpu.memory_space<vmem_shared>>) dst(%dma_wait3A_168 : memref<128x16xf32, #tpu.memory_space<vmem>>)
      }
      %scan3A_138 = arith.constant 10 : i32
      %scan3A_139 = arith.constant 0 : i32
      %scan3A_140 = arith.constant 0 : i32
      %scan3A_141 = arith.constant 10 : i32
      %scan3A_142 = arith.addi %scan3A_140, %scan3A_141 : i32
      %scan3A_143 = arith.constant 1 : i32
      scf.for %scan3A_157 = %scan3A_140 to %scan3A_142 step %scan3A_143  : i32 {
        %add3A_158 = arith.addi %mul3A_132, %scan3A_157 : i32
        %dma_start3A_159 = arith.constant 1 : i32
        %dma_start3A_160 = arith.constant 0 : i32
        %dma_start3A_161 = arith.constant 0 : i32
        %dma_start3A_162 = arith.constant 0 : i32
        %dma_start3A_163 = tpu.memref_slice %arg9[%dma_start3A_159, %dma_start3A_160, %dma_start3A_161, %dma_start3A_162] : memref<2x10x128x16xf32, #tpu.memory_space<vmem>> -> memref<1x10x128x16xf32, #tpu.memory_space<vmem>>
        %dma_start3A_164 = tpu.memref_squeeze %dma_start3A_163 : memref<1x10x128x16xf32, #tpu.memory_space<vmem>> -> memref<10x128x16xf32, #tpu.memory_space<vmem>>
        %dma_start3A_165 = arith.constant 0 : i32
        %dma_start3A_166 = arith.constant 0 : i32
        %dma_start3A_167 = tpu.memref_slice %dma_start3A_164[%scan3A_157, %dma_start3A_165, %dma_start3A_166] : memref<10x128x16xf32, #tpu.memory_space<vmem>> -> memref<1x128x16xf32, #tpu.memory_space<vmem>>
        %dma_start3A_168 = tpu.memref_squeeze %dma_start3A_167 : memref<1x128x16xf32, #tpu.memory_space<vmem>> -> memref<128x16xf32, #tpu.memory_space<vmem>>
        %dma_start3A_169 = arith.constant 0 : i32
        %dma_start3A_170 = tpu.memref_slice %arg8[%add3A_158, %dma_start3A_169] : memref<80x128xi32, #tpu.memory_space<vmem>> -> memref<1x128xi32, #tpu.memory_space<vmem>>
        %dma_start3A_171 = tpu.memref_squeeze %dma_start3A_170 : memref<1x128xi32, #tpu.memory_space<vmem>> -> memref<128xi32, #tpu.memory_space<vmem>>
        %dma_start3A_172 = arith.constant 0 : i32
        %dma_start3A_173 = arith.constant 0 : i32
        %dma_start3A_174 = tpu.memref_slice %arg11[%dma_start3A_172, %dma_start3A_173] : memref<10240x16xf32, #tpu.memory_space<vmem_shared>> -> memref<10240x16xf32, #tpu.memory_space<vmem_shared>>
        tpu.enqueue_indirect_dma source(%dma_start3A_168 : memref<128x16xf32, #tpu.memory_space<vmem>>) target(%dma_start3A_174 : memref<10240x16xf32, #tpu.memory_space<vmem_shared>>) offsets(%dma_start3A_171 : memref<128xi32, #tpu.memory_space<vmem>>) semaphore(%arg15 : memref<!tpu.dma_semaphore, #tpu.memory_space<semaphore_mem>>) {add = true}
      }
      %scan3A_144 = arith.constant 10 : i32
      %gt3A_145 = arith.constant 0 : i32
      %gt3A_146 = arith.cmpi sgt, %add3A_130, %gt3A_145 : i32
      %convert_element_type3A_147 = arith.extui %gt3A_146 : i1 to i32
      %cond3A_148 = arith.constant 0 : i32
      %cond3A_149 = arith.cmpi ne, %convert_element_type3A_147, %cond3A_148 : i32
      scf.if %cond3A_149 {
        %sub3A = arith.constant 10 : i32
        %sub3A_157 = arith.subi %mul3A_132, %sub3A : i32
        %scan3A_158 = arith.constant 0 : i32
        %scan3A_159 = arith.constant 0 : i32
        %scan3A_160 = arith.constant 10 : i32
        %scan3A_161 = arith.addi %scan3A_159, %scan3A_160 : i32
        %scan3A_162 = arith.constant 1 : i32
        scf.for %scan3A_164 = %scan3A_159 to %scan3A_161 step %scan3A_162  : i32 {
          %add3A_165 = arith.addi %sub3A_157, %scan3A_164 : i32
          %dma_wait3A_166 = arith.constant 0 : i32
          %dma_wait3A_167 = arith.constant 0 : i32
          %dma_wait3A_168 = arith.constant 0 : i32
          %dma_wait3A_169 = arith.constant 0 : i32
          %dma_wait3A_170 = tpu.memref_slice %arg9[%dma_wait3A_166, %dma_wait3A_167, %dma_wait3A_168, %dma_wait3A_169] : memref<2x10x128x16xf32, #tpu.memory_space<vmem>> -> memref<1x10x128x16xf32, #tpu.memory_space<vmem>>
          %dma_wait3A_171 = tpu.memref_squeeze %dma_wait3A_170 : memref<1x10x128x16xf32, #tpu.memory_space<vmem>> -> memref<10x128x16xf32, #tpu.memory_space<vmem>>
          %dma_wait3A_172 = arith.constant 0 : i32
          %dma_wait3A_173 = arith.constant 0 : i32
          %dma_wait3A_174 = tpu.memref_slice %dma_wait3A_171[%scan3A_164, %dma_wait3A_172, %dma_wait3A_173] : memref<10x128x16xf32, #tpu.memory_space<vmem>> -> memref<1x128x16xf32, #tpu.memory_space<vmem>>
          %dma_wait3A_175 = tpu.memref_squeeze %dma_wait3A_174 : memref<1x128x16xf32, #tpu.memory_space<vmem>> -> memref<128x16xf32, #tpu.memory_space<vmem>>
          %dma_wait3A_176 = arith.constant 0 : i32
          %dma_wait3A_177 = tpu.memref_slice %arg8[%add3A_165, %dma_wait3A_176] : memref<80x128xi32, #tpu.memory_space<vmem>> -> memref<1x128xi32, #tpu.memory_space<vmem>>
          %dma_wait3A_178 = tpu.memref_squeeze %dma_wait3A_177 : memref<1x128xi32, #tpu.memory_space<vmem>> -> memref<128xi32, #tpu.memory_space<vmem>>
          %dma_wait3A_179 = arith.constant 0 : i32
          %dma_wait3A_180 = arith.constant 0 : i32
          %dma_wait3A_181 = tpu.memref_slice %arg11[%dma_wait3A_179, %dma_wait3A_180] : memref<10240x16xf32, #tpu.memory_space<vmem_shared>> -> memref<10240x16xf32, #tpu.memory_space<vmem_shared>>
          tpu.wait_indirect_dma semaphore(%arg14 : memref<!tpu.dma_semaphore, #tpu.memory_space<semaphore_mem>>) src(%dma_wait3A_175 : memref<128x16xf32, #tpu.memory_space<vmem>>) dst(%dma_wait3A_181 : memref<10240x16xf32, #tpu.memory_space<vmem_shared>>)
        }
        %scan3A_163 = arith.constant 10 : i32
      } else {
      }
      %add3A_150 = arith.constant 1 : i32
      %add3A_151 = arith.addi %add3A_130, %add3A_150 : i32
      %lt3A_152 = arith.constant 8 : i32
      %lt3A_153 = arith.cmpi slt, %add3A_151, %lt3A_152 : i32
      %convert_element_type3A_154 = arith.extui %lt3A_153 : i1 to i32
      %cond3A_155 = arith.constant 0 : i32
      %cond3A_156 = arith.cmpi ne, %convert_element_type3A_154, %cond3A_155 : i32
      scf.if %cond3A_156 {
        %add3A_157 = arith.constant 10 : i32
        %add3A_158 = arith.addi %mul3A_132, %add3A_157 : i32
        %scan3A_159 = arith.constant 0 : i32
        %scan3A_160 = arith.constant 0 : i32
        %scan3A_161 = arith.constant 10 : i32
        %scan3A_162 = arith.addi %scan3A_160, %scan3A_161 : i32
        %scan3A_163 = arith.constant 1 : i32
        scf.for %scan3A_165 = %scan3A_160 to %scan3A_162 step %scan3A_163  : i32 {
          %add3A_166 = arith.addi %add3A_158, %scan3A_165 : i32
          %dma_start3A_167 = arith.constant 0 : i32
          %dma_start3A_168 = arith.constant 0 : i32
          %dma_start3A_169 = arith.constant 0 : i32
          %dma_start3A_170 = arith.constant 0 : i32
          %dma_start3A_171 = tpu.memref_slice %arg9[%dma_start3A_167, %dma_start3A_168, %dma_start3A_169, %dma_start3A_170] : memref<2x10x128x16xf32, #tpu.memory_space<vmem>> -> memref<1x10x128x16xf32, #tpu.memory_space<vmem>>
          %dma_start3A_172 = tpu.memref_squeeze %dma_start3A_171 : memref<1x10x128x16xf32, #tpu.memory_space<vmem>> -> memref<10x128x16xf32, #tpu.memory_space<vmem>>
          %dma_start3A_173 = arith.constant 0 : i32
          %dma_start3A_174 = arith.constant 0 : i32
          %dma_start3A_175 = tpu.memref_slice %dma_start3A_172[%scan3A_165, %dma_start3A_173, %dma_start3A_174] : memref<10x128x16xf32, #tpu.memory_space<vmem>> -> memref<1x128x16xf32, #tpu.memory_space<vmem>>
          %dma_start3A_176 = tpu.memref_squeeze %dma_start3A_175 : memref<1x128x16xf32, #tpu.memory_space<vmem>> -> memref<128x16xf32, #tpu.memory_space<vmem>>
          %dma_start3A_177 = arith.constant 0 : i32
          %dma_start3A_178 = tpu.memref_slice %arg7[%add3A_166, %dma_start3A_177] : memref<80x128xi32, #tpu.memory_space<vmem>> -> memref<1x128xi32, #tpu.memory_space<vmem>>
          %dma_start3A_179 = tpu.memref_squeeze %dma_start3A_178 : memref<1x128xi32, #tpu.memory_space<vmem>> -> memref<128xi32, #tpu.memory_space<vmem>>
          %dma_start3A_180 = arith.constant 0 : i32
          %dma_start3A_181 = arith.constant 0 : i32
          %dma_start3A_182 = tpu.memref_slice %arg10[%dma_start3A_180, %dma_start3A_181] : memref<10000x16xf32, #tpu.memory_space<vmem_shared>> -> memref<10000x16xf32, #tpu.memory_space<vmem_shared>>
          tpu.enqueue_indirect_dma source(%dma_start3A_182 : memref<10000x16xf32, #tpu.memory_space<vmem_shared>>) target(%dma_start3A_176 : memref<128x16xf32, #tpu.memory_space<vmem>>) offsets(%dma_start3A_179 : memref<128xi32, #tpu.memory_space<vmem>>) semaphore(%arg12 : memref<!tpu.dma_semaphore, #tpu.memory_space<semaphore_mem>>)
        }
        %scan3A_164 = arith.constant 10 : i32
      } else {
      }
    }
    %scan3A_95 = arith.constant 4 : i32
    %scan3A_96 = arith.constant 0 : i32
    %scan3A_97 = arith.constant 0 : i32
    %scan3A_98 = arith.constant 10 : i32
    %scan3A_99 = arith.addi %scan3A_97, %scan3A_98 : i32
    %scan3A_100 = arith.constant 1 : i32
    scf.for %scan3A_103 = %scan3A_97 to %scan3A_99 step %scan3A_100  : i32 {
      %add3A = arith.constant 70 : i32
      %add3A_104 = arith.addi %add3A, %scan3A_103 : i32
      %dma_wait3A_105 = arith.constant 1 : i32
      %dma_wait3A_106 = arith.constant 0 : i32
      %dma_wait3A_107 = arith.constant 0 : i32
      %dma_wait3A_108 = arith.constant 0 : i32
      %dma_wait3A_109 = tpu.memref_slice %arg9[%dma_wait3A_105, %dma_wait3A_106, %dma_wait3A_107, %dma_wait3A_108] : memref<2x10x128x16xf32, #tpu.memory_space<vmem>> -> memref<1x10x128x16xf32, #tpu.memory_space<vmem>>
      %dma_wait3A_110 = tpu.memref_squeeze %dma_wait3A_109 : memref<1x10x128x16xf32, #tpu.memory_space<vmem>> -> memref<10x128x16xf32, #tpu.memory_space<vmem>>
      %dma_wait3A_111 = arith.constant 0 : i32
      %dma_wait3A_112 = arith.constant 0 : i32
      %dma_wait3A_113 = tpu.memref_slice %dma_wait3A_110[%scan3A_103, %dma_wait3A_111, %dma_wait3A_112] : memref<10x128x16xf32, #tpu.memory_space<vmem>> -> memref<1x128x16xf32, #tpu.memory_space<vmem>>
      %dma_wait3A_114 = tpu.memref_squeeze %dma_wait3A_113 : memref<1x128x16xf32, #tpu.memory_space<vmem>> -> memref<128x16xf32, #tpu.memory_space<vmem>>
      %dma_wait3A_115 = arith.constant 0 : i32
      %dma_wait3A_116 = tpu.memref_slice %arg8[%add3A_104, %dma_wait3A_115] : memref<80x128xi32, #tpu.memory_space<vmem>> -> memref<1x128xi32, #tpu.memory_space<vmem>>
      %dma_wait3A_117 = tpu.memref_squeeze %dma_wait3A_116 : memref<1x128xi32, #tpu.memory_space<vmem>> -> memref<128xi32, #tpu.memory_space<vmem>>
      %dma_wait3A_118 = arith.constant 0 : i32
      %dma_wait3A_119 = arith.constant 0 : i32
      %dma_wait3A_120 = tpu.memref_slice %arg11[%dma_wait3A_118, %dma_wait3A_119] : memref<10240x16xf32, #tpu.memory_space<vmem_shared>> -> memref<10240x16xf32, #tpu.memory_space<vmem_shared>>
      tpu.wait_indirect_dma semaphore(%arg15 : memref<!tpu.dma_semaphore, #tpu.memory_space<semaphore_mem>>) src(%dma_wait3A_114 : memref<128x16xf32, #tpu.memory_space<vmem>>) dst(%dma_wait3A_120 : memref<10240x16xf32, #tpu.memory_space<vmem_shared>>)
    }
    %scan3A_101 = arith.constant 10 : i32
    %barrier3A_102 = arith.constant 0 : index
    tpu.barrier barrier_id(%barrier3A_102)
    "tpu.region"() ({
      %run_scoped3A = tpu.sem_alloc : memref<!tpu.dma_semaphore, #tpu.memory_space<semaphore_mem>>
      %dma_start3A_103 = arith.constant 0 : i32
      %dma_start3A_104 = arith.constant 0 : i32
      %dma_start3A_105 = tpu.memref_slice %arg6[%arg0, %dma_start3A_103, %dma_start3A_104] : memref<2x10240x16xf32, #tpu.memory_space<hbm>> -> memref<1x10240x16xf32, #tpu.memory_space<hbm>>
      %dma_start3A_106 = tpu.memref_squeeze %dma_start3A_105 : memref<1x10240x16xf32, #tpu.memory_space<hbm>> -> memref<10240x16xf32, #tpu.memory_space<hbm>>
      %dma_start3A_107 = arith.constant 0 : i32
      %dma_start3A_108 = tpu.memref_slice %dma_start3A_106[%mul3A_0, %dma_start3A_107] : memref<10240x16xf32, #tpu.memory_space<hbm>> -> memref<640x16xf32, #tpu.memory_space<hbm>>
      %dma_start3A_109 = arith.constant 0 : i32
      %dma_start3A_110 = tpu.memref_slice %arg11[%mul3A_0, %dma_start3A_109] : memref<10240x16xf32, #tpu.memory_space<vmem_shared>> -> memref<640x16xf32, #tpu.memory_space<vmem_shared>>
      tpu.enqueue_dma source(%dma_start3A_110 : memref<640x16xf32, #tpu.memory_space<vmem_shared>>) target(%dma_start3A_108 : memref<640x16xf32, #tpu.memory_space<hbm>>) target_semaphore(%run_scoped3A : memref<!tpu.dma_semaphore, #tpu.memory_space<semaphore_mem>>)
      %dma_wait3A_111 = arith.constant 0 : i32
      %dma_wait3A_112 = arith.constant 0 : i32
      %dma_wait3A_113 = tpu.memref_slice %arg6[%arg0, %dma_wait3A_111, %dma_wait3A_112] : memref<2x10240x16xf32, #tpu.memory_space<hbm>> -> memref<1x10240x16xf32, #tpu.memory_space<hbm>>
      %dma_wait3A_114 = tpu.memref_squeeze %dma_wait3A_113 : memref<1x10240x16xf32, #tpu.memory_space<hbm>> -> memref<10240x16xf32, #tpu.memory_space<hbm>>
      %dma_wait3A_115 = arith.constant 0 : i32
      %dma_wait3A_116 = tpu.memref_slice %dma_wait3A_114[%mul3A_0, %dma_wait3A_115] : memref<10240x16xf32, #tpu.memory_space<hbm>> -> memref<640x16xf32, #tpu.memory_space<hbm>>
      %dma_wait3A_117 = arith.constant 0 : i32
      %dma_wait3A_118 = tpu.memref_slice %arg11[%mul3A_0, %dma_wait3A_117] : memref<10240x16xf32, #tpu.memory_space<vmem_shared>> -> memref<640x16xf32, #tpu.memory_space<vmem_shared>>
      tpu.wait_dma2 semaphore(%run_scoped3A : memref<!tpu.dma_semaphore, #tpu.memory_space<semaphore_mem>>) src(%dma_wait3A_118 : memref<640x16xf32, #tpu.memory_space<vmem_shared>>) dst(%dma_wait3A_116 : memref<640x16xf32, #tpu.memory_space<hbm>>)
      tpu.yield
    }) : () -> ()
    return
  }
}

module attributes {stable_mosaic.version = 14 : i64} {
  func.func @_tc_a(%arg0: memref<10000x128xf32, #tpu.memory_space<vmem>>, %arg1: memref<128x16xf32, #tpu.memory_space<vmem>>, %arg2: memref<10240x16xf32, #tpu.memory_space<vmem>>) attributes {dimension_semantics = [], scalar_prefetch = 0 : i64, scratch_operands = 0 : i64, tpu.core_type = #tpu.core_type<tc>} {
    %get3A = arith.constant 0 : index
    %get3A_0 = arith.constant 0 : index
    %get3A_1 = vector.load %arg0[%get3A, %get3A_0] : memref<10000x128xf32, #tpu.memory_space<vmem>>, vector<10000x128xf32>
    %get3A_2 = arith.constant 0 : index
    %get3A_3 = arith.constant 0 : index
    %get3A_4 = vector.load %arg1[%get3A_2, %get3A_3] : memref<128x16xf32, #tpu.memory_space<vmem>>, vector<128x16xf32>
    %dot_general3A = arith.constant dense<0.000000e+00> : vector<10000x16xf32>
    %dot_general3A_5 = tpu.matmul %get3A_1, %get3A_4, %dot_general3A {dimension_numbers = #tpu.dot_dimension_numbers<[1], [0], [0], [1], [0, 0, 1, 1], [], []>, transpose_lhs_hint = false} : vector<10000x128xf32>, vector<128x16xf32>, vector<10000x16xf32> -> vector<10000x16xf32>
    %swap3A = arith.constant 0 : index
    %swap3A_6 = arith.constant 0 : index
    %swap3A_7 = vector.load %arg2[%swap3A, %swap3A_6] : memref<10240x16xf32, #tpu.memory_space<vmem>>, vector<10000x16xf32>
    tpu.vector_store %arg2[%swap3A, %swap3A_6], %dot_general3A_5 {strides = array<i32>} : memref<10240x16xf32, #tpu.memory_space<vmem>>, vector<10000x16xf32>,
    %broadcast_in_dim3A = arith.constant 0.000000e+00 : f32
    %broadcast_in_dim3A_8 = vector.broadcast %broadcast_in_dim3A : f32 to vector<240x16xf32>
    %swap3A_9 = arith.constant 10000 : index
    %swap3A_10 = arith.constant 0 : index
    %swap3A_11 = vector.load %arg2[%swap3A_9, %swap3A_10] : memref<10240x16xf32, #tpu.memory_space<vmem>>, vector<240x16xf32>
    tpu.vector_store %arg2[%swap3A_9, %swap3A_10], %broadcast_in_dim3A_8 {strides = array<i32>} : memref<10240x16xf32, #tpu.memory_space<vmem>>, vector<240x16xf32>,
    return
  }
}

module attributes {stable_mosaic.version = 14 : i64} {
  func.func @_tc_b(%arg0: memref<2x10240x16xf32, #tpu.memory_space<vmem>>, %arg1: memref<10240x16xf32, #tpu.memory_space<vmem>>, %arg2: memref<10240xf32, #tpu.memory_space<vmem>>, %arg3: memref<1x16xf32, #tpu.memory_space<vmem>>, %arg4: memref<10000x16xf32, #tpu.memory_space<vmem>>) attributes {dimension_semantics = [], scalar_prefetch = 0 : i64, scratch_operands = 0 : i64, tpu.core_type = #tpu.core_type<tc>} {
    %get3A = arith.constant 0 : index
    %get3A_0 = vector.load %arg2[%get3A] : memref<10240xf32, #tpu.memory_space<vmem>>, vector<10000xf32>
    %broadcast_in_dim3A = vector.shape_cast %get3A_0 : vector<10000xf32> to vector<10000x1xf32>
    %get3A_1 = arith.constant 0 : index
    %get3A_2 = arith.constant 0 : index
    %get3A_3 = vector.load %arg1[%get3A_1, %get3A_2] : memref<10240x16xf32, #tpu.memory_space<vmem>>, vector<10000x16xf32>
    %mul3A = vector.broadcast %broadcast_in_dim3A : vector<10000x1xf32> to vector<10000x16xf32>
    %mul3A_4 = arith.mulf %get3A_3, %mul3A : vector<10000x16xf32>
    %get3A_5 = arith.constant 0 : index
    %get3A_6 = arith.constant 0 : index
    %get3A_7 = arith.constant 0 : index
    %get3A_8 = vector.load %arg0[%get3A_5, %get3A_6, %get3A_7] : memref<2x10240x16xf32, #tpu.memory_space<vmem>>, vector<1x10000x16xf32>
    %get3A_9 = vector.shape_cast %get3A_8 : vector<1x10000x16xf32> to vector<10000x16xf32>
    %get3A_10 = arith.constant 1 : index
    %get3A_11 = arith.constant 0 : index
    %get3A_12 = arith.constant 0 : index
    %get3A_13 = vector.load %arg0[%get3A_10, %get3A_11, %get3A_12] : memref<2x10240x16xf32, #tpu.memory_space<vmem>>, vector<1x10000x16xf32>
    %get3A_14 = vector.shape_cast %get3A_13 : vector<1x10000x16xf32> to vector<10000x16xf32>
    %add3A = arith.addf %get3A_9, %get3A_14 : vector<10000x16xf32>
    %add3A_15 = arith.addf %add3A, %mul3A_4 : vector<10000x16xf32>
    %mul3A_16 = vector.broadcast %broadcast_in_dim3A : vector<10000x1xf32> to vector<10000x16xf32>
    %mul3A_17 = arith.mulf %mul3A_16, %add3A_15 : vector<10000x16xf32>
    %get3A_18 = arith.constant 0 : index
    %get3A_19 = arith.constant 0 : index
    %get3A_20 = vector.load %arg3[%get3A_18, %get3A_19] : memref<1x16xf32, #tpu.memory_space<vmem>>, vector<1x16xf32>
    %add3A_21 = vector.broadcast %get3A_20 : vector<1x16xf32> to vector<10000x16xf32>
    %add3A_22 = arith.addf %mul3A_17, %add3A_21 : vector<10000x16xf32>
    %max3A = arith.constant 0.000000e+00 : f32
    %max3A_23 = vector.broadcast %max3A : f32 to vector<10000x16xf32>
    %max3A_24 = arith.maximumf %add3A_22, %max3A_23 : vector<10000x16xf32>
    %mul3A_25 = vector.broadcast %broadcast_in_dim3A : vector<10000x1xf32> to vector<10000x16xf32>
    %mul3A_26 = arith.mulf %mul3A_25, %max3A_24 : vector<10000x16xf32>
    %swap3A = arith.constant 0 : index
    %swap3A_27 = arith.constant 0 : index
    %swap3A_28 = vector.load %arg4[%swap3A, %swap3A_27] : memref<10000x16xf32, #tpu.memory_space<vmem>>, vector<10000x16xf32>
    tpu.vector_store %arg4[%swap3A, %swap3A_27], %mul3A_26 {strides = array<i32>} : memref<10000x16xf32, #tpu.memory_space<vmem>>, vector<10000x16xf32>,
    return
  }
}

module attributes {stable_mosaic.version = 14 : i64} {
  func.func @_tc_c(%arg0: memref<2x10240x16xf32, #tpu.memory_space<vmem>>, %arg1: memref<10000x16xf32, #tpu.memory_space<vmem>>, %arg2: memref<10240xf32, #tpu.memory_space<vmem>>, %arg3: memref<1x40xf32, #tpu.memory_space<vmem>>, %arg4: memref<16x40xf32, #tpu.memory_space<vmem>>, %arg5: memref<10000x40xf32, #tpu.memory_space<vmem>>) attributes {dimension_semantics = [], scalar_prefetch = 0 : i64, scratch_operands = 0 : i64, tpu.core_type = #tpu.core_type<tc>} {
    %get3A = arith.constant 0 : index
    %get3A_0 = vector.load %arg2[%get3A] : memref<10240xf32, #tpu.memory_space<vmem>>, vector<10000xf32>
    %broadcast_in_dim3A = vector.shape_cast %get3A_0 : vector<10000xf32> to vector<10000x1xf32>
    %get3A_1 = arith.constant 0 : index
    %get3A_2 = arith.constant 0 : index
    %get3A_3 = arith.constant 0 : index
    %get3A_4 = vector.load %arg0[%get3A_1, %get3A_2, %get3A_3] : memref<2x10240x16xf32, #tpu.memory_space<vmem>>, vector<1x10000x16xf32>
    %get3A_5 = vector.shape_cast %get3A_4 : vector<1x10000x16xf32> to vector<10000x16xf32>
    %get3A_6 = arith.constant 1 : index
    %get3A_7 = arith.constant 0 : index
    %get3A_8 = arith.constant 0 : index
    %get3A_9 = vector.load %arg0[%get3A_6, %get3A_7, %get3A_8] : memref<2x10240x16xf32, #tpu.memory_space<vmem>>, vector<1x10000x16xf32>
    %get3A_10 = vector.shape_cast %get3A_9 : vector<1x10000x16xf32> to vector<10000x16xf32>
    %add3A = arith.addf %get3A_5, %get3A_10 : vector<10000x16xf32>
    %get3A_11 = arith.constant 0 : index
    %get3A_12 = arith.constant 0 : index
    %get3A_13 = vector.load %arg1[%get3A_11, %get3A_12] : memref<10000x16xf32, #tpu.memory_space<vmem>>, vector<10000x16xf32>
    %add3A_14 = arith.addf %add3A, %get3A_13 : vector<10000x16xf32>
    %mul3A = vector.broadcast %broadcast_in_dim3A : vector<10000x1xf32> to vector<10000x16xf32>
    %mul3A_15 = arith.mulf %mul3A, %add3A_14 : vector<10000x16xf32>
    %get3A_16 = arith.constant 0 : index
    %get3A_17 = arith.constant 0 : index
    %get3A_18 = vector.load %arg4[%get3A_16, %get3A_17] : memref<16x40xf32, #tpu.memory_space<vmem>>, vector<16x40xf32>
    %dot_general3A = arith.constant dense<0.000000e+00> : vector<10000x40xf32>
    %dot_general3A_19 = tpu.matmul %mul3A_15, %get3A_18, %dot_general3A {dimension_numbers = #tpu.dot_dimension_numbers<[1], [0], [0], [1], [0, 0, 1, 1], [], []>, transpose_lhs_hint = false} : vector<10000x16xf32>, vector<16x40xf32>, vector<10000x40xf32> -> vector<10000x40xf32>
    %get3A_20 = arith.constant 0 : index
    %get3A_21 = arith.constant 0 : index
    %get3A_22 = vector.load %arg3[%get3A_20, %get3A_21] : memref<1x40xf32, #tpu.memory_space<vmem>>, vector<1x40xf32>
    %add3A_23 = vector.broadcast %get3A_22 : vector<1x40xf32> to vector<10000x40xf32>
    %add3A_24 = arith.addf %dot_general3A_19, %add3A_23 : vector<10000x40xf32>
    %reduce_max3A = arith.constant dense<0xFF800000> : vector<10000xf32>
    %reduce_max3A_25 = vector.multi_reduction <maximumf>, %add3A_24, %reduce_max3A [1] : vector<10000x40xf32> to vector<10000xf32>
    %broadcast_in_dim3A_26 = vector.shape_cast %reduce_max3A_25 : vector<10000xf32> to vector<10000x1xf32>
    %sub3A = vector.broadcast %broadcast_in_dim3A_26 : vector<10000x1xf32> to vector<10000x40xf32>
    %sub3A_27 = arith.subf %add3A_24, %sub3A : vector<10000x40xf32>
    %exp3A = math.exp %sub3A_27 : vector<10000x40xf32>
    %reduce_sum3A = arith.constant dense<0.000000e+00> : vector<10000xf32>
    %reduce_sum3A_28 = vector.multi_reduction <add>, %exp3A, %reduce_sum3A [1] : vector<10000x40xf32> to vector<10000xf32>
    %broadcast_in_dim3A_29 = vector.shape_cast %reduce_sum3A_28 : vector<10000xf32> to vector<10000x1xf32>
    %log3A = math.log %broadcast_in_dim3A_29 : vector<10000x1xf32>
    %sub3A_30 = vector.broadcast %broadcast_in_dim3A_26 : vector<10000x1xf32> to vector<10000x40xf32>
    %sub3A_31 = arith.subf %add3A_24, %sub3A_30 : vector<10000x40xf32>
    %sub3A_32 = vector.broadcast %log3A : vector<10000x1xf32> to vector<10000x40xf32>
    %sub3A_33 = arith.subf %sub3A_31, %sub3A_32 : vector<10000x40xf32>
    %swap3A = arith.constant 0 : index
    %swap3A_34 = arith.constant 0 : index
    %swap3A_35 = vector.load %arg5[%swap3A, %swap3A_34] : memref<10000x40xf32, #tpu.memory_space<vmem>>, vector<10000x40xf32>
    tpu.vector_store %arg5[%swap3A, %swap3A_34], %sub3A_33 {strides = array<i32>} : memref<10000x40xf32, #tpu.memory_space<vmem>>, vector<10000x40xf32>,
    return
  }
}

</mosaic_0001>

<sc_bundles>
// kernel: kernel.10.cloned.1.call-start
scs
__scs_entry_jumppad:
0x0: {  	(pc) =	sbr.rel $0x88, $3  }
0x1: {  	(tag) =	ssettag $0x0;
	lr =	simm.s32 $0x1  }
0x2: {  	[smem:$0x3F9B] =	sst lr;
	_ =	strace $0xD0000000  }
0x3: {  	_ = 	snop  }
0x4: {  	_ = 	snop  }
0x5: {  	_ = 	snop  }
0x6: {  	_ = 	snop  }
0x7: {  	_ = 	snop  }
__scs_overlays_trampoline_lowered:
0x8: {  	[smem:$0x3FAA] =	sst s0  }
0x9: {  	[smem:$0x3FAB] =	sst s1  }
0xa: {  	[smem:$0x3FAC] =	sst s2  }
0xb: {  	[smem:$0x3FAD] =	sst s3  }
0xc: {  	[smem:$0x3FAE] =	sst s4  }
0xd: {  	[smem:$0x3FAF] =	sst s5  }
0xe: {  	[smem:$0x3FB0] =	sst s6  }
0xf: {  	[smem:$0x3FB1] =	sst s7  }
0x10: {  	[smem:$0x3FB2] =	sst s8  }
0x11: {  	[smem:$0x3FB3] =	sst s9;
	s0 =	simm.s32 @!p0 $0x0  }
0x12: {  	s1 =	sld [smem:$0x3F99];
	s0 =	simm.s32 @p0 $0x1  }
0x13: {  	[smem:$0x3FB4] =	sst s0;
	s0 =	simm.s32 @!p1 $0x0  }
0x14: {  	s2 =	sld [smem:$0x3F98];
	s0 =	simm.s32 @p1 $0x1  }
0x15: {  	[smem:$0x3FB5] =	sst s0;
	s0 =	simm.s32 @!p2 $0x0  }
0x16: {  	s3 =	sld [smem:$0x3FDB];
	s0 =	simm.s32 @p2 $0x1  }
0x17: {  	s4 =	simm.s32 $0x1BF5;
	[smem:$0x3FB7] =	sst s0  }
0x18: {  	s0 =	sld [smem:$0x3F9A];
	_ =	swait.ge [sflag:s4], $0x0  }
0x19: {  	s7 =	sld [smem:$0x3F9B]  }
0x1a: {  	s8 =	sadd.s32 $0xFFFFE003, lr  }
0x1b: {  	s9 =	sadd.s32 $0xFFFFFEF7, lr;
	s5 =	simm.s32 $0xFFFFFFFF;
	p2 =	slt.u32 s8, $0xFFFFF086  }
0x1c: {  	p1 =	slt.u32 s9, $0xF7A;
	s5 =	simm.s32 @!p2 $0x0  }
0x1d: {  	s5 =	simm.s32 @p1 $0x1;
	p0 =	seq.s32 s7, s2  }
0x1e: {  	s7 =	smul.u32 @!p0 $0xF7A, s2;
	p2 =	seq.s32 @!p0 s5, $0x0  }
0x1f: {  	s9 =	smul.u32 $0xF7A, s1;
	s8 =	simm.s32 @!p0 $0x1BF5;
	p2 =	por !p2, p0  }
0x20: {  	[sflag:s8] =	ssyncset.s32 @!p0 $0xFFFFF086;
	s6 =	sadd.s32 @!p0 s3, s7;
	s7 =	simm.s32 @!p0 $0x108  }
0x21: {  	s3 =	sadd.s32 s3, s9;
	s6 =	sadd.s32 @!p0 $0x88, s6;
	s7 =	simm.s32 @p2 $0x1082  }
0x22: {  	[simem:s7], [sflag:s8] =	dma.local @!p0 [hbm:s6], $0xF7A  }
0x23: {  	s9 =	sor.u32 $0xD0000000, s2;
	s6 =	simm.s32 $0x108;
	_ =	swait.ge @!p0 [sflag:s8], $0x0  }
0x24: {  	s3 =	sadd.s32 $0x88, s3;
	s6 =	simm.s32 @!p1 $0x1082;
	[sflag:s4] =	ssyncset.s32 $0xFFFFF086  }
0x25: {  	[simem:s6], [sflag:s4] =	dma.local [hbm:s3], $0xF7A  }
0x26: {  	[smem:$0x3F9B] =	sst s1;
	(tag) =	ssettag s2;
	_ =	strace s9  }
0x27: {  	s1 =	sld [smem:$0x3FAB]  }
0x28: {  	s2 =	sld [smem:$0x3FAC]  }
0x29: {  	s4 =	sld [smem:$0x3FAE]  }
0x2a: {  	p0 =	seq.s32 s5, $0x0;
	s5 =	sld [smem:$0x3FAF]  }
0x2b: {  	s6 =	sld [smem:$0x3FB0]  }
0x2c: {  	s7 =	sld [smem:$0x3FB1]  }
0x2d: {  	s3 =	simm.s32 $0x108;
	s8 =	sld [smem:$0x3FB2]  }
0x2e: {  	s3 =	simm.s32 @!p0 $0x1082;
	s9 =	sld [smem:$0x3FB3]  }
0x2f: {  	lr =	sadd.s32 s0, s3;
	s0 =	sld [smem:$0x3FAA]  }
0x30: {  	s3 =	sld [smem:$0x3FAD]  }
0x31: {  	[smem:$0x3FB6] =	sst s10  }
0x32: {  	s10 =	sld [smem:$0x3FB4];
	_ =	sdelay $0x3  }
0x33: {  	p0 =	seq.s32 s10, $0x1;
	s10 =	sld [smem:$0x3FB6];
	_ =	sdelay $0x3  }
0x34: {  	[smem:$0x3FB6] =	sst s10  }
0x35: {  	s10 =	sld [smem:$0x3FB5];
	_ =	sdelay $0x3  }
0x36: {  	p1 =	seq.s32 s10, $0x1;
	s10 =	sld [smem:$0x3FB6];
	_ =	sdelay $0x3  }
0x37: {  	[smem:$0x3FB6] =	sst s10  }
0x38: {  	s10 =	sld [smem:$0x3FB7]  }
0x39: {  	_ = 	snop;
	(pc) =	sbr.ind lr, $3  }
0x3a: {  	_ = 	snop  }
0x3b: {  	_ = 	snop  }
0x3c: {  	p2 =	seq.s32 s10, $0x1;
	s10 =	sld [smem:$0x3FB6]  }
0x3d: {  	_ =	shalt  }
0x3e: {  	_ =	shalt  }
0x3f: {  	_ =	shalt  }
0x40: {  	_ =	shalt  }
0x41: {  	_ =	shalt  }
0x42: {  	_ =	shalt  }
0x43: {  	_ =	shalt  }
0x44: {  	_ =	shalt  }
0x45: {  	_ =	shalt  }
0x46: {  	_ =	shalt  }
0x47: {  	_ =	shalt  }
0x48: {  	_ =	shalt  }
0x49: {  	_ =	shalt  }
0x4a: {  	_ =	shalt  }
0x4b: {  	_ =	shalt  }
0x4c: {  	_ =	shalt  }
0x4d: {  	_ =	shalt  }
0x4e: {  	_ =	shalt  }
0x4f: {  	_ =	shalt  }
0x50: {  	_ =	shalt  }
0x51: {  	_ =	shalt  }
0x52: {  	_ =	shalt  }
0x53: {  	_ =	shalt  }
0x54: {  	_ =	shalt  }
0x55: {  	_ =	shalt  }
0x56: {  	_ =	shalt  }
0x57: {  	_ =	shalt  }
0x58: {  	_ =	shalt  }
0x59: {  	_ =	shalt  }
0x5a: {  	_ =	shalt  }
0x5b: {  	_ =	shalt  }
0x5c: {  	_ =	shalt  }
0x5d: {  	_ =	shalt  }
0x5e: {  	_ =	shalt  }
0x5f: {  	_ =	shalt  }
0x60: {  	_ =	shalt  }
0x61: {  	_ =	shalt  }
0x62: {  	_ =	shalt  }
0x63: {  	_ =	shalt  }
0x64: {  	_ =	shalt  }
0x65: {  	_ =	shalt  }
0x66: {  	_ =	shalt  }
0x67: {  	_ =	shalt  }
0x68: {  	_ =	shalt  }
0x69: {  	_ =	shalt  }
0x6a: {  	_ =	shalt  }
0x6b: {  	_ =	shalt  }
0x6c: {  	_ =	shalt  }
0x6d: {  	_ =	shalt  }
0x6e: {  	_ =	shalt  }
0x6f: {  	_ =	shalt  }
0x70: {  	_ =	shalt  }
0x71: {  	_ =	shalt  }
0x72: {  	_ =	shalt  }
0x73: {  	_ =	shalt  }
0x74: {  	_ =	shalt  }
0x75: {  	_ =	shalt  }
0x76: {  	_ =	shalt  }
0x77: {  	_ =	shalt  }
0x78: {  	_ =	shalt  }
0x79: {  	_ =	shalt  }
0x7a: {  	_ =	shalt  }
0x7b: {  	_ =	shalt  }
0x7c: {  	_ =	shalt  }
0x7d: {  	_ =	shalt  }
0x7e: {  	_ =	shalt  }
0x7f: {  	_ =	shalt  }
0x80: {  	_ =	shalt  }
0x81: {  	_ =	shalt  }
0x82: {  	_ =	shalt  }
0x83: {  	_ =	shalt  }
0x84: {  	_ =	shalt  }
0x85: {  	_ =	shalt  }
0x86: {  	_ =	shalt  }
0x87: {  	_ =	shalt  }
.Lfunc_end0:
.L_simem_size_0:
called_computation.1_lowered:
.L_overlay_start_0:
0x88: {  	s2 =	sld [smem:$0x3FD9]  }
0x89: {  	s3 =	sld [smem:$0x3FFE];
	_ =	sdelay $0x1  }
0x8a: {  	s1 =	srdreg.scid  }
0x8b: {  	s0 =	sand.u32 $0x1, s1  }
0x8c: {  	s17 =	sshll.u32 s0, $0xA;
	s2 =	sadd.s32 s3, s2  }
0x8d: {  	s2 =	sadd.s32 s2, s17  }
0x8e: {  	[smem:$0x3FC2] =	sst s2  }
0x8f: {  	_ = 	snop  }
0x90: {  	s2 =	sld [smem:$0x3FD0];
	(tm) =	ssettm $0x1  }
0x91: {  	s18 =	sld [smem:$0x3FFB];
	_ =	sdelay $0x3  }
0x92: {  	_ =	strace s18  }
0x93: {  	s3 =	sld [smem:$0x3FFC];
	_ =	sdelay $0x3  }
0x94: {  	_ =	strace s3  }
0x95: {  	s3 =	sld [smem:$0x3FFD];
	_ =	sdelay $0x3  }
0x96: {  	_ =	strace s3  }
0x97: {  	_ =	strace $0x8FFFFFFF  }
0x98: {  	s19 =	sld [smem:$0x3FDB];
	_ =	sdelay $0x1  }
0x99: {  	s4 =	simm.s32 $_scs_section_size  }
0x9a: {  	s5 =	simm.s32 $_size__tile_overlayer_lowered;
	s6 =	simm.s32 $_tile_overlayer_lowered  }
0x9b: {  	s22 =	simm.s32 $0x1BFF;
	s21 =	sshll.u32 s6, $0x1;
	s3 =	sadd.s32 s4, s19  }
0x9c: {  	s7 =	simm.s32 $0x0;
	s20 =	sshll.u32 s5, $0x1;
	s5 =	sadd.s32 s21, s3  }
0x9d: {  	[timem:s7], [sflag:s22] =	dma.local [hbm:s5], s20  }
0x9e: {  	_ =	swait.ge [sflag:s22], s20  }
0x9f: {  	s4 =	ssub.s32 $0x0, s20;
	[sflag:s22] =	ssyncset.done $0x0  }
0xa0: {  	[sflag:s22] =	ssyncadd.s32 s4;
	_ =	sdelay $0x1  }
0xa1: {  	s23 =	simm.s32 $0x1B8B  }
0xa2: {  	_ =	swait.ge [sflag:s23], $0x1  }
0xa3: {  	[sflag:s23] =	ssyncset.done $0x0  }
0xa4: {  	s25 =	simm.s32 $0x1B8E;
	s24 =	sld [smem:$0x3FFE];
	[sflag:s23] =	ssyncadd.s32 $0xFFFFFFFF  }
0xa5: {  	s26 =	simm.s32 $execute0_lowered;
	[smem:$0x3FD2] =	sst s25  }
0xa6: {  	s5 =	sshll.u32 s26, $0x1;
	_ =	strace $0x80000049;
	[dreg:$0x1] =	wrdreg $0xFFFFFFFF  }
0xa7: {  	s28 =	simm.s32 $_size_execute0_lowered;
	s3 =	sadd.s32 s3, s5;
	[dreg:$0x0] =	wrdreg $0x0  }
0xa8: {  	s5 =	sshll.u32 s28, $0x1;
	[dreg:$0x2] =	wrdreg s3  }
0xa9: {  	[dreg:$0x3] =	wrdreg s5  }
0xaa: {  	[dreg:$0x4] =	wrdreg $0xC0  }
0xab: {  	_ =	task [dreg:s7], $0x5FFFF  }
0xac: {  	[dreg:$0x1] =	wrdreg $0xFFFFFFFF  }
0xad: {  	[dreg:$0x0] =	wrdreg $0x60  }
0xae: {  	[dreg:$0x2] =	wrdreg s2  }
0xaf: {  	[dreg:$0x3] =	wrdreg s24  }
0xb0: {  	[dreg:$0x4] =	wrdreg $0xF0000  }
0xb1: {  	[dreg:$0x5] =	wrdreg $0x117100  }
0xb2: {  	[dreg:$0x6] =	wrdreg $0x9  }
0xb3: {  	_ =	task.clear_ibuf [dreg:s7], $0x7FFFF;
	_ =	strace $0x90000049  }
0xb4: {  	s29 =	simm.s32 $0x9;
	_ =	strace $0x8000004B  }
0xb5: {  	_ =	swait.ge [sflag:s29], $0x1  }
0xb6: {  	[sflag:s29] =	ssyncadd.s32 $0xFFFFFFFF  }
0xb7: {  	_ =	strace $0x9000004B  }
0xb8: {  	_ =	sfence  }
0xb9: {  	s30 =	sld [smem:$0x0];
	_ =	sdelay $0x2  }
0xba: {  	s31 =	sshll.u32 s1, $0xD;
	s1 =	sshrl.u32 s1, $0x2  }
0xbb: {  	s3 =	sand.u32 $0x4000, s31;
	s1 =	sadd.s32 s1, s30  }
0xbc: {  	s0 =	sor.u32 s3, s0;
	s1 =	sshll.u32 s1, $0x11  }
0xbd: {  	s0 =	sor.u32 s1, s0  }
0xbe: {  	s0 =	sadd.s32 $0x8F2B, s0  }
0xbf: {  	[sflag:s0] =	ssyncadd.remote.s32 $0x1  }
0xc0: {  	_ =	sfence.sel $0xFFFF  }
0xc1: {  	[dreg:$0x0] =	wrdreg $0xFFFFFFFF;
	(pc) =	sbr.abs _section_cstart, $3  }
0xc2: {  	[dreg:$0x1] =	wrdreg $0xFFFFFFFF  }
0xc3: {  	_ =	task.clear_ibuf [dreg:s7], $0x2FFFF;
	_ =	strace $0x9FFFFFFF  }
0xc4: {  	(tm) =	ssettm $0x7FFFFFFF  }
0xc5: {  	_ =	shalt  }
tec
execute0_lowered:
.L_overlay_start_1:
0x0: {  	(tag) =	ssettag $0x1  }
0x1: {  	s0 =	rddreg [dreg:$0x0]  }
0x2: {  	s1 =	rddreg [dreg:$0x1]  }
0x3: {  	s2 =	rddreg [dreg:$0x2]  }
0x4: {  	s3 =	rddreg [dreg:$0x3];
	s10 =	stileid.u32  }
0x5: {  	s6 =	simm.s32 $0x0;
	s5 =	srdreg.scid;
	s16 =	simm.s32 $0x1  }
0x6: {  	s17 =	simm.s32 $0x2;
	s28 =	simm.s32 $0x6800;
	s30 =	simm.s32 $0x7000  }
0x7: {  	s15 =	simm.s32 $0x8000;
	s31 =	simm.s32 $0x9000;
	s29 =	simm.s32 $0xA000  }
0x8: {  	s13 =	simm.s32 $0xE000;
	s14 =	simm.s32 $0xE800;
	s4 =	smul.u32 $0x2710, s10  }
0x9: {  	[smem:$0x7FF] =	sst s6;
	s5 =	sand.u32 $0x1, s5;
	s9 =	smul.u32 $0x2800, s10  }
0xa: {  	s8 =	sadd.s32 $0x10400, s1;
	s11 =	sshll.u32 s10, $0x6;
	s22 =	smul.u32 $0x500, s10  }
0xb: {  	s10 =	simm.s32 $0xD000;
	_ =	strace $0x8000004A;
	s7 =	smul.u32 $0x5000, s5  }
0xc: {  	[dreg:$0x5] =	wrdreg s8;
	s5 =	ssub.s32 $0x2, s5;
	s20 =	sor.u32 $0x1C01, s11  }
0xd: {  	[dreg:$0x6] =	wrdreg s11;
	s24 =	sor.u32 $0x1C02, s11;
	s8 =	simm.s32 $0xC000  }
0xe: {  	s11 =	simm.s32 $0xD800;
	s18 =	sshrl.u32 s4, $0x3;
	s19 =	sshrl.u32 s5, $0x1  }
0xf: {  	s4 =	sadd.s32 s4, s2;
	[dreg:$0x8] =	wrdreg s20;
	s21 =	sadd.s32 s9, s3  }
0x10: {  	s9 =	sshrl.u32 s9, $0x3;
	[dreg:$0xb] =	wrdreg s24;
	s20 =	simm.s32 $0x80  }
0x11: {  	s24 =	simm.s32 $0x0;
	s6 =	sadd.s32 s18, s1;
	s1 =	sadd.s32 s7, s1  }
0x12: {  	s5 =	ssub.s32 s5, s19;
	s0 =	sadd.s32 s0, s7;
	s4 =	sshrl.u32 s4, $0x3  }
0x13: {  	s18 =	simm.s32 $0x3;
	s6 =	sadd.s32 $0x1000, s6;
	[dreg:$0xa] =	wrdreg s4  }
0x14: {  	s7 =	simm.s32 $0xB800;
	s5 =	smax.u32 s5, $0x1;
	[dreg:$0x7] =	wrdreg s6  }
0x15: {  	s23 =	sadd.s32 $0x6000, s1;
	s0 =	sadd.s32 s22, s0;
	[dreg:$0x9] =	wrdreg s5  }
0x16: {  	s1 =	sadd.s32 $0x10A00, s1;
	s6 =	sshrl.u32 s21, $0x3;
	[dreg:$0xd] =	wrdreg s0  }
.Ltmp0:
0x17: {  	s25 =	sadd.s32 s22, s23;
	s21 =	simm.s32 $0x5000;
	(pc) =	sbr.rel .LBB2_1-.Ltmp0, $4  }
0x18: {  	s22 =	simm.s32 $0x5800;
	s26 =	sadd.s32 s9, s1;
	s0 =	simm.s32 $0x7800  }
0x19: {  	s23 =	simm.s32 $0x9800;
	s1 =	simm.s32 $0xA800;
	[dreg:$0xe] =	wrdreg s25  }
0x1a: {  	s5 =	simm.s32 $0xB000;
	s9 =	simm.s32 $0xC800;
	[dreg:$0xf] =	wrdreg s26  }
0x1b: {  	s25 =	simm.s32 $0x6000;
	s26 =	simm.s32 $0x8800;
	[dreg:$0xc] =	wrdreg s6  }
.LBB2_4:
0x1c: {  	_ =	swait.ge [sflag:s19], $0x800  }
0x1d: {  	[sflag:s19] =	ssyncset.done $0x0  }
0x1e: {  	[sflag:s19] =	ssyncadd.s32 $0xFFFFF800  }
0x1f: {  	_ =	swait.ge [sflag:s19], $0x800  }
0x20: {  	[sflag:s19] =	ssyncset.done $0x0  }
0x21: {  	[sflag:s19] =	ssyncadd.s32 $0xFFFFF800  }
0x22: {  	_ =	swait.ge [sflag:s19], $0x800  }
0x23: {  	[sflag:s19] =	ssyncset.done $0x0  }
0x24: {  	[sflag:s19] =	ssyncadd.s32 $0xFFFFF800  }
0x25: {  	_ =	swait.ge [sflag:s19], $0x800  }
0x26: {  	[sflag:s19] =	ssyncset.done $0x0  }
0x27: {  	[sflag:s19] =	ssyncadd.s32 $0xFFFFF800  }
0x28: {  	_ =	swait.ge [sflag:s19], $0x800  }
0x29: {  	[sflag:s19] =	ssyncset.done $0x0  }
0x2a: {  	[sflag:s19] =	ssyncadd.s32 $0xFFFFF800  }
0x2b: {  	_ =	swait.ge [sflag:s19], $0x800  }
0x2c: {  	[sflag:s19] =	ssyncset.done $0x0  }
0x2d: {  	[sflag:s19] =	ssyncadd.s32 $0xFFFFF800  }
0x2e: {  	_ =	swait.ge [sflag:s19], $0x800  }
0x2f: {  	[sflag:s19] =	ssyncset.done $0x0  }
0x30: {  	[sflag:s19] =	ssyncadd.s32 $0xFFFFF800  }
0x31: {  	_ =	swait.ge [sflag:s19], $0x800  }
0x32: {  	[sflag:s19] =	ssyncset.done $0x0  }
0x33: {  	[sflag:s19] =	ssyncadd.s32 $0xFFFFF800  }
0x34: {  	_ =	swait.ge [sflag:s19], $0x800  }
0x35: {  	[sflag:s19] =	ssyncset.done $0x0  }
0x36: {  	[sflag:s19] =	ssyncadd.s32 $0xFFFFF800  }
0x37: {  	_ =	swait.ge [sflag:s19], $0x800  }
0x38: {  	[sflag:s19] =	ssyncset.done $0x0  }
0x39: {  	[sflag:s19] =	ssyncadd.s32 $0xFFFFF800  }
0x3a: {  	[bflag:$0x0] =	sbarrier.arrive $0xFFFF  }
0x3b: {  	s4 =	rddreg [dreg:$0x6]  }
0x3c: {  	s6 =	rddreg [dreg:$0xc]  }
0x3d: {  	s12 =	rddreg [dreg:$0xf];
	s4 =	sor.u32 $0x1C05, s4  }
0x3e: {  	[hbm:s12], [sflag:s4] =	dma.local [spmem:s6], $0x500  }
0x3f: {  	s12 =	simm.s32 $0x5  }
0x40: {  	_ =	swait.ge [sflag:s12], $0x500  }
0x41: {  	s24 =	sadd.s32 $0x1, s24;
	s19 =	rddreg [dreg:$0x9]  }
0x42: {  	p0 =	sne.s32 s24, s19  }
.Ltmp1:
0x43: {  	_ = 	snop;
	(pc) =	sbr.rel @!p0 .LBB2_5-.Ltmp1, $3  }
0x44: {  	_ =	sdelay $0x1  }
0x45: {  	[sflag:s12] =	ssyncset.done $0x0  }
0x46: {  	[sflag:s12] =	ssyncadd.s32 $0xFFFFFB00  }
.LBB2_1:
0x47: {  	s4 =	rddreg [dreg:$0x7]  }
0x48: {  	s19 =	smov.u32 s24;
	s24 =	smov.u32 s6;
	s6 =	rddreg [dreg:$0x8]  }
0x49: {  	s12 =	rddreg [dreg:$0xa]  }
0x4a: {  	[spmem:s12], [sflag:s6] =	dma.local [hbm:s4], $0x4E2  }
0x4b: {  	s4 =	rddreg [dreg:$0x5]  }
0x4c: {  	s6 =	rddreg [dreg:$0xb]  }
0x4d: {  	[spmem:s24], [sflag:s6] =	dma.local [hbm:s4], $0x500  }
0x4e: {  	s4 =	simm.s32 $0x0;
	s6 =	rddreg [dreg:$0xd]  }
0x4f: {  	[tilespmem:s4], [sflag:$0x3] =	stream.linear.gather [hbm4b:s6+s4], $0x2800, $0x38;
	[tilespmem:$0x13F10] =	vst v63  }
0x50: {  	s12 =	simm.s32 $0x2800;
	s6 =	rddreg [dreg:$0xe]  }
0x51: {  	[tilespmem:s12], [sflag:$0x4] =	stream.linear.gather [hbm4b:s6+s4], $0x2800, $0x38;
	[tilespmem:$0x13F10] =	vst v63  }
0x52: {  	_ =	swait.ge [sflag:s16], $0x4E2  }
0x53: {  	[sflag:s16] =	ssyncset.done $0x0  }
0x54: {  	[sflag:s16] =	ssyncadd.s32 $0xFFFFFB1E  }
0x55: {  	_ =	swait.ge [sflag:s17], $0x500  }
0x56: {  	[sflag:s17] =	ssyncset.done $0x0  }
0x57: {  	[sflag:s17] =	ssyncadd.s32 $0xFFFFFB00  }
0x58: {  	_ =	swait.ge [sflag:s18], $0x2800  }
0x59: {  	[sflag:s18] =	ssyncset.done $0x0  }
0x5a: {  	s24 =	smov.u32 s19;
	s19 =	simm.s32 $0x4;
	[sflag:s18] =	ssyncadd.s32 $0xFFFFD800  }
0x5b: {  	_ =	swait.ge [sflag:s19], $0x2800  }
0x5c: {  	[sflag:s19] =	ssyncset.done $0x0  }
0x5d: {  	[sflag:s19] =	ssyncadd.s32 $0xFFFFD800  }
0x5e: {  	[bflag:$0x0] =	sbarrier.arrive $0xFFFF  }
0x5f: {  	[tilespmem:s21], [sflag:$0x1] =	stream.indirect.gather [spmem:s2], $0x10, s4, s20, $0xb8;
	[tilespmem:$0x13F10] =	vst v63  }
0x60: {  	_ = 	snop  }
0x61: {  	[tilespmem:s22], [sflag:$0x1] =	stream.indirect.gather [spmem:s2], $0x10, s20, s20, $0xb8;
	[tilespmem:$0x13F10] =	vst v63  }
0x62: {  	s6 =	simm.s32 $0x100  }
0x63: {  	[tilespmem:s25], [sflag:$0x1] =	stream.indirect.gather [spmem:s2], $0x10, s6, s20, $0xb8;
	[tilespmem:$0x13F10] =	vst v63  }
0x64: {  	s12 =	simm.s32 $0x180  }
0x65: {  	[tilespmem:s28], [sflag:$0x1] =	stream.indirect.gather [spmem:s2], $0x10, s12, s20, $0xb8;
	[tilespmem:$0x13F10] =	vst v63  }
0x66: {  	s6 =	simm.s32 $0x200  }
0x67: {  	[tilespmem:s30], [sflag:$0x1] =	stream.indirect.gather [spmem:s2], $0x10, s6, s20, $0xb8;
	[tilespmem:$0x13F10] =	vst v63  }
0x68: {  	s12 =	simm.s32 $0x280  }
0x69: {  	[tilespmem:s0], [sflag:$0x1] =	stream.indirect.gather [spmem:s2], $0x10, s12, s20, $0xb8;
	[tilespmem:$0x13F10] =	vst v63  }
0x6a: {  	s6 =	simm.s32 $0x300  }
0x6b: {  	[tilespmem:s15], [sflag:$0x1] =	stream.indirect.gather [spmem:s2], $0x10, s6, s20, $0xb8;
	[tilespmem:$0x13F10] =	vst v63  }
0x6c: {  	s12 =	simm.s32 $0x380  }
0x6d: {  	[tilespmem:s26], [sflag:$0x1] =	stream.indirect.gather [spmem:s2], $0x10, s12, s20, $0xb8;
	[tilespmem:$0x13F10] =	vst v63  }
0x6e: {  	s6 =	simm.s32 $0x400  }
0x6f: {  	[tilespmem:s31], [sflag:$0x1] =	stream.indirect.gather [spmem:s2], $0x10, s6, s20, $0xb8;
	[tilespmem:$0x13F10] =	vst v63  }
0x70: {  	s4 =	simm.s32 $0x0;
	s12 =	simm.s32 $0x480  }
0x71: {  	[tilespmem:s23], [sflag:$0x1] =	stream.indirect.gather [spmem:s2], $0x10, s12, s20, $0xb8;
	[tilespmem:$0x13F10] =	vst v63  }
.LBB2_2:
0x72: {  	_ =	swait.ge [sflag:s16], $0x800  }
0x73: {  	[sflag:s16] =	ssyncset.done $0x0  }
0x74: {  	[sflag:s16] =	ssyncadd.s32 $0xFFFFF800  }
0x75: {  	_ =	swait.ge [sflag:s16], $0x800  }
0x76: {  	[sflag:s16] =	ssyncset.done $0x0  }
0x77: {  	[sflag:s16] =	ssyncadd.s32 $0xFFFFF800  }
0x78: {  	_ =	swait.ge [sflag:s16], $0x800  }
0x79: {  	[sflag:s16] =	ssyncset.done $0x0  }
0x7a: {  	[sflag:s16] =	ssyncadd.s32 $0xFFFFF800  }
0x7b: {  	_ =	swait.ge [sflag:s16], $0x800  }
0x7c: {  	[sflag:s16] =	ssyncset.done $0x0  }
0x7d: {  	[sflag:s16] =	ssyncadd.s32 $0xFFFFF800  }
0x7e: {  	_ =	swait.ge [sflag:s16], $0x800  }
0x7f: {  	[sflag:s16] =	ssyncset.done $0x0  }
0x80: {  	[sflag:s16] =	ssyncadd.s32 $0xFFFFF800  }
0x81: {  	_ =	swait.ge [sflag:s16], $0x800  }
0x82: {  	[sflag:s16] =	ssyncset.done $0x0  }
0x83: {  	[sflag:s16] =	ssyncadd.s32 $0xFFFFF800  }
0x84: {  	_ =	swait.ge [sflag:s16], $0x800  }
0x85: {  	[sflag:s16] =	ssyncset.done $0x0  }
0x86: {  	[sflag:s16] =	ssyncadd.s32 $0xFFFFF800  }
0x87: {  	_ =	swait.ge [sflag:s16], $0x800  }
0x88: {  	[sflag:s16] =	ssyncset.done $0x0  }
0x89: {  	[sflag:s16] =	ssyncadd.s32 $0xFFFFF800  }
0x8a: {  	_ =	swait.ge [sflag:s16], $0x800  }
0x8b: {  	[sflag:s16] =	ssyncset.done $0x0  }
0x8c: {  	[sflag:s16] =	ssyncadd.s32 $0xFFFFF800  }
0x8d: {  	_ =	swait.ge [sflag:s16], $0x800  }
0x8e: {  	s6 =	sshra.s32 s4, $0x2;
	[sflag:s16] =	ssyncset.done $0x0  }
0x8f: {  	s12 =	sadd.s32 $0x2800, s6;
	[sflag:s16] =	ssyncadd.s32 $0xFFFFF800  }
0x90: {  	[spmem:s3] =	stream.indirect.scatter.add.f32 [tilespmem:s21], [sflag:$0x3], $0x10, s12, s20, $0xb8;
	[tilespmem:$0x13F10] =	vst v63  }
0x91: {  	s12 =	sadd.s32 $0x2880, s6  }
0x92: {  	[spmem:s3] =	stream.indirect.scatter.add.f32 [tilespmem:s22], [sflag:$0x3], $0x10, s12, s20, $0xb8;
	[tilespmem:$0x13F10] =	vst v63  }
0x93: {  	s12 =	sadd.s32 $0x2900, s6  }
0x94: {  	[spmem:s3] =	stream.indirect.scatter.add.f32 [tilespmem:s25], [sflag:$0x3], $0x10, s12, s20, $0xb8;
	[tilespmem:$0x13F10] =	vst v63  }
0x95: {  	s12 =	sadd.s32 $0x2980, s6  }
0x96: {  	[spmem:s3] =	stream.indirect.scatter.add.f32 [tilespmem:s28], [sflag:$0x3], $0x10, s12, s20, $0xb8;
	[tilespmem:$0x13F10] =	vst v63  }
0x97: {  	s12 =	sadd.s32 $0x2A00, s6  }
0x98: {  	[spmem:s3] =	stream.indirect.scatter.add.f32 [tilespmem:s30], [sflag:$0x3], $0x10, s12, s20, $0xb8;
	[tilespmem:$0x13F10] =	vst v63  }
0x99: {  	s12 =	sadd.s32 $0x2A80, s6  }
0x9a: {  	[spmem:s3] =	stream.indirect.scatter.add.f32 [tilespmem:s0], [sflag:$0x3], $0x10, s12, s20, $0xb8;
	[tilespmem:$0x13F10] =	vst v63  }
0x9b: {  	s12 =	sadd.s32 $0x2B00, s6  }
0x9c: {  	[spmem:s3] =	stream.indirect.scatter.add.f32 [tilespmem:s15], [sflag:$0x3], $0x10, s12, s20, $0xb8;
	[tilespmem:$0x13F10] =	vst v63  }
0x9d: {  	s12 =	sadd.s32 $0x2B80, s6  }
0x9e: {  	[spmem:s3] =	stream.indirect.scatter.add.f32 [tilespmem:s26], [sflag:$0x3], $0x10, s12, s20, $0xb8;
	[tilespmem:$0x13F10] =	vst v63  }
0x9f: {  	s12 =	sadd.s32 $0x2C00, s6  }
0xa0: {  	[spmem:s3] =	stream.indirect.scatter.add.f32 [tilespmem:s31], [sflag:$0x3], $0x10, s12, s20, $0xb8;
	[tilespmem:$0x13F10] =	vst v63  }
0xa1: {  	p0 =	seq.s32 s4, $0x0;
	s12 =	sadd.s32 $0x2C80, s6  }
0xa2: {  	[spmem:s3] =	stream.indirect.scatter.add.f32 [tilespmem:s23], [sflag:$0x3], $0x10, s12, s20, $0xb8;
	[tilespmem:$0x13F10] =	vst v63  }
0xa3: {  	s12 =	simm.s32 @!p0 $0x4  }
0xa4: {  	_ =	swait.ge @!p0 [sflag:s12], $0x800  }
0xa5: {  	[sflag:s12] =	ssyncset.done @!p0 $0x0  }
0xa6: {  	[sflag:s12] =	ssyncadd.s32 @!p0 $0xFFFFF800  }
0xa7: {  	_ =	swait.ge @!p0 [sflag:s12], $0x800  }
0xa8: {  	[sflag:s12] =	ssyncset.done @!p0 $0x0  }
0xa9: {  	[sflag:s12] =	ssyncadd.s32 @!p0 $0xFFFFF800  }
0xaa: {  	_ =	swait.ge @!p0 [sflag:s12], $0x800  }
0xab: {  	[sflag:s12] =	ssyncset.done @!p0 $0x0  }
0xac: {  	[sflag:s12] =	ssyncadd.s32 @!p0 $0xFFFFF800  }
0xad: {  	_ =	swait.ge @!p0 [sflag:s12], $0x800  }
0xae: {  	[sflag:s12] =	ssyncset.done @!p0 $0x0  }
0xaf: {  	[sflag:s12] =	ssyncadd.s32 @!p0 $0xFFFFF800  }
0xb0: {  	_ =	swait.ge @!p0 [sflag:s12], $0x800  }
0xb1: {  	[sflag:s12] =	ssyncset.done @!p0 $0x0  }
0xb2: {  	[sflag:s12] =	ssyncadd.s32 @!p0 $0xFFFFF800  }
0xb3: {  	_ =	swait.ge @!p0 [sflag:s12], $0x800  }
0xb4: {  	[sflag:s12] =	ssyncset.done @!p0 $0x0  }
0xb5: {  	[sflag:s12] =	ssyncadd.s32 @!p0 $0xFFFFF800  }
0xb6: {  	_ =	swait.ge @!p0 [sflag:s12], $0x800  }
0xb7: {  	[sflag:s12] =	ssyncset.done @!p0 $0x0  }
0xb8: {  	[sflag:s12] =	ssyncadd.s32 @!p0 $0xFFFFF800  }
0xb9: {  	_ =	swait.ge @!p0 [sflag:s12], $0x800  }
0xba: {  	[sflag:s12] =	ssyncset.done @!p0 $0x0  }
0xbb: {  	[sflag:s12] =	ssyncadd.s32 @!p0 $0xFFFFF800  }
0xbc: {  	_ =	swait.ge @!p0 [sflag:s12], $0x800  }
0xbd: {  	[sflag:s12] =	ssyncset.done @!p0 $0x0  }
0xbe: {  	[sflag:s12] =	ssyncadd.s32 @!p0 $0xFFFFF800  }
0xbf: {  	_ =	swait.ge @!p0 [sflag:s12], $0x800  }
0xc0: {  	[sflag:s12] =	ssyncset.done @!p0 $0x0  }
0xc1: {  	[sflag:s12] =	ssyncadd.s32 @!p0 $0xFFFFF800;
	s12 =	sadd.s32 $0x500, s6  }
0xc2: {  	[tilespmem:s29], [sflag:$0x2] =	stream.indirect.gather [spmem:s2], $0x10, s12, s20, $0xb8;
	[tilespmem:$0x13F10] =	vst v63  }
0xc3: {  	s12 =	sadd.s32 $0x580, s6  }
0xc4: {  	[tilespmem:s1], [sflag:$0x2] =	stream.indirect.gather [spmem:s2], $0x10, s12, s20, $0xb8;
	[tilespmem:$0x13F10] =	vst v63  }
0xc5: {  	s12 =	sadd.s32 $0x600, s6  }
0xc6: {  	[tilespmem:s5], [sflag:$0x2] =	stream.indirect.gather [spmem:s2], $0x10, s12, s20, $0xb8;
	[tilespmem:$0x13F10] =	vst v63  }
0xc7: {  	s12 =	sadd.s32 $0x680, s6  }
0xc8: {  	[tilespmem:s7], [sflag:$0x2] =	stream.indirect.gather [spmem:s2], $0x10, s12, s20, $0xb8;
	[tilespmem:$0x13F10] =	vst v63  }
0xc9: {  	s12 =	sadd.s32 $0x700, s6  }
0xca: {  	[tilespmem:s8], [sflag:$0x2] =	stream.indirect.gather [spmem:s2], $0x10, s12, s20, $0xb8;
	[tilespmem:$0x13F10] =	vst v63  }
0xcb: {  	s12 =	sadd.s32 $0x780, s6  }
0xcc: {  	[tilespmem:s9], [sflag:$0x2] =	stream.indirect.gather [spmem:s2], $0x10, s12, s20, $0xb8;
	[tilespmem:$0x13F10] =	vst v63  }
0xcd: {  	s12 =	sadd.s32 $0x800, s6  }
0xce: {  	[tilespmem:s10], [sflag:$0x2] =	stream.indirect.gather [spmem:s2], $0x10, s12, s20, $0xb8;
	[tilespmem:$0x13F10] =	vst v63  }
0xcf: {  	s12 =	sadd.s32 $0x880, s6  }
0xd0: {  	[tilespmem:s11], [sflag:$0x2] =	stream.indirect.gather [spmem:s2], $0x10, s12, s20, $0xb8;
	[tilespmem:$0x13F10] =	vst v63  }
0xd1: {  	s12 =	sadd.s32 $0x900, s6  }
0xd2: {  	[tilespmem:s13], [sflag:$0x2] =	stream.indirect.gather [spmem:s2], $0x10, s12, s20, $0xb8;
	[tilespmem:$0x13F10] =	vst v63  }
0xd3: {  	s12 =	sadd.s32 $0x980, s6  }
0xd4: {  	[tilespmem:s14], [sflag:$0x2] =	stream.indirect.gather [spmem:s2], $0x10, s12, s20, $0xb8;
	[tilespmem:$0x13F10] =	vst v63  }
0xd5: {  	_ =	swait.ge [sflag:s17], $0x800  }
0xd6: {  	[sflag:s17] =	ssyncset.done $0x0  }
0xd7: {  	[sflag:s17] =	ssyncadd.s32 $0xFFFFF800  }
0xd8: {  	_ =	swait.ge [sflag:s17], $0x800  }
0xd9: {  	[sflag:s17] =	ssyncset.done $0x0  }
0xda: {  	[sflag:s17] =	ssyncadd.s32 $0xFFFFF800  }
0xdb: {  	_ =	swait.ge [sflag:s17], $0x800  }
0xdc: {  	[sflag:s17] =	ssyncset.done $0x0  }
0xdd: {  	[sflag:s17] =	ssyncadd.s32 $0xFFFFF800  }
0xde: {  	_ =	swait.ge [sflag:s17], $0x800  }
0xdf: {  	[sflag:s17] =	ssyncset.done $0x0  }
0xe0: {  	[sflag:s17] =	ssyncadd.s32 $0xFFFFF800  }
0xe1: {  	_ =	swait.ge [sflag:s17], $0x800  }
0xe2: {  	[sflag:s17] =	ssyncset.done $0x0  }
0xe3: {  	[sflag:s17] =	ssyncadd.s32 $0xFFFFF800  }
0xe4: {  	_ =	swait.ge [sflag:s17], $0x800  }
0xe5: {  	[sflag:s17] =	ssyncset.done $0x0  }
0xe6: {  	[sflag:s17] =	ssyncadd.s32 $0xFFFFF800  }
0xe7: {  	_ =	swait.ge [sflag:s17], $0x800  }
0xe8: {  	[sflag:s17] =	ssyncset.done $0x0  }
0xe9: {  	[sflag:s17] =	ssyncadd.s32 $0xFFFFF800  }
0xea: {  	_ =	swait.ge [sflag:s17], $0x800  }
0xeb: {  	[sflag:s17] =	ssyncset.done $0x0  }
0xec: {  	[sflag:s17] =	ssyncadd.s32 $0xFFFFF800  }
0xed: {  	_ =	swait.ge [sflag:s17], $0x800  }
0xee: {  	[sflag:s17] =	ssyncset.done $0x0  }
0xef: {  	[sflag:s17] =	ssyncadd.s32 $0xFFFFF800  }
0xf0: {  	_ =	swait.ge [sflag:s17], $0x800  }
0xf1: {  	[sflag:s17] =	ssyncset.done $0x0  }
0xf2: {  	s12 =	sadd.s32 $0x2D00, s6;
	[sflag:s17] =	ssyncadd.s32 $0xFFFFF800  }
0xf3: {  	[spmem:s3] =	stream.indirect.scatter.add.f32 [tilespmem:s29], [sflag:$0x4], $0x10, s12, s20, $0xb8;
	[tilespmem:$0x13F10] =	vst v63  }
0xf4: {  	s12 =	sadd.s32 $0x2D80, s6  }
0xf5: {  	[spmem:s3] =	stream.indirect.scatter.add.f32 [tilespmem:s1], [sflag:$0x4], $0x10, s12, s20, $0xb8;
	[tilespmem:$0x13F10] =	vst v63  }
0xf6: {  	s12 =	sadd.s32 $0x2E00, s6  }
0xf7: {  	[spmem:s3] =	stream.indirect.scatter.add.f32 [tilespmem:s5], [sflag:$0x4], $0x10, s12, s20, $0xb8;
	[tilespmem:$0x13F10] =	vst v63  }
0xf8: {  	s12 =	sadd.s32 $0x2E80, s6  }
0xf9: {  	[spmem:s3] =	stream.indirect.scatter.add.f32 [tilespmem:s7], [sflag:$0x4], $0x10, s12, s20, $0xb8;
	[tilespmem:$0x13F10] =	vst v63  }
0xfa: {  	s12 =	sadd.s32 $0x2F00, s6  }
0xfb: {  	[spmem:s3] =	stream.indirect.scatter.add.f32 [tilespmem:s8], [sflag:$0x4], $0x10, s12, s20, $0xb8;
	[tilespmem:$0x13F10] =	vst v63  }
0xfc: {  	s12 =	sadd.s32 $0x2F80, s6  }
0xfd: {  	[spmem:s3] =	stream.indirect.scatter.add.f32 [tilespmem:s9], [sflag:$0x4], $0x10, s12, s20, $0xb8;
	[tilespmem:$0x13F10] =	vst v63  }
0xfe: {  	s12 =	sadd.s32 $0x3000, s6  }
0xff: {  	[spmem:s3] =	stream.indirect.scatter.add.f32 [tilespmem:s10], [sflag:$0x4], $0x10, s12, s20, $0xb8;
	[tilespmem:$0x13F10] =	vst v63  }
0x100: {  	s12 =	sadd.s32 $0x3080, s6  }
0x101: {  	[spmem:s3] =	stream.indirect.scatter.add.f32 [tilespmem:s11], [sflag:$0x4], $0x10, s12, s20, $0xb8;
	[tilespmem:$0x13F10] =	vst v63  }
0x102: {  	s12 =	sadd.s32 $0x3100, s6  }
0x103: {  	[spmem:s3] =	stream.indirect.scatter.add.f32 [tilespmem:s13], [sflag:$0x4], $0x10, s12, s20, $0xb8;
	[tilespmem:$0x13F10] =	vst v63  }
0x104: {  	s12 =	sadd.s32 $0x3180, s6  }
0x105: {  	[spmem:s3] =	stream.indirect.scatter.add.f32 [tilespmem:s14], [sflag:$0x4], $0x10, s12, s20, $0xb8;
	[tilespmem:$0x13F10] =	vst v63  }
0x106: {  	_ =	swait.ge [sflag:s18], $0x800  }
0x107: {  	[sflag:s18] =	ssyncset.done $0x0  }
0x108: {  	[sflag:s18] =	ssyncadd.s32 $0xFFFFF800  }
0x109: {  	_ =	swait.ge [sflag:s18], $0x800  }
0x10a: {  	[sflag:s18] =	ssyncset.done $0x0  }
0x10b: {  	[sflag:s18] =	ssyncadd.s32 $0xFFFFF800  }
0x10c: {  	_ =	swait.ge [sflag:s18], $0x800  }
0x10d: {  	[sflag:s18] =	ssyncset.done $0x0  }
0x10e: {  	[sflag:s18] =	ssyncadd.s32 $0xFFFFF800  }
0x10f: {  	_ =	swait.ge [sflag:s18], $0x800  }
0x110: {  	[sflag:s18] =	ssyncset.done $0x0  }
0x111: {  	[sflag:s18] =	ssyncadd.s32 $0xFFFFF800  }
0x112: {  	_ =	swait.ge [sflag:s18], $0x800  }
0x113: {  	[sflag:s18] =	ssyncset.done $0x0  }
0x114: {  	[sflag:s18] =	ssyncadd.s32 $0xFFFFF800  }
0x115: {  	_ =	swait.ge [sflag:s18], $0x800  }
0x116: {  	[sflag:s18] =	ssyncset.done $0x0  }
0x117: {  	[sflag:s18] =	ssyncadd.s32 $0xFFFFF800  }
0x118: {  	_ =	swait.ge [sflag:s18], $0x800  }
0x119: {  	[sflag:s18] =	ssyncset.done $0x0  }
0x11a: {  	[sflag:s18] =	ssyncadd.s32 $0xFFFFF800  }
0x11b: {  	_ =	swait.ge [sflag:s18], $0x800  }
0x11c: {  	[sflag:s18] =	ssyncset.done $0x0  }
0x11d: {  	[sflag:s18] =	ssyncadd.s32 $0xFFFFF800  }
0x11e: {  	p0 =	seq.s32 s4, $0x7800;
	_ =	swait.ge [sflag:s18], $0x800  }
.Ltmp2:
0x11f: {  	[sflag:s18] =	ssyncset.done $0x0;
	(pc) =	sbr.rel @p0 .LBB2_4-.Ltmp2, $4  }
0x120: {  	[sflag:s18] =	ssyncadd.s32 $0xFFFFF800  }
0x121: {  	_ =	swait.ge [sflag:s18], $0x800  }
0x122: {  	[sflag:s18] =	ssyncset.done $0x0  }
0x123: {  	[sflag:s18] =	ssyncadd.s32 $0xFFFFF800  }
0x124: {  	s12 =	sadd.s32 $0xA00, s6  }
0x125: {  	[tilespmem:s21], [sflag:$0x1] =	stream.indirect.gather [spmem:s2], $0x10, s12, s20, $0xb8;
	[tilespmem:$0x13F10] =	vst v63  }
0x126: {  	s12 =	sadd.s32 $0xA80, s6  }
0x127: {  	[tilespmem:s22], [sflag:$0x1] =	stream.indirect.gather [spmem:s2], $0x10, s12, s20, $0xb8;
	[tilespmem:$0x13F10] =	vst v63  }
0x128: {  	s12 =	sadd.s32 $0xB00, s6  }
0x129: {  	[tilespmem:s25], [sflag:$0x1] =	stream.indirect.gather [spmem:s2], $0x10, s12, s20, $0xb8;
	[tilespmem:$0x13F10] =	vst v63  }
0x12a: {  	s12 =	sadd.s32 $0xB80, s6  }
0x12b: {  	[tilespmem:s28], [sflag:$0x1] =	stream.indirect.gather [spmem:s2], $0x10, s12, s20, $0xb8;
	[tilespmem:$0x13F10] =	vst v63  }
0x12c: {  	s12 =	sadd.s32 $0xC00, s6  }
0x12d: {  	[tilespmem:s30], [sflag:$0x1] =	stream.indirect.gather [spmem:s2], $0x10, s12, s20, $0xb8;
	[tilespmem:$0x13F10] =	vst v63  }
0x12e: {  	s12 =	sadd.s32 $0xC80, s6  }
0x12f: {  	[tilespmem:s0], [sflag:$0x1] =	stream.indirect.gather [spmem:s2], $0x10, s12, s20, $0xb8;
	[tilespmem:$0x13F10] =	vst v63  }
0x130: {  	s12 =	sadd.s32 $0xD00, s6  }
0x131: {  	[tilespmem:s15], [sflag:$0x1] =	stream.indirect.gather [spmem:s2], $0x10, s12, s20, $0xb8;
	[tilespmem:$0x13F10] =	vst v63  }
0x132: {  	s12 =	sadd.s32 $0xD80, s6  }
0x133: {  	[tilespmem:s26], [sflag:$0x1] =	stream.indirect.gather [spmem:s2], $0x10, s12, s20, $0xb8;
	[tilespmem:$0x13F10] =	vst v63  }
.Ltmp3:
0x134: {  	_ = 	snop;
	(pc) =	sbr.rel .LBB2_2-.Ltmp3, $4  }
0x135: {  	s12 =	sadd.s32 $0xE00, s6  }
0x136: {  	[tilespmem:s31], [sflag:$0x1] =	stream.indirect.gather [spmem:s2], $0x10, s12, s20, $0xb8;
	[tilespmem:$0x13F10] =	vst v63  }
0x137: {  	s4 =	sadd.s32 $0x2800, s4;
	s12 =	sadd.s32 $0xE80, s6  }
0x138: {  	[tilespmem:s23], [sflag:$0x1] =	stream.indirect.gather [spmem:s2], $0x10, s12, s20, $0xb8;
	[tilespmem:$0x13F10] =	vst v63  }
.LBB2_5:
0x139: {  	_ =	sfence.sel $0x180000  }
0x13a: {  	[bflag:$0x0] =	sbarrier.arrive $0xFFFF  }
0x13b: {  	_ =	strace $0x9000004A  }
0x13c: {  	s0 =	stileid.u32;
	[bflag:$0x2] =	sbarrier.arrive $0xFFFF  }
0x13d: {  	p0 =	sne.s32 s0, $0x0;
	s0 =	rddreg [dreg:$0x4]  }
0x13e: {  	s0 =	sadd.s32 @!p0 $0x100000, s0  }
0x13f: {  	[sflag:s0] =	ssyncadd.tile.s32 @!p0 $0x1;
	_ =	shalt  }
.Lfunc_end2:
_tile_overlayer_lowered:
.L_overlay_start_2:
0x140: {  	(tag) =	ssettag $0x2  }
0x141: {  	s0 =	rddreg [dreg:$0x0];
	s2 =	stileid.u32  }
0x142: {  	s1 =	rddreg [dreg:$0x1];
	p0 =	sne.s32 s2, $0x0  }
0x143: {  	s3 =	rddreg [dreg:$0x2];
	[bflag:$0x3] =	sbarrier.arrive $0xFFFF;
	s2 =	simm.s32 @!p0 $0x1C05  }
0x144: {  	[timem:s3], [sflag:s2] =	dma.local @!p0 [hbm:s0], s1  }
0x145: {  	s0 =	simm.s32 @!p0 $0x5  }
0x146: {  	_ =	swait.ge @!p0 [sflag:s0], s1  }
0x147: {  	s1 =	ssub.s32 @!p0 $0x0, s1;
	[sflag:s0] =	ssyncset.done @!p0 $0x0  }
0x148: {  	[sflag:s0] =	ssyncadd.s32 @!p0 s1  }
0x149: {  	[bflag:$0x3] =	sbarrier.arrive $0xFFFF  }
0x14a: {  	_ =	shalt  }

// kernel: kernel.7.cloned.1.call-start
scs
__scs_entry_jumppad:
0x0: {  	(pc) =	sbr.rel $0x88, $3  }
0x1: {  	(tag) =	ssettag $0x0;
	lr =	simm.s32 $0x1  }
0x2: {  	[smem:$0x3F9B] =	sst lr;
	_ =	strace $0xD0000000  }
0x3: {  	_ = 	snop  }
0x4: {  	_ = 	snop  }
0x5: {  	_ = 	snop  }
0x6: {  	_ = 	snop  }
0x7: {  	_ = 	snop  }
__scs_overlays_trampoline_lowered:
0x8: {  	[smem:$0x3FAA] =	sst s0  }
0x9: {  	[smem:$0x3FAB] =	sst s1  }
0xa: {  	[smem:$0x3FAC] =	sst s2  }
0xb: {  	[smem:$0x3FAD] =	sst s3  }
0xc: {  	[smem:$0x3FAE] =	sst s4  }
0xd: {  	[smem:$0x3FAF] =	sst s5  }
0xe: {  	[smem:$0x3FB0] =	sst s6  }
0xf: {  	[smem:$0x3FB1] =	sst s7  }
0x10: {  	[smem:$0x3FB2] =	sst s8  }
0x11: {  	[smem:$0x3FB3] =	sst s9;
	s0 =	simm.s32 @!p0 $0x0  }
0x12: {  	s1 =	sld [smem:$0x3F99];
	s0 =	simm.s32 @p0 $0x1  }
0x13: {  	[smem:$0x3FB4] =	sst s0;
	s0 =	simm.s32 @!p1 $0x0  }
0x14: {  	s2 =	sld [smem:$0x3F98];
	s0 =	simm.s32 @p1 $0x1  }
0x15: {  	[smem:$0x3FB5] =	sst s0;
	s0 =	simm.s32 @!p2 $0x0  }
0x16: {  	s3 =	sld [smem:$0x3FDB];
	s0 =	simm.s32 @p2 $0x1  }
0x17: {  	s4 =	simm.s32 $0x1BF5;
	[smem:$0x3FB7] =	sst s0  }
0x18: {  	s0 =	sld [smem:$0x3F9A];
	_ =	swait.ge [sflag:s4], $0x0  }
0x19: {  	s7 =	sld [smem:$0x3F9B]  }
0x1a: {  	s8 =	sadd.s32 $0xFFFFE003, lr  }
0x1b: {  	s9 =	sadd.s32 $0xFFFFFEF7, lr;
	s5 =	simm.s32 $0xFFFFFFFF;
	p2 =	slt.u32 s8, $0xFFFFF086  }
0x1c: {  	p1 =	slt.u32 s9, $0xF7A;
	s5 =	simm.s32 @!p2 $0x0  }
0x1d: {  	s5 =	simm.s32 @p1 $0x1;
	p0 =	seq.s32 s7, s2  }
0x1e: {  	s7 =	smul.u32 @!p0 $0xF7A, s2;
	p2 =	seq.s32 @!p0 s5, $0x0  }
0x1f: {  	s9 =	smul.u32 $0xF7A, s1;
	s8 =	simm.s32 @!p0 $0x1BF5;
	p2 =	por !p2, p0  }
0x20: {  	[sflag:s8] =	ssyncset.s32 @!p0 $0xFFFFF086;
	s6 =	sadd.s32 @!p0 s3, s7;
	s7 =	simm.s32 @!p0 $0x108  }
0x21: {  	s3 =	sadd.s32 s3, s9;
	s6 =	sadd.s32 @!p0 $0x88, s6;
	s7 =	simm.s32 @p2 $0x1082  }
0x22: {  	[simem:s7], [sflag:s8] =	dma.local @!p0 [hbm:s6], $0xF7A  }
0x23: {  	s9 =	sor.u32 $0xD0000000, s2;
	s6 =	simm.s32 $0x108;
	_ =	swait.ge @!p0 [sflag:s8], $0x0  }
0x24: {  	s3 =	sadd.s32 $0x88, s3;
	s6 =	simm.s32 @!p1 $0x1082;
	[sflag:s4] =	ssyncset.s32 $0xFFFFF086  }
0x25: {  	[simem:s6], [sflag:s4] =	dma.local [hbm:s3], $0xF7A  }
0x26: {  	[smem:$0x3F9B] =	sst s1;
	(tag) =	ssettag s2;
	_ =	strace s9  }
0x27: {  	s1 =	sld [smem:$0x3FAB]  }
0x28: {  	s2 =	sld [smem:$0x3FAC]  }
0x29: {  	s4 =	sld [smem:$0x3FAE]  }
0x2a: {  	p0 =	seq.s32 s5, $0x0;
	s5 =	sld [smem:$0x3FAF]  }
0x2b: {  	s6 =	sld [smem:$0x3FB0]  }
0x2c: {  	s7 =	sld [smem:$0x3FB1]  }
0x2d: {  	s3 =	simm.s32 $0x108;
	s8 =	sld [smem:$0x3FB2]  }
0x2e: {  	s3 =	simm.s32 @!p0 $0x1082;
	s9 =	sld [smem:$0x3FB3]  }
0x2f: {  	lr =	sadd.s32 s0, s3;
	s0 =	sld [smem:$0x3FAA]  }
0x30: {  	s3 =	sld [smem:$0x3FAD]  }
0x31: {  	[smem:$0x3FB6] =	sst s10  }
0x32: {  	s10 =	sld [smem:$0x3FB4];
	_ =	sdelay $0x3  }
0x33: {  	p0 =	seq.s32 s10, $0x1;
	s10 =	sld [smem:$0x3FB6];
	_ =	sdelay $0x3  }
0x34: {  	[smem:$0x3FB6] =	sst s10  }
0x35: {  	s10 =	sld [smem:$0x3FB5];
	_ =	sdelay $0x3  }
0x36: {  	p1 =	seq.s32 s10, $0x1;
	s10 =	sld [smem:$0x3FB6];
	_ =	sdelay $0x3  }
0x37: {  	[smem:$0x3FB6] =	sst s10  }
0x38: {  	s10 =	sld [smem:$0x3FB7]  }
0x39: {  	_ = 	snop;
	(pc) =	sbr.ind lr, $3  }
0x3a: {  	_ = 	snop  }
0x3b: {  	_ = 	snop  }
0x3c: {  	p2 =	seq.s32 s10, $0x1;
	s10 =	sld [smem:$0x3FB6]  }
0x3d: {  	_ =	shalt  }
0x3e: {  	_ =	shalt  }
0x3f: {  	_ =	shalt  }
0x40: {  	_ =	shalt  }
0x41: {  	_ =	shalt  }
0x42: {  	_ =	shalt  }
0x43: {  	_ =	shalt  }
0x44: {  	_ =	shalt  }
0x45: {  	_ =	shalt  }
0x46: {  	_ =	shalt  }
0x47: {  	_ =	shalt  }
0x48: {  	_ =	shalt  }
0x49: {  	_ =	shalt  }
0x4a: {  	_ =	shalt  }
0x4b: {  	_ =	shalt  }
0x4c: {  	_ =	shalt  }
0x4d: {  	_ =	shalt  }
0x4e: {  	_ =	shalt  }
0x4f: {  	_ =	shalt  }
0x50: {  	_ =	shalt  }
0x51: {  	_ =	shalt  }
0x52: {  	_ =	shalt  }
0x53: {  	_ =	shalt  }
0x54: {  	_ =	shalt  }
0x55: {  	_ =	shalt  }
0x56: {  	_ =	shalt  }
0x57: {  	_ =	shalt  }
0x58: {  	_ =	shalt  }
0x59: {  	_ =	shalt  }
0x5a: {  	_ =	shalt  }
0x5b: {  	_ =	shalt  }
0x5c: {  	_ =	shalt  }
0x5d: {  	_ =	shalt  }
0x5e: {  	_ =	shalt  }
0x5f: {  	_ =	shalt  }
0x60: {  	_ =	shalt  }
0x61: {  	_ =	shalt  }
0x62: {  	_ =	shalt  }
0x63: {  	_ =	shalt  }
0x64: {  	_ =	shalt  }
0x65: {  	_ =	shalt  }
0x66: {  	_ =	shalt  }
0x67: {  	_ =	shalt  }
0x68: {  	_ =	shalt  }
0x69: {  	_ =	shalt  }
0x6a: {  	_ =	shalt  }
0x6b: {  	_ =	shalt  }
0x6c: {  	_ =	shalt  }
0x6d: {  	_ =	shalt  }
0x6e: {  	_ =	shalt  }
0x6f: {  	_ =	shalt  }
0x70: {  	_ =	shalt  }
0x71: {  	_ =	shalt  }
0x72: {  	_ =	shalt  }
0x73: {  	_ =	shalt  }
0x74: {  	_ =	shalt  }
0x75: {  	_ =	shalt  }
0x76: {  	_ =	shalt  }
0x77: {  	_ =	shalt  }
0x78: {  	_ =	shalt  }
0x79: {  	_ =	shalt  }
0x7a: {  	_ =	shalt  }
0x7b: {  	_ =	shalt  }
0x7c: {  	_ =	shalt  }
0x7d: {  	_ =	shalt  }
0x7e: {  	_ =	shalt  }
0x7f: {  	_ =	shalt  }
0x80: {  	_ =	shalt  }
0x81: {  	_ =	shalt  }
0x82: {  	_ =	shalt  }
0x83: {  	_ =	shalt  }
0x84: {  	_ =	shalt  }
0x85: {  	_ =	shalt  }
0x86: {  	_ =	shalt  }
0x87: {  	_ =	shalt  }
.Lfunc_end0:
.L_simem_size_0:
called_computation_lowered:
.L_overlay_start_0:
0x88: {  	s2 =	sld [smem:$0x3FD9]  }
0x89: {  	s3 =	sld [smem:$0x3FFE];
	_ =	sdelay $0x1  }
0x8a: {  	s1 =	srdreg.scid  }
0x8b: {  	s0 =	sand.u32 $0x1, s1  }
0x8c: {  	s17 =	sshll.u32 s0, $0xA;
	s2 =	sadd.s32 s3, s2  }
0x8d: {  	s2 =	sadd.s32 s2, s17  }
0x8e: {  	[smem:$0x3FC2] =	sst s2  }
0x8f: {  	_ = 	snop  }
0x90: {  	s2 =	sld [smem:$0x3FD0];
	(tm) =	ssettm $0x1  }
0x91: {  	s18 =	sld [smem:$0x3FFB];
	_ =	sdelay $0x3  }
0x92: {  	_ =	strace s18  }
0x93: {  	s3 =	sld [smem:$0x3FFC];
	_ =	sdelay $0x3  }
0x94: {  	_ =	strace s3  }
0x95: {  	s3 =	sld [smem:$0x3FFD];
	_ =	sdelay $0x3  }
0x96: {  	_ =	strace s3  }
0x97: {  	_ =	strace $0x8FFFFFFF  }
0x98: {  	s19 =	sld [smem:$0x3FDB];
	_ =	sdelay $0x1  }
0x99: {  	s4 =	simm.s32 $_scs_section_size  }
0x9a: {  	s5 =	simm.s32 $_size__tile_overlayer_lowered;
	s6 =	simm.s32 $_tile_overlayer_lowered  }
0x9b: {  	s22 =	simm.s32 $0x1BFF;
	s21 =	sshll.u32 s6, $0x1;
	s3 =	sadd.s32 s4, s19  }
0x9c: {  	s7 =	simm.s32 $0x0;
	s20 =	sshll.u32 s5, $0x1;
	s5 =	sadd.s32 s21, s3  }
0x9d: {  	[timem:s7], [sflag:s22] =	dma.local [hbm:s5], s20  }
0x9e: {  	_ =	swait.ge [sflag:s22], s20  }
0x9f: {  	s4 =	ssub.s32 $0x0, s20;
	[sflag:s22] =	ssyncset.done $0x0  }
0xa0: {  	[sflag:s22] =	ssyncadd.s32 s4;
	_ =	sdelay $0x1  }
0xa1: {  	s23 =	simm.s32 $0x1B8B  }
0xa2: {  	_ =	swait.ge [sflag:s23], $0x1  }
0xa3: {  	[sflag:s23] =	ssyncset.done $0x0  }
0xa4: {  	s25 =	simm.s32 $0x1B8E;
	s24 =	sld [smem:$0x3FFE];
	[sflag:s23] =	ssyncadd.s32 $0xFFFFFFFF  }
0xa5: {  	s26 =	simm.s32 $execute0_lowered;
	[smem:$0x3FD2] =	sst s25  }
0xa6: {  	s5 =	sshll.u32 s26, $0x1;
	_ =	strace $0x80000046;
	[dreg:$0x1] =	wrdreg $0xFFFFFFFF  }
0xa7: {  	s28 =	simm.s32 $_size_execute0_lowered;
	s3 =	sadd.s32 s3, s5;
	[dreg:$0x0] =	wrdreg $0x0  }
0xa8: {  	s5 =	sshll.u32 s28, $0x1;
	[dreg:$0x2] =	wrdreg s3  }
0xa9: {  	[dreg:$0x3] =	wrdreg s5  }
0xaa: {  	[dreg:$0x4] =	wrdreg $0xC0  }
0xab: {  	_ =	task [dreg:s7], $0x5FFFF  }
0xac: {  	[dreg:$0x1] =	wrdreg $0xFFFFFFFF  }
0xad: {  	[dreg:$0x0] =	wrdreg $0x60  }
0xae: {  	[dreg:$0x2] =	wrdreg s2  }
0xaf: {  	[dreg:$0x3] =	wrdreg s24  }
0xb0: {  	[dreg:$0x4] =	wrdreg $0x16B000  }
0xb1: {  	[dreg:$0x5] =	wrdreg $0x193000  }
0xb2: {  	[dreg:$0x6] =	wrdreg $0x143000  }
0xb3: {  	[dreg:$0x7] =	wrdreg $0x9  }
0xb4: {  	_ =	task.clear_ibuf [dreg:s7], $0x8FFFF;
	_ =	strace $0x90000046  }
0xb5: {  	s29 =	simm.s32 $0x9;
	_ =	strace $0x80000048  }
0xb6: {  	_ =	swait.ge [sflag:s29], $0x1  }
0xb7: {  	[sflag:s29] =	ssyncadd.s32 $0xFFFFFFFF  }
0xb8: {  	_ =	strace $0x90000048  }
0xb9: {  	_ =	sfence  }
0xba: {  	s30 =	sld [smem:$0x0];
	_ =	sdelay $0x2  }
0xbb: {  	s31 =	sshll.u32 s1, $0xD;
	s1 =	sshrl.u32 s1, $0x2  }
0xbc: {  	s3 =	sand.u32 $0x4000, s31;
	s1 =	sadd.s32 s1, s30  }
0xbd: {  	s0 =	sor.u32 s3, s0;
	s1 =	sshll.u32 s1, $0x11  }
0xbe: {  	s0 =	sor.u32 s1, s0  }
0xbf: {  	s0 =	sadd.s32 $0x8F2B, s0  }
0xc0: {  	[sflag:s0] =	ssyncadd.remote.s32 $0x1  }
0xc1: {  	_ =	sfence.sel $0xFFFF  }
0xc2: {  	[dreg:$0x0] =	wrdreg $0xFFFFFFFF;
	(pc) =	sbr.abs _section_cstart, $3  }
0xc3: {  	[dreg:$0x1] =	wrdreg $0xFFFFFFFF  }
0xc4: {  	_ =	task.clear_ibuf [dreg:s7], $0x2FFFF;
	_ =	strace $0x9FFFFFFF  }
0xc5: {  	(tm) =	ssettm $0x7FFFFFFF  }
tec
execute0_lowered:
.L_overlay_start_1:
0x0: {  	(tag) =	ssettag $0x1  }
0x1: {  	s0 =	rddreg [dreg:$0x0]  }
0x2: {  	s1 =	rddreg [dreg:$0x1]  }
0x3: {  	s2 =	rddreg [dreg:$0x2]  }
0x4: {  	s3 =	rddreg [dreg:$0x3]  }
0x5: {  	s4 =	rddreg [dreg:$0x4];
	s17 =	stileid.u32;
	s6 =	simm.s32 $0x0  }
0x6: {  	s10 =	srdreg.scid;
	s29 =	simm.s32 $0x1;
	s30 =	simm.s32 $0x2  }
0x7: {  	s31 =	simm.s32 $0x80;
	s5 =	smul.u32 $0x2800, s17;
	[smem:$0x7FF] =	sst s6  }
0x8: {  	s6 =	smul.u32 $0x500, s17;
	s11 =	sadd.s32 $0x10000, s1;
	s10 =	sand.u32 $0x1, s10  }
0x9: {  	s26 =	smul.u32 $0x280, s17;
	s12 =	sadd.s32 $0x10400, s1;
	s14 =	sadd.s32 $0x10200, s1  }
0xa: {  	s18 =	sshll.u32 s17, $0x6;
	_ =	strace $0x80000047;
	[dreg:$0x6] =	wrdreg s11  }
0xb: {  	[dreg:$0x7] =	wrdreg s12;
	s28 =	smul.u32 $0x5000, s10;
	s13 =	ssub.s32 $0x2, s10  }
0xc: {  	[dreg:$0x8] =	wrdreg s14;
	s17 =	sor.u32 $0x1C03, s18;
	s21 =	smul.u32 $0xA000, s10  }
0xd: {  	s11 =	simm.s32 $0x11880;
	p0 =	sne.s32 s10, $0x0;
	[dreg:$0xa] =	wrdreg s18  }
0xe: {  	s7 =	sshrl.u32 s5, $0x3;
	s8 =	sadd.s32 s6, s1;
	s19 =	sshrl.u32 s26, $0x3  }
0xf: {  	s15 =	sshrl.u32 s13, $0x1;
	s20 =	sadd.s32 s5, s2;
	[dreg:$0xb] =	wrdreg s17  }
0x10: {  	s5 =	sadd.s32 s5, s4;
	s9 =	sadd.s32 s7, s1;
	s16 =	sadd.s32 s28, s1  }
0x11: {  	s14 =	sadd.s32 s19, s1;
	s8 =	sadd.s32 $0x6000, s8;
	[dreg:$0xe] =	wrdreg s5  }
0x12: {  	s13 =	ssub.s32 s13, s15;
	s15 =	sadd.s32 s26, s3;
	[dreg:$0xd] =	wrdreg s8  }
0x13: {  	s0 =	sadd.s32 s0, s28;
	s9 =	sadd.s32 $0x1000, s9;
	[dreg:$0xc] =	wrdreg s15  }
0x14: {  	s23 =	sshrl.u32 s21, $0x2;
	s22 =	sadd.s32 $0x1AA00, s14;
	[dreg:$0x9] =	wrdreg s9  }
0x15: {  	s1 =	sadd.s32 $0xB000, s1;
	s5 =	sadd.s32 $0x2800, s23;
	[dreg:$0xf] =	wrdreg s22  }
0x16: {  	s24 =	sadd.s32 $0x10A00, s16;
	s25 =	smax.u32 s13, $0x1;
	[dreg:$0x10] =	wrdreg s5  }
.Ltmp0:
0x17: {  	s0 =	sadd.s32 s6, s0;
	[dreg:$0x11] =	wrdreg s25;
	(pc) =	sbr.rel .LBB2_1-.Ltmp0, $4  }
0x18: {  	s26 =	sadd.s32 s6, s1;
	s6 =	simm.s32 $0x4;
	[dreg:$0x13] =	wrdreg s0  }
0x19: {  	s9 =	sshrl.u32 s20, $0x3;
	[dreg:$0x14] =	wrdreg s26;
	s28 =	sadd.s32 s7, s24  }
0x1a: {  	s22 =	simm.s32 $0x11800;
	s26 =	simm.s32 $0x3;
	[dreg:$0x15] =	wrdreg s28  }
0x1b: {  	s0 =	simm.s32 $0x0;
	s24 =	simm.s32 $0xD000;
	[dreg:$0x12] =	wrdreg s9  }
.LBB2_10:
0x1c: {  	s6 =	simm.s32 $0x4  }
0x1d: {  	_ =	swait.ge [sflag:s6], $0x800  }
0x1e: {  	[sflag:s6] =	ssyncset.done $0x0  }
0x1f: {  	[sflag:s6] =	ssyncadd.s32 $0xFFFFF800  }
0x20: {  	_ =	swait.ge [sflag:s6], $0x800  }
0x21: {  	[sflag:s6] =	ssyncset.done $0x0  }
0x22: {  	[sflag:s6] =	ssyncadd.s32 $0xFFFFF800  }
0x23: {  	_ =	swait.ge [sflag:s6], $0x800  }
0x24: {  	[sflag:s6] =	ssyncset.done $0x0  }
0x25: {  	[sflag:s6] =	ssyncadd.s32 $0xFFFFF800  }
0x26: {  	_ =	swait.ge [sflag:s6], $0x800  }
0x27: {  	[sflag:s6] =	ssyncset.done $0x0  }
0x28: {  	[sflag:s6] =	ssyncadd.s32 $0xFFFFF800  }
0x29: {  	_ =	swait.ge [sflag:s6], $0x800  }
0x2a: {  	[sflag:s6] =	ssyncset.done $0x0  }
0x2b: {  	[sflag:s6] =	ssyncadd.s32 $0xFFFFF800  }
0x2c: {  	_ =	swait.ge [sflag:s6], $0x800  }
0x2d: {  	[sflag:s6] =	ssyncset.done $0x0  }
0x2e: {  	[sflag:s6] =	ssyncadd.s32 $0xFFFFF800  }
0x2f: {  	_ =	swait.ge [sflag:s6], $0x800  }
0x30: {  	[sflag:s6] =	ssyncset.done $0x0  }
0x31: {  	[sflag:s6] =	ssyncadd.s32 $0xFFFFF800  }
0x32: {  	_ =	swait.ge [sflag:s6], $0x800  }
0x33: {  	[sflag:s6] =	ssyncset.done $0x0  }
0x34: {  	[sflag:s6] =	ssyncadd.s32 $0xFFFFF800  }
0x35: {  	_ =	swait.ge [sflag:s6], $0x800  }
0x36: {  	[sflag:s6] =	ssyncset.done $0x0  }
0x37: {  	[sflag:s6] =	ssyncadd.s32 $0xFFFFF800  }
0x38: {  	_ =	swait.ge [sflag:s6], $0x800  }
0x39: {  	[sflag:s6] =	ssyncset.done $0x0  }
0x3a: {  	s1 =	simm.s32 @!p0 $0x5;
	[sflag:s6] =	ssyncadd.s32 $0xFFFFF800  }
0x3b: {  	_ =	swait.ge @!p0 [sflag:s1], $0x280  }
0x3c: {  	[sflag:s1] =	ssyncset.done @!p0 $0x0  }
0x3d: {  	[sflag:s1] =	ssyncadd.s32 @!p0 $0xFFFFFD80  }
0x3e: {  	[bflag:$0x0] =	sbarrier.arrive $0xFFFF  }
0x3f: {  	s18 =	rddreg [dreg:$0xa]  }
0x40: {  	s7 =	rddreg [dreg:$0x15]  }
0x41: {  	s5 =	simm.s32 $0x6;
	s9 =	rddreg [dreg:$0x12];
	s25 =	sor.u32 $0x1C06, s18  }
0x42: {  	[hbm:s7], [sflag:s25] =	dma.local [spmem:s9], $0x500  }
0x43: {  	_ =	swait.ge [sflag:s5], $0x500  }
0x44: {  	s0 =	rddreg [dreg:$0x16]  }
0x45: {  	s28 =	rddreg [dreg:$0x11];
	s0 =	sadd.s32 $0x1, s0  }
0x46: {  	p1 =	sne.s32 s0, s28  }
.Ltmp1:
0x47: {  	_ = 	snop;
	(pc) =	sbr.rel @!p1 .LBB2_11-.Ltmp1, $3  }
0x48: {  	_ =	sdelay $0x1  }
0x49: {  	[sflag:s5] =	ssyncset.done $0x0  }
0x4a: {  	s11 =	simm.s32 $0x11880;
	s15 =	rddreg [dreg:$0xc];
	[sflag:s5] =	ssyncadd.s32 $0xFFFFFB00  }
.LBB2_1:
0x4b: {  	s1 =	rddreg [dreg:$0x9]  }
0x4c: {  	s23 =	rddreg [dreg:$0x7]  }
0x4d: {  	s8 =	simm.s32 $0x0;
	s7 =	rddreg [dreg:$0xb]  }
0x4e: {  	[tilespmem:s11], [sflag:$0x5] =	stream.linear.gather [hbm4b:s1+s8], $0x2800, $0x38;
	[tilespmem:$0x19580] =	vst v63  }
0x4f: {  	[spmem:s9], [sflag:s7] =	dma.local [hbm:s23], $0x500  }
0x50: {  	s25 =	sor.u32 $0x1C04, s18;
	s5 =	sshrl.u32 s15, $0x3;
	s9 =	rddreg [dreg:$0x8]  }
0x51: {  	[spmem:s5], [sflag:s25] =	dma.local [hbm:s9], $0x50  }
0x52: {  	s1 =	rddreg [dreg:$0x6]  }
0x53: {  	[tilespmem:s22], [sflag:$0x1] =	stream.linear.gather [hbm4b:s1+s8], $0x80, $0x38;
	[tilespmem:$0x19580] =	vst v63  }
0x54: {  	s7 =	rddreg [dreg:$0x13]  }
0x55: {  	[tilespmem:s8], [sflag:$0x1] =	stream.linear.gather [hbm4b:s7+s8], $0x2800, $0x38;
	[tilespmem:$0x19580] =	vst v63  }
0x56: {  	s10 =	simm.s32 $0x2800;
	s9 =	rddreg [dreg:$0xd]  }
0x57: {  	[tilespmem:s10], [sflag:$0x2] =	stream.linear.gather [hbm4b:s9+s8], $0x2800, $0x38;
	[tilespmem:$0x19580] =	vst v63  }
0x58: {  	s12 =	simm.s32 $0x5000;
	s11 =	rddreg [dreg:$0x14]  }
0x59: {  	[tilespmem:s12], [sflag:$0x2] =	stream.linear.gather [hbm4b:s11+s8], $0x2800, $0x38;
	[tilespmem:$0x19580] =	vst v63  }
0x5a: {  	_ =	swait.ge [sflag:s26], $0x500  }
0x5b: {  	[sflag:s26] =	ssyncset.done $0x0  }
0x5c: {  	[sflag:s26] =	ssyncadd.s32 $0xFFFFFB00  }
0x5d: {  	_ =	swait.ge [sflag:s6], $0x50  }
0x5e: {  	[sflag:s6] =	ssyncset.done $0x0  }
0x5f: {  	[sflag:s6] =	ssyncadd.s32 $0xFFFFFFB0  }
0x60: {  	_ =	swait.ge [sflag:s29], $0x80  }
0x61: {  	[sflag:s29] =	ssyncset.done $0x0  }
0x62: {  	[sflag:s29] =	ssyncadd.s32 $0xFFFFFF80  }
0x63: {  	_ =	swait.ge [sflag:s29], $0x2800  }
0x64: {  	[sflag:s29] =	ssyncset.done $0x0  }
0x65: {  	[sflag:s29] =	ssyncadd.s32 $0xFFFFD800  }
0x66: {  	_ =	swait.ge [sflag:s30], $0x2800  }
0x67: {  	[sflag:s30] =	ssyncset.done $0x0  }
0x68: {  	[sflag:s30] =	ssyncadd.s32 $0xFFFFD800  }
0x69: {  	_ =	swait.ge [sflag:s30], $0x2800  }
0x6a: {  	[sflag:s30] =	ssyncset.done $0x0  }
0x6b: {  	[sflag:s30] =	ssyncadd.s32 $0xFFFFD800  }
0x6c: {  	[bflag:$0x0] =	sbarrier.arrive $0xFFFF  }
0x6d: {  	[spmem:s3] =	stream.indirect.scatter.add.f32 [tilespmem:s22], [sflag:$0x1], $0x1, s10, s31, $0xb8;
	[tilespmem:$0x19580] =	vst v63  }
0x6e: {  	_ = 	snop  }
0x6f: {  	[spmem:s3] =	stream.indirect.scatter.add.f32 [tilespmem:s22], [sflag:$0x1], $0x1, s12, s31, $0xb8;
	[tilespmem:$0x19580] =	vst v63  }
0x70: {  	s13 =	simm.s32 $0x2880  }
0x71: {  	[spmem:s3] =	stream.indirect.scatter.add.f32 [tilespmem:s22], [sflag:$0x1], $0x1, s13, s31, $0xb8;
	[tilespmem:$0x19580] =	vst v63  }
0x72: {  	s14 =	simm.s32 $0x5080  }
0x73: {  	[spmem:s3] =	stream.indirect.scatter.add.f32 [tilespmem:s22], [sflag:$0x1], $0x1, s14, s31, $0xb8;
	[tilespmem:$0x19580] =	vst v63  }
0x74: {  	s15 =	simm.s32 $0x2900  }
0x75: {  	[spmem:s3] =	stream.indirect.scatter.add.f32 [tilespmem:s22], [sflag:$0x1], $0x1, s15, s31, $0xb8;
	[tilespmem:$0x19580] =	vst v63  }
0x76: {  	s16 =	simm.s32 $0x5100  }
0x77: {  	[spmem:s3] =	stream.indirect.scatter.add.f32 [tilespmem:s22], [sflag:$0x1], $0x1, s16, s31, $0xb8;
	[tilespmem:$0x19580] =	vst v63  }
0x78: {  	s17 =	simm.s32 $0x2980  }
0x79: {  	[spmem:s3] =	stream.indirect.scatter.add.f32 [tilespmem:s22], [sflag:$0x1], $0x1, s17, s31, $0xb8;
	[tilespmem:$0x19580] =	vst v63  }
0x7a: {  	s18 =	simm.s32 $0x5180  }
0x7b: {  	[spmem:s3] =	stream.indirect.scatter.add.f32 [tilespmem:s22], [sflag:$0x1], $0x1, s18, s31, $0xb8;
	[tilespmem:$0x19580] =	vst v63  }
0x7c: {  	s19 =	simm.s32 $0x2A00  }
0x7d: {  	[spmem:s3] =	stream.indirect.scatter.add.f32 [tilespmem:s22], [sflag:$0x1], $0x1, s19, s31, $0xb8;
	[tilespmem:$0x19580] =	vst v63  }
0x7e: {  	s20 =	simm.s32 $0x5200  }
0x7f: {  	[spmem:s3] =	stream.indirect.scatter.add.f32 [tilespmem:s22], [sflag:$0x1], $0x1, s20, s31, $0xb8;
	[tilespmem:$0x19580] =	vst v63  }
0x80: {  	s21 =	simm.s32 $0x2A80  }
0x81: {  	[spmem:s3] =	stream.indirect.scatter.add.f32 [tilespmem:s22], [sflag:$0x1], $0x1, s21, s31, $0xb8;
	[tilespmem:$0x19580] =	vst v63  }
0x82: {  	s23 =	simm.s32 $0x5280  }
0x83: {  	[spmem:s3] =	stream.indirect.scatter.add.f32 [tilespmem:s22], [sflag:$0x1], $0x1, s23, s31, $0xb8;
	[tilespmem:$0x19580] =	vst v63  }
0x84: {  	s25 =	simm.s32 $0x2B00  }
0x85: {  	[spmem:s3] =	stream.indirect.scatter.add.f32 [tilespmem:s22], [sflag:$0x1], $0x1, s25, s31, $0xb8;
	[tilespmem:$0x19580] =	vst v63  }
0x86: {  	s5 =	simm.s32 $0x5300  }
0x87: {  	[spmem:s3] =	stream.indirect.scatter.add.f32 [tilespmem:s22], [sflag:$0x1], $0x1, s5, s31, $0xb8;
	[tilespmem:$0x19580] =	vst v63  }
0x88: {  	s6 =	simm.s32 $0x2B80  }
0x89: {  	[spmem:s3] =	stream.indirect.scatter.add.f32 [tilespmem:s22], [sflag:$0x1], $0x1, s6, s31, $0xb8;
	[tilespmem:$0x19580] =	vst v63  }
0x8a: {  	s7 =	simm.s32 $0x5380  }
0x8b: {  	[spmem:s3] =	stream.indirect.scatter.add.f32 [tilespmem:s22], [sflag:$0x1], $0x1, s7, s31, $0xb8;
	[tilespmem:$0x19580] =	vst v63  }
0x8c: {  	s8 =	simm.s32 $0x2C00  }
0x8d: {  	[spmem:s3] =	stream.indirect.scatter.add.f32 [tilespmem:s22], [sflag:$0x2], $0x1, s8, s31, $0xb8;
	[tilespmem:$0x19580] =	vst v63  }
0x8e: {  	s9 =	simm.s32 $0x5400  }
0x8f: {  	[spmem:s3] =	stream.indirect.scatter.add.f32 [tilespmem:s22], [sflag:$0x2], $0x1, s9, s31, $0xb8;
	[tilespmem:$0x19580] =	vst v63  }
0x90: {  	s10 =	simm.s32 $0x2C80  }
0x91: {  	[spmem:s3] =	stream.indirect.scatter.add.f32 [tilespmem:s22], [sflag:$0x2], $0x1, s10, s31, $0xb8;
	[tilespmem:$0x19580] =	vst v63  }
0x92: {  	s11 =	simm.s32 $0x5480  }
0x93: {  	[spmem:s3] =	stream.indirect.scatter.add.f32 [tilespmem:s22], [sflag:$0x2], $0x1, s11, s31, $0xb8;
	[tilespmem:$0x19580] =	vst v63  }
0x94: {  	s12 =	simm.s32 $0x2D00  }
0x95: {  	[spmem:s3] =	stream.indirect.scatter.add.f32 [tilespmem:s22], [sflag:$0x2], $0x1, s12, s31, $0xb8;
	[tilespmem:$0x19580] =	vst v63  }
0x96: {  	s13 =	simm.s32 $0x5500  }
0x97: {  	[spmem:s3] =	stream.indirect.scatter.add.f32 [tilespmem:s22], [sflag:$0x2], $0x1, s13, s31, $0xb8;
	[tilespmem:$0x19580] =	vst v63  }
0x98: {  	s14 =	simm.s32 $0x2D80  }
0x99: {  	[spmem:s3] =	stream.indirect.scatter.add.f32 [tilespmem:s22], [sflag:$0x2], $0x1, s14, s31, $0xb8;
	[tilespmem:$0x19580] =	vst v63  }
0x9a: {  	s15 =	simm.s32 $0x5580  }
0x9b: {  	[spmem:s3] =	stream.indirect.scatter.add.f32 [tilespmem:s22], [sflag:$0x2], $0x1, s15, s31, $0xb8;
	[tilespmem:$0x19580] =	vst v63  }
0x9c: {  	s16 =	simm.s32 $0x2E00  }
0x9d: {  	[spmem:s3] =	stream.indirect.scatter.add.f32 [tilespmem:s22], [sflag:$0x2], $0x1, s16, s31, $0xb8;
	[tilespmem:$0x19580] =	vst v63  }
0x9e: {  	s17 =	simm.s32 $0x5600  }
0x9f: {  	[spmem:s3] =	stream.indirect.scatter.add.f32 [tilespmem:s22], [sflag:$0x2], $0x1, s17, s31, $0xb8;
	[tilespmem:$0x19580] =	vst v63  }
0xa0: {  	s18 =	simm.s32 $0x2E80  }
0xa1: {  	[spmem:s3] =	stream.indirect.scatter.add.f32 [tilespmem:s22], [sflag:$0x2], $0x1, s18, s31, $0xb8;
	[tilespmem:$0x19580] =	vst v63  }
0xa2: {  	s19 =	simm.s32 $0x5680  }
0xa3: {  	[spmem:s3] =	stream.indirect.scatter.add.f32 [tilespmem:s22], [sflag:$0x2], $0x1, s19, s31, $0xb8;
	[tilespmem:$0x19580] =	vst v63  }
0xa4: {  	s20 =	simm.s32 $0x2F00  }
0xa5: {  	[spmem:s3] =	stream.indirect.scatter.add.f32 [tilespmem:s22], [sflag:$0x2], $0x1, s20, s31, $0xb8;
	[tilespmem:$0x19580] =	vst v63  }
0xa6: {  	s21 =	simm.s32 $0x5700  }
0xa7: {  	[spmem:s3] =	stream.indirect.scatter.add.f32 [tilespmem:s22], [sflag:$0x2], $0x1, s21, s31, $0xb8;
	[tilespmem:$0x19580] =	vst v63  }
0xa8: {  	s23 =	simm.s32 $0x2F80  }
0xa9: {  	[spmem:s3] =	stream.indirect.scatter.add.f32 [tilespmem:s22], [sflag:$0x2], $0x1, s23, s31, $0xb8;
	[tilespmem:$0x19580] =	vst v63  }
0xaa: {  	s25 =	simm.s32 $0x5780  }
0xab: {  	[spmem:s3] =	stream.indirect.scatter.add.f32 [tilespmem:s22], [sflag:$0x2], $0x1, s25, s31, $0xb8;
	[tilespmem:$0x19580] =	vst v63  }
0xac: {  	_ =	swait.ge [sflag:s29], $0x80  }
0xad: {  	[sflag:s29] =	ssyncset.done $0x0  }
0xae: {  	[sflag:s29] =	ssyncadd.s32 $0xFFFFFF80  }
0xaf: {  	_ =	swait.ge [sflag:s29], $0x80  }
0xb0: {  	[sflag:s29] =	ssyncset.done $0x0  }
0xb1: {  	[sflag:s29] =	ssyncadd.s32 $0xFFFFFF80  }
0xb2: {  	_ =	swait.ge [sflag:s29], $0x80  }
0xb3: {  	[sflag:s29] =	ssyncset.done $0x0  }
0xb4: {  	[sflag:s29] =	ssyncadd.s32 $0xFFFFFF80  }
0xb5: {  	_ =	swait.ge [sflag:s29], $0x80  }
0xb6: {  	[sflag:s29] =	ssyncset.done $0x0  }
0xb7: {  	[sflag:s29] =	ssyncadd.s32 $0xFFFFFF80  }
0xb8: {  	_ =	swait.ge [sflag:s29], $0x80  }
0xb9: {  	[sflag:s29] =	ssyncset.done $0x0  }
0xba: {  	[sflag:s29] =	ssyncadd.s32 $0xFFFFFF80  }
0xbb: {  	_ =	swait.ge [sflag:s29], $0x80  }
0xbc: {  	[sflag:s29] =	ssyncset.done $0x0  }
0xbd: {  	[sflag:s29] =	ssyncadd.s32 $0xFFFFFF80  }
0xbe: {  	_ =	swait.ge [sflag:s29], $0x80  }
0xbf: {  	[sflag:s29] =	ssyncset.done $0x0  }
0xc0: {  	[sflag:s29] =	ssyncadd.s32 $0xFFFFFF80  }
0xc1: {  	_ =	swait.ge [sflag:s29], $0x80  }
0xc2: {  	[sflag:s29] =	ssyncset.done $0x0  }
0xc3: {  	[sflag:s29] =	ssyncadd.s32 $0xFFFFFF80  }
0xc4: {  	_ =	swait.ge [sflag:s29], $0x80  }
0xc5: {  	[sflag:s29] =	ssyncset.done $0x0  }
0xc6: {  	[sflag:s29] =	ssyncadd.s32 $0xFFFFFF80  }
0xc7: {  	_ =	swait.ge [sflag:s29], $0x80  }
0xc8: {  	[sflag:s29] =	ssyncset.done $0x0  }
0xc9: {  	[sflag:s29] =	ssyncadd.s32 $0xFFFFFF80  }
0xca: {  	_ =	swait.ge [sflag:s29], $0x80  }
0xcb: {  	[sflag:s29] =	ssyncset.done $0x0  }
0xcc: {  	[sflag:s29] =	ssyncadd.s32 $0xFFFFFF80  }
0xcd: {  	_ =	swait.ge [sflag:s29], $0x80  }
0xce: {  	[sflag:s29] =	ssyncset.done $0x0  }
0xcf: {  	[sflag:s29] =	ssyncadd.s32 $0xFFFFFF80  }
0xd0: {  	_ =	swait.ge [sflag:s29], $0x80  }
0xd1: {  	[sflag:s29] =	ssyncset.done $0x0  }
0xd2: {  	[sflag:s29] =	ssyncadd.s32 $0xFFFFFF80  }
0xd3: {  	_ =	swait.ge [sflag:s29], $0x80  }
0xd4: {  	[sflag:s29] =	ssyncset.done $0x0  }
0xd5: {  	[sflag:s29] =	ssyncadd.s32 $0xFFFFFF80  }
0xd6: {  	_ =	swait.ge [sflag:s29], $0x80  }
0xd7: {  	[sflag:s29] =	ssyncset.done $0x0  }
0xd8: {  	[sflag:s29] =	ssyncadd.s32 $0xFFFFFF80  }
0xd9: {  	p1 =	por $0x0, $0x0;
	_ =	swait.ge [sflag:s29], $0x80  }
0xda: {  	s1 =	simm.s32 @!p1 $0x11800;
	[sflag:s29] =	ssyncset.done $0x0  }
0xdb: {  	s7 =	simm.s32 @!p1 $0x3000;
	s16 =	simm.s32 @!p1 $0x80;
	[sflag:s29] =	ssyncadd.s32 $0xFFFFFF80  }
0xdc: {  	[spmem:s3] =	stream.indirect.scatter.add.f32 @!p1 [tilespmem:s1], [sflag:$0x1], $0x1, s7, s16, $0xb8;
	[tilespmem:$0x19580] =	vst v63  }
0xdd: {  	s7 =	simm.s32 @!p1 $0x5800  }
0xde: {  	[spmem:s3] =	stream.indirect.scatter.add.f32 @!p1 [tilespmem:s1], [sflag:$0x1], $0x1, s7, s16, $0xb8;
	[tilespmem:$0x19580] =	vst v63  }
0xdf: {  	s7 =	simm.s32 @!p1 $0x3080  }
0xe0: {  	[spmem:s3] =	stream.indirect.scatter.add.f32 @!p1 [tilespmem:s1], [sflag:$0x1], $0x1, s7, s16, $0xb8;
	[tilespmem:$0x19580] =	vst v63  }
0xe1: {  	s7 =	simm.s32 @!p1 $0x5880  }
0xe2: {  	[spmem:s3] =	stream.indirect.scatter.add.f32 @!p1 [tilespmem:s1], [sflag:$0x1], $0x1, s7, s16, $0xb8;
	[tilespmem:$0x19580] =	vst v63  }
0xe3: {  	s7 =	simm.s32 @!p1 $0x3100  }
0xe4: {  	[spmem:s3] =	stream.indirect.scatter.add.f32 @!p1 [tilespmem:s1], [sflag:$0x1], $0x1, s7, s16, $0xb8;
	[tilespmem:$0x19580] =	vst v63  }
0xe5: {  	s7 =	simm.s32 @!p1 $0x5900  }
0xe6: {  	[spmem:s3] =	stream.indirect.scatter.add.f32 @!p1 [tilespmem:s1], [sflag:$0x1], $0x1, s7, s16, $0xb8;
	[tilespmem:$0x19580] =	vst v63  }
0xe7: {  	s7 =	simm.s32 @!p1 $0x3180  }
0xe8: {  	[spmem:s3] =	stream.indirect.scatter.add.f32 @!p1 [tilespmem:s1], [sflag:$0x1], $0x1, s7, s16, $0xb8;
	[tilespmem:$0x19580] =	vst v63  }
0xe9: {  	s7 =	simm.s32 @!p1 $0x5980  }
0xea: {  	[spmem:s3] =	stream.indirect.scatter.add.f32 @!p1 [tilespmem:s1], [sflag:$0x1], $0x1, s7, s16, $0xb8;
	[tilespmem:$0x19580] =	vst v63  }
0xeb: {  	s7 =	simm.s32 @!p1 $0x3200  }
0xec: {  	[spmem:s3] =	stream.indirect.scatter.add.f32 @!p1 [tilespmem:s1], [sflag:$0x1], $0x1, s7, s16, $0xb8;
	[tilespmem:$0x19580] =	vst v63  }
0xed: {  	s7 =	simm.s32 @!p1 $0x5A00  }
0xee: {  	[spmem:s3] =	stream.indirect.scatter.add.f32 @!p1 [tilespmem:s1], [sflag:$0x1], $0x1, s7, s16, $0xb8;
	[tilespmem:$0x19580] =	vst v63  }
0xef: {  	s7 =	simm.s32 @!p1 $0x3280  }
0xf0: {  	[spmem:s3] =	stream.indirect.scatter.add.f32 @!p1 [tilespmem:s1], [sflag:$0x1], $0x1, s7, s16, $0xb8;
	[tilespmem:$0x19580] =	vst v63  }
0xf1: {  	s7 =	simm.s32 @!p1 $0x5A80  }
0xf2: {  	[spmem:s3] =	stream.indirect.scatter.add.f32 @!p1 [tilespmem:s1], [sflag:$0x1], $0x1, s7, s16, $0xb8;
	[tilespmem:$0x19580] =	vst v63  }
0xf3: {  	s7 =	simm.s32 @!p1 $0x3300  }
0xf4: {  	[spmem:s3] =	stream.indirect.scatter.add.f32 @!p1 [tilespmem:s1], [sflag:$0x1], $0x1, s7, s16, $0xb8;
	[tilespmem:$0x19580] =	vst v63  }
0xf5: {  	s7 =	simm.s32 @!p1 $0x5B00  }
0xf6: {  	[spmem:s3] =	stream.indirect.scatter.add.f32 @!p1 [tilespmem:s1], [sflag:$0x1], $0x1, s7, s16, $0xb8;
	[tilespmem:$0x19580] =	vst v63  }
0xf7: {  	s7 =	simm.s32 @!p1 $0x3380  }
0xf8: {  	[spmem:s3] =	stream.indirect.scatter.add.f32 @!p1 [tilespmem:s1], [sflag:$0x1], $0x1, s7, s16, $0xb8;
	[tilespmem:$0x19580] =	vst v63  }
0xf9: {  	s7 =	simm.s32 @!p1 $0x5B80  }
0xfa: {  	[spmem:s3] =	stream.indirect.scatter.add.f32 @!p1 [tilespmem:s1], [sflag:$0x1], $0x1, s7, s16, $0xb8;
	[tilespmem:$0x19580] =	vst v63  }
0xfb: {  	_ =	swait.ge [sflag:s30], $0x80  }
0xfc: {  	[sflag:s30] =	ssyncset.done $0x0  }
0xfd: {  	[sflag:s30] =	ssyncadd.s32 $0xFFFFFF80  }
0xfe: {  	_ =	swait.ge [sflag:s30], $0x80  }
0xff: {  	[sflag:s30] =	ssyncset.done $0x0  }
0x100: {  	[sflag:s30] =	ssyncadd.s32 $0xFFFFFF80  }
0x101: {  	_ =	swait.ge [sflag:s30], $0x80  }
0x102: {  	[sflag:s30] =	ssyncset.done $0x0  }
0x103: {  	[sflag:s30] =	ssyncadd.s32 $0xFFFFFF80  }
0x104: {  	_ =	swait.ge [sflag:s30], $0x80  }
0x105: {  	[sflag:s30] =	ssyncset.done $0x0  }
0x106: {  	[sflag:s30] =	ssyncadd.s32 $0xFFFFFF80  }
0x107: {  	_ =	swait.ge [sflag:s30], $0x80  }
0x108: {  	[sflag:s30] =	ssyncset.done $0x0  }
0x109: {  	[sflag:s30] =	ssyncadd.s32 $0xFFFFFF80  }
0x10a: {  	_ =	swait.ge [sflag:s30], $0x80  }
0x10b: {  	[sflag:s30] =	ssyncset.done $0x0  }
0x10c: {  	[sflag:s30] =	ssyncadd.s32 $0xFFFFFF80  }
0x10d: {  	_ =	swait.ge [sflag:s30], $0x80  }
0x10e: {  	[sflag:s30] =	ssyncset.done $0x0  }
0x10f: {  	[sflag:s30] =	ssyncadd.s32 $0xFFFFFF80  }
0x110: {  	_ =	swait.ge [sflag:s30], $0x80  }
0x111: {  	[sflag:s30] =	ssyncset.done $0x0  }
0x112: {  	[sflag:s30] =	ssyncadd.s32 $0xFFFFFF80  }
0x113: {  	_ =	swait.ge [sflag:s30], $0x80  }
0x114: {  	[sflag:s30] =	ssyncset.done $0x0  }
0x115: {  	[sflag:s30] =	ssyncadd.s32 $0xFFFFFF80  }
0x116: {  	_ =	swait.ge [sflag:s30], $0x80  }
0x117: {  	[sflag:s30] =	ssyncset.done $0x0  }
0x118: {  	[sflag:s30] =	ssyncadd.s32 $0xFFFFFF80  }
0x119: {  	_ =	swait.ge [sflag:s30], $0x80  }
0x11a: {  	[sflag:s30] =	ssyncset.done $0x0  }
0x11b: {  	[sflag:s30] =	ssyncadd.s32 $0xFFFFFF80  }
0x11c: {  	_ =	swait.ge [sflag:s30], $0x80  }
0x11d: {  	[sflag:s30] =	ssyncset.done $0x0  }
0x11e: {  	[sflag:s30] =	ssyncadd.s32 $0xFFFFFF80  }
0x11f: {  	_ =	swait.ge [sflag:s30], $0x80  }
0x120: {  	[sflag:s30] =	ssyncset.done $0x0  }
0x121: {  	[sflag:s30] =	ssyncadd.s32 $0xFFFFFF80  }
0x122: {  	_ =	swait.ge [sflag:s30], $0x80  }
0x123: {  	[sflag:s30] =	ssyncset.done $0x0  }
0x124: {  	[sflag:s30] =	ssyncadd.s32 $0xFFFFFF80  }
0x125: {  	_ =	swait.ge [sflag:s30], $0x80  }
0x126: {  	[sflag:s30] =	ssyncset.done $0x0  }
0x127: {  	[sflag:s30] =	ssyncadd.s32 $0xFFFFFF80  }
0x128: {  	s28 =	simm.s32 $0x4000;
	_ =	swait.ge [sflag:s30], $0x80  }
0x129: {  	s1 =	simm.s32 $0x2000;
	s7 =	simm.s32 $0x800;
	[sflag:s30] =	ssyncset.done $0x0  }
.LBB2_2:
0x12a: {  	s18 =	sadd.s32 $0x2C00, s7  }
0x12b: {  	[sflag:s30] =	ssyncadd.s32 $0xFFFFFF80;
	s16 =	smov.u32 s28;
	s28 =	sadd.s32 $0x2000, s28  }
0x12c: {  	[spmem:s3] =	stream.indirect.scatter.add.f32 [tilespmem:s22], [sflag:$0x2], $0x1, s18, s31, $0xb8;
	[tilespmem:$0x19580] =	vst v63  }
0x12d: {  	p1 =	sne.s32 s28, $0xA000;
	s18 =	sadd.s32 $0x5400, s7  }
0x12e: {  	[spmem:s3] =	stream.indirect.scatter.add.f32 [tilespmem:s22], [sflag:$0x2], $0x1, s18, s31, $0xb8;
	[tilespmem:$0x19580] =	vst v63  }
0x12f: {  	s18 =	sadd.s32 $0x2C80, s7  }
0x130: {  	[spmem:s3] =	stream.indirect.scatter.add.f32 [tilespmem:s22], [sflag:$0x2], $0x1, s18, s31, $0xb8;
	[tilespmem:$0x19580] =	vst v63  }
0x131: {  	s18 =	sadd.s32 $0x5480, s7  }
0x132: {  	[spmem:s3] =	stream.indirect.scatter.add.f32 [tilespmem:s22], [sflag:$0x2], $0x1, s18, s31, $0xb8;
	[tilespmem:$0x19580] =	vst v63  }
0x133: {  	s18 =	sadd.s32 $0x2D00, s7  }
0x134: {  	[spmem:s3] =	stream.indirect.scatter.add.f32 [tilespmem:s22], [sflag:$0x2], $0x1, s18, s31, $0xb8;
	[tilespmem:$0x19580] =	vst v63  }
0x135: {  	s18 =	sadd.s32 $0x5500, s7  }
0x136: {  	[spmem:s3] =	stream.indirect.scatter.add.f32 [tilespmem:s22], [sflag:$0x2], $0x1, s18, s31, $0xb8;
	[tilespmem:$0x19580] =	vst v63  }
0x137: {  	s18 =	sadd.s32 $0x2D80, s7  }
0x138: {  	[spmem:s3] =	stream.indirect.scatter.add.f32 [tilespmem:s22], [sflag:$0x2], $0x1, s18, s31, $0xb8;
	[tilespmem:$0x19580] =	vst v63  }
0x139: {  	s18 =	sadd.s32 $0x5580, s7  }
0x13a: {  	[spmem:s3] =	stream.indirect.scatter.add.f32 [tilespmem:s22], [sflag:$0x2], $0x1, s18, s31, $0xb8;
	[tilespmem:$0x19580] =	vst v63  }
0x13b: {  	s18 =	sadd.s32 $0x2E00, s7  }
0x13c: {  	[spmem:s3] =	stream.indirect.scatter.add.f32 [tilespmem:s22], [sflag:$0x2], $0x1, s18, s31, $0xb8;
	[tilespmem:$0x19580] =	vst v63  }
0x13d: {  	s18 =	sadd.s32 $0x5600, s7  }
0x13e: {  	[spmem:s3] =	stream.indirect.scatter.add.f32 [tilespmem:s22], [sflag:$0x2], $0x1, s18, s31, $0xb8;
	[tilespmem:$0x19580] =	vst v63  }
0x13f: {  	s18 =	sadd.s32 $0x2E80, s7  }
0x140: {  	[spmem:s3] =	stream.indirect.scatter.add.f32 [tilespmem:s22], [sflag:$0x2], $0x1, s18, s31, $0xb8;
	[tilespmem:$0x19580] =	vst v63  }
0x141: {  	s18 =	sadd.s32 $0x5680, s7  }
0x142: {  	[spmem:s3] =	stream.indirect.scatter.add.f32 [tilespmem:s22], [sflag:$0x2], $0x1, s18, s31, $0xb8;
	[tilespmem:$0x19580] =	vst v63  }
0x143: {  	s18 =	sadd.s32 $0x2F00, s7  }
0x144: {  	[spmem:s3] =	stream.indirect.scatter.add.f32 [tilespmem:s22], [sflag:$0x2], $0x1, s18, s31, $0xb8;
	[tilespmem:$0x19580] =	vst v63  }
0x145: {  	s18 =	sadd.s32 $0x5700, s7  }
0x146: {  	[spmem:s3] =	stream.indirect.scatter.add.f32 [tilespmem:s22], [sflag:$0x2], $0x1, s18, s31, $0xb8;
	[tilespmem:$0x19580] =	vst v63  }
0x147: {  	s18 =	sadd.s32 $0x2F80, s7  }
0x148: {  	[spmem:s3] =	stream.indirect.scatter.add.f32 [tilespmem:s22], [sflag:$0x2], $0x1, s18, s31, $0xb8;
	[tilespmem:$0x19580] =	vst v63  }
0x149: {  	s7 =	sadd.s32 $0x5780, s7  }
0x14a: {  	[spmem:s3] =	stream.indirect.scatter.add.f32 [tilespmem:s22], [sflag:$0x2], $0x1, s7, s31, $0xb8;
	[tilespmem:$0x19580] =	vst v63  }
0x14b: {  	_ =	swait.ge [sflag:s29], $0x80  }
0x14c: {  	[sflag:s29] =	ssyncset.done $0x0  }
0x14d: {  	[sflag:s29] =	ssyncadd.s32 $0xFFFFFF80  }
0x14e: {  	_ =	swait.ge [sflag:s29], $0x80  }
0x14f: {  	[sflag:s29] =	ssyncset.done $0x0  }
0x150: {  	[sflag:s29] =	ssyncadd.s32 $0xFFFFFF80  }
0x151: {  	_ =	swait.ge [sflag:s29], $0x80  }
0x152: {  	[sflag:s29] =	ssyncset.done $0x0  }
0x153: {  	[sflag:s29] =	ssyncadd.s32 $0xFFFFFF80  }
0x154: {  	_ =	swait.ge [sflag:s29], $0x80  }
0x155: {  	[sflag:s29] =	ssyncset.done $0x0  }
0x156: {  	[sflag:s29] =	ssyncadd.s32 $0xFFFFFF80  }
0x157: {  	_ =	swait.ge [sflag:s29], $0x80  }
0x158: {  	[sflag:s29] =	ssyncset.done $0x0  }
0x159: {  	[sflag:s29] =	ssyncadd.s32 $0xFFFFFF80  }
0x15a: {  	_ =	swait.ge [sflag:s29], $0x80  }
0x15b: {  	[sflag:s29] =	ssyncset.done $0x0  }
0x15c: {  	[sflag:s29] =	ssyncadd.s32 $0xFFFFFF80  }
0x15d: {  	_ =	swait.ge [sflag:s29], $0x80  }
0x15e: {  	[sflag:s29] =	ssyncset.done $0x0  }
0x15f: {  	[sflag:s29] =	ssyncadd.s32 $0xFFFFFF80  }
0x160: {  	_ =	swait.ge [sflag:s29], $0x80  }
0x161: {  	[sflag:s29] =	ssyncset.done $0x0  }
0x162: {  	[sflag:s29] =	ssyncadd.s32 $0xFFFFFF80  }
0x163: {  	_ =	swait.ge [sflag:s29], $0x80  }
0x164: {  	[sflag:s29] =	ssyncset.done $0x0  }
0x165: {  	[sflag:s29] =	ssyncadd.s32 $0xFFFFFF80  }
0x166: {  	_ =	swait.ge [sflag:s29], $0x80  }
0x167: {  	[sflag:s29] =	ssyncset.done $0x0  }
0x168: {  	[sflag:s29] =	ssyncadd.s32 $0xFFFFFF80  }
0x169: {  	_ =	swait.ge [sflag:s29], $0x80  }
0x16a: {  	[sflag:s29] =	ssyncset.done $0x0  }
0x16b: {  	[sflag:s29] =	ssyncadd.s32 $0xFFFFFF80  }
0x16c: {  	_ =	swait.ge [sflag:s29], $0x80  }
0x16d: {  	[sflag:s29] =	ssyncset.done $0x0  }
0x16e: {  	[sflag:s29] =	ssyncadd.s32 $0xFFFFFF80  }
0x16f: {  	_ =	swait.ge [sflag:s29], $0x80  }
0x170: {  	[sflag:s29] =	ssyncset.done $0x0  }
0x171: {  	[sflag:s29] =	ssyncadd.s32 $0xFFFFFF80  }
0x172: {  	_ =	swait.ge [sflag:s29], $0x80  }
0x173: {  	[sflag:s29] =	ssyncset.done $0x0  }
0x174: {  	[sflag:s29] =	ssyncadd.s32 $0xFFFFFF80  }
0x175: {  	_ =	swait.ge [sflag:s29], $0x80  }
0x176: {  	[sflag:s29] =	ssyncset.done $0x0  }
0x177: {  	[sflag:s29] =	ssyncadd.s32 $0xFFFFFF80  }
0x178: {  	p2 =	seq.s32 s1, $0x8000;
	_ =	swait.ge [sflag:s29], $0x80  }
0x179: {  	s1 =	sshra.s32 @!p2 s1, $0x2;
	s7 =	simm.s32 @!p2 $0x11800;
	[sflag:s29] =	ssyncset.done $0x0  }
0x17a: {  	s8 =	sadd.s32 @!p2 $0x3000, s1;
	s18 =	simm.s32 @!p2 $0x80;
	[sflag:s29] =	ssyncadd.s32 $0xFFFFFF80  }
0x17b: {  	[spmem:s3] =	stream.indirect.scatter.add.f32 @!p2 [tilespmem:s7], [sflag:$0x1], $0x1, s8, s18, $0xb8;
	[tilespmem:$0x19580] =	vst v63  }
0x17c: {  	s23 =	sadd.s32 @!p2 $0x3080, s1;
	s9 =	sadd.s32 @!p2 $0x5880, s1;
	s8 =	sadd.s32 @!p2 $0x5800, s1  }
0x17d: {  	[spmem:s3] =	stream.indirect.scatter.add.f32 @!p2 [tilespmem:s7], [sflag:$0x1], $0x1, s8, s18, $0xb8;
	[tilespmem:$0x19580] =	vst v63  }
0x17e: {  	s25 =	sadd.s32 @!p2 $0x5900, s1;
	s11 =	sadd.s32 @!p2 $0x3180, s1;
	s8 =	sadd.s32 @!p2 $0x3100, s1  }
0x17f: {  	[spmem:s3] =	stream.indirect.scatter.add.f32 @!p2 [tilespmem:s7], [sflag:$0x1], $0x1, s23, s18, $0xb8;
	[tilespmem:$0x19580] =	vst v63  }
0x180: {  	s13 =	sadd.s32 @!p2 $0x3200, s1;
	s14 =	sadd.s32 @!p2 $0x5A00, s1;
	s23 =	sadd.s32 @!p2 $0x5980, s1  }
0x181: {  	[spmem:s3] =	stream.indirect.scatter.add.f32 @!p2 [tilespmem:s7], [sflag:$0x1], $0x1, s9, s18, $0xb8;
	[tilespmem:$0x19580] =	vst v63  }
0x182: {  	s15 =	sadd.s32 @!p2 $0x5A80, s1;
	s17 =	sadd.s32 @!p2 $0x3300, s1;
	s9 =	sadd.s32 @!p2 $0x3280, s1  }
0x183: {  	[spmem:s3] =	stream.indirect.scatter.add.f32 @!p2 [tilespmem:s7], [sflag:$0x1], $0x1, s8, s18, $0xb8;
	[tilespmem:$0x19580] =	vst v63  }
0x184: {  	s20 =	sadd.s32 @!p2 $0x3380, s1;
	s21 =	sadd.s32 @!p2 $0x5B80, s1;
	s8 =	sadd.s32 @!p2 $0x5B00, s1  }
0x185: {  	[spmem:s3] =	stream.indirect.scatter.add.f32 @!p2 [tilespmem:s7], [sflag:$0x1], $0x1, s25, s18, $0xb8;
	[tilespmem:$0x19580] =	vst v63  }
0x186: {  	s1 =	smov.u32 s16  }
0x187: {  	[spmem:s3] =	stream.indirect.scatter.add.f32 @!p2 [tilespmem:s7], [sflag:$0x1], $0x1, s11, s18, $0xb8;
	[tilespmem:$0x19580] =	vst v63  }
0x188: {  	_ = 	snop  }
0x189: {  	[spmem:s3] =	stream.indirect.scatter.add.f32 @!p2 [tilespmem:s7], [sflag:$0x1], $0x1, s23, s18, $0xb8;
	[tilespmem:$0x19580] =	vst v63  }
0x18a: {  	_ = 	snop  }
0x18b: {  	[spmem:s3] =	stream.indirect.scatter.add.f32 @!p2 [tilespmem:s7], [sflag:$0x1], $0x1, s13, s18, $0xb8;
	[tilespmem:$0x19580] =	vst v63  }
0x18c: {  	_ = 	snop  }
0x18d: {  	[spmem:s3] =	stream.indirect.scatter.add.f32 @!p2 [tilespmem:s7], [sflag:$0x1], $0x1, s14, s18, $0xb8;
	[tilespmem:$0x19580] =	vst v63  }
0x18e: {  	_ = 	snop  }
0x18f: {  	[spmem:s3] =	stream.indirect.scatter.add.f32 @!p2 [tilespmem:s7], [sflag:$0x1], $0x1, s9, s18, $0xb8;
	[tilespmem:$0x19580] =	vst v63  }
0x190: {  	_ = 	snop  }
0x191: {  	[spmem:s3] =	stream.indirect.scatter.add.f32 @!p2 [tilespmem:s7], [sflag:$0x1], $0x1, s15, s18, $0xb8;
	[tilespmem:$0x19580] =	vst v63  }
0x192: {  	_ = 	snop  }
0x193: {  	[spmem:s3] =	stream.indirect.scatter.add.f32 @!p2 [tilespmem:s7], [sflag:$0x1], $0x1, s17, s18, $0xb8;
	[tilespmem:$0x19580] =	vst v63  }
0x194: {  	_ = 	snop  }
0x195: {  	[spmem:s3] =	stream.indirect.scatter.add.f32 @!p2 [tilespmem:s7], [sflag:$0x1], $0x1, s8, s18, $0xb8;
	[tilespmem:$0x19580] =	vst v63  }
0x196: {  	_ = 	snop  }
0x197: {  	[spmem:s3] =	stream.indirect.scatter.add.f32 @!p2 [tilespmem:s7], [sflag:$0x1], $0x1, s20, s18, $0xb8;
	[tilespmem:$0x19580] =	vst v63  }
0x198: {  	_ = 	snop  }
0x199: {  	[spmem:s3] =	stream.indirect.scatter.add.f32 @!p2 [tilespmem:s7], [sflag:$0x1], $0x1, s21, s18, $0xb8;
	[tilespmem:$0x19580] =	vst v63  }
0x19a: {  	_ =	swait.ge [sflag:s30], $0x80  }
0x19b: {  	[sflag:s30] =	ssyncset.done $0x0  }
0x19c: {  	[sflag:s30] =	ssyncadd.s32 $0xFFFFFF80  }
0x19d: {  	_ =	swait.ge [sflag:s30], $0x80  }
0x19e: {  	[sflag:s30] =	ssyncset.done $0x0  }
0x19f: {  	[sflag:s30] =	ssyncadd.s32 $0xFFFFFF80  }
0x1a0: {  	_ =	swait.ge [sflag:s30], $0x80  }
0x1a1: {  	[sflag:s30] =	ssyncset.done $0x0  }
0x1a2: {  	[sflag:s30] =	ssyncadd.s32 $0xFFFFFF80  }
0x1a3: {  	_ =	swait.ge [sflag:s30], $0x80  }
0x1a4: {  	[sflag:s30] =	ssyncset.done $0x0  }
0x1a5: {  	[sflag:s30] =	ssyncadd.s32 $0xFFFFFF80  }
0x1a6: {  	_ =	swait.ge [sflag:s30], $0x80  }
0x1a7: {  	[sflag:s30] =	ssyncset.done $0x0  }
0x1a8: {  	[sflag:s30] =	ssyncadd.s32 $0xFFFFFF80  }
0x1a9: {  	_ =	swait.ge [sflag:s30], $0x80  }
0x1aa: {  	[sflag:s30] =	ssyncset.done $0x0  }
0x1ab: {  	[sflag:s30] =	ssyncadd.s32 $0xFFFFFF80  }
0x1ac: {  	_ =	swait.ge [sflag:s30], $0x80  }
0x1ad: {  	[sflag:s30] =	ssyncset.done $0x0  }
0x1ae: {  	[sflag:s30] =	ssyncadd.s32 $0xFFFFFF80  }
0x1af: {  	_ =	swait.ge [sflag:s30], $0x80  }
0x1b0: {  	[sflag:s30] =	ssyncset.done $0x0  }
0x1b1: {  	[sflag:s30] =	ssyncadd.s32 $0xFFFFFF80  }
0x1b2: {  	_ =	swait.ge [sflag:s30], $0x80  }
0x1b3: {  	[sflag:s30] =	ssyncset.done $0x0  }
0x1b4: {  	[sflag:s30] =	ssyncadd.s32 $0xFFFFFF80  }
0x1b5: {  	_ =	swait.ge [sflag:s30], $0x80  }
0x1b6: {  	[sflag:s30] =	ssyncset.done $0x0  }
0x1b7: {  	[sflag:s30] =	ssyncadd.s32 $0xFFFFFF80  }
0x1b8: {  	_ =	swait.ge [sflag:s30], $0x80  }
0x1b9: {  	[sflag:s30] =	ssyncset.done $0x0  }
0x1ba: {  	[sflag:s30] =	ssyncadd.s32 $0xFFFFFF80  }
0x1bb: {  	_ =	swait.ge [sflag:s30], $0x80  }
0x1bc: {  	[sflag:s30] =	ssyncset.done $0x0  }
0x1bd: {  	[sflag:s30] =	ssyncadd.s32 $0xFFFFFF80  }
0x1be: {  	_ =	swait.ge [sflag:s30], $0x80  }
0x1bf: {  	[sflag:s30] =	ssyncset.done $0x0  }
0x1c0: {  	[sflag:s30] =	ssyncadd.s32 $0xFFFFFF80  }
0x1c1: {  	_ =	swait.ge [sflag:s30], $0x80  }
0x1c2: {  	[sflag:s30] =	ssyncset.done $0x0  }
0x1c3: {  	[sflag:s30] =	ssyncadd.s32 $0xFFFFFF80  }
.Ltmp2:
0x1c4: {  	_ =	swait.ge [sflag:s30], $0x80;
	(pc) =	sbr.rel @p1 .LBB2_2-.Ltmp2, $4  }
0x1c5: {  	[sflag:s30] =	ssyncset.done $0x0  }
0x1c6: {  	[sflag:s30] =	ssyncadd.s32 $0xFFFFFF80  }
0x1c7: {  	_ =	swait.ge [sflag:s30], $0x80  }
0x1c8: {  	s7 =	sshra.s32 s1, $0x2;
	[sflag:s30] =	ssyncset.done $0x0  }
0x1c9: {  	s8 =	sadd.s32 $0x2C00, s7;
	[sflag:s30] =	ssyncadd.s32 $0xFFFFFF80  }
0x1ca: {  	[spmem:s3] =	stream.indirect.scatter.add.f32 [tilespmem:s22], [sflag:$0x2], $0x1, s8, s31, $0xb8;
	[tilespmem:$0x19580] =	vst v63  }
0x1cb: {  	s9 =	sadd.s32 $0x5400, s7  }
0x1cc: {  	[spmem:s3] =	stream.indirect.scatter.add.f32 [tilespmem:s22], [sflag:$0x2], $0x1, s9, s31, $0xb8;
	[tilespmem:$0x19580] =	vst v63  }
0x1cd: {  	s10 =	sadd.s32 $0x2C80, s7  }
0x1ce: {  	[spmem:s3] =	stream.indirect.scatter.add.f32 [tilespmem:s22], [sflag:$0x2], $0x1, s10, s31, $0xb8;
	[tilespmem:$0x19580] =	vst v63  }
0x1cf: {  	s11 =	sadd.s32 $0x5480, s7  }
0x1d0: {  	[spmem:s3] =	stream.indirect.scatter.add.f32 [tilespmem:s22], [sflag:$0x2], $0x1, s11, s31, $0xb8;
	[tilespmem:$0x19580] =	vst v63  }
0x1d1: {  	s12 =	sadd.s32 $0x2D00, s7  }
0x1d2: {  	[spmem:s3] =	stream.indirect.scatter.add.f32 [tilespmem:s22], [sflag:$0x2], $0x1, s12, s31, $0xb8;
	[tilespmem:$0x19580] =	vst v63  }
0x1d3: {  	s13 =	sadd.s32 $0x5500, s7  }
0x1d4: {  	[spmem:s3] =	stream.indirect.scatter.add.f32 [tilespmem:s22], [sflag:$0x2], $0x1, s13, s31, $0xb8;
	[tilespmem:$0x19580] =	vst v63  }
0x1d5: {  	s14 =	sadd.s32 $0x2D80, s7  }
0x1d6: {  	[spmem:s3] =	stream.indirect.scatter.add.f32 [tilespmem:s22], [sflag:$0x2], $0x1, s14, s31, $0xb8;
	[tilespmem:$0x19580] =	vst v63  }
0x1d7: {  	s15 =	sadd.s32 $0x5580, s7  }
0x1d8: {  	[spmem:s3] =	stream.indirect.scatter.add.f32 [tilespmem:s22], [sflag:$0x2], $0x1, s15, s31, $0xb8;
	[tilespmem:$0x19580] =	vst v63  }
0x1d9: {  	s16 =	sadd.s32 $0x2E00, s7  }
0x1da: {  	[spmem:s3] =	stream.indirect.scatter.add.f32 [tilespmem:s22], [sflag:$0x2], $0x1, s16, s31, $0xb8;
	[tilespmem:$0x19580] =	vst v63  }
0x1db: {  	s17 =	sadd.s32 $0x5600, s7  }
0x1dc: {  	[spmem:s3] =	stream.indirect.scatter.add.f32 [tilespmem:s22], [sflag:$0x2], $0x1, s17, s31, $0xb8;
	[tilespmem:$0x19580] =	vst v63  }
0x1dd: {  	s18 =	sadd.s32 $0x2E80, s7  }
0x1de: {  	[spmem:s3] =	stream.indirect.scatter.add.f32 [tilespmem:s22], [sflag:$0x2], $0x1, s18, s31, $0xb8;
	[tilespmem:$0x19580] =	vst v63  }
0x1df: {  	s19 =	sadd.s32 $0x5680, s7  }
0x1e0: {  	[spmem:s3] =	stream.indirect.scatter.add.f32 [tilespmem:s22], [sflag:$0x2], $0x1, s19, s31, $0xb8;
	[tilespmem:$0x19580] =	vst v63  }
0x1e1: {  	s20 =	sadd.s32 $0x2F00, s7  }
0x1e2: {  	[spmem:s3] =	stream.indirect.scatter.add.f32 [tilespmem:s22], [sflag:$0x2], $0x1, s20, s31, $0xb8;
	[tilespmem:$0x19580] =	vst v63  }
0x1e3: {  	s21 =	sadd.s32 $0x5700, s7  }
0x1e4: {  	[spmem:s3] =	stream.indirect.scatter.add.f32 [tilespmem:s22], [sflag:$0x2], $0x1, s21, s31, $0xb8;
	[tilespmem:$0x19580] =	vst v63  }
0x1e5: {  	s23 =	sadd.s32 $0x2F80, s7  }
0x1e6: {  	[spmem:s3] =	stream.indirect.scatter.add.f32 [tilespmem:s22], [sflag:$0x2], $0x1, s23, s31, $0xb8;
	[tilespmem:$0x19580] =	vst v63  }
0x1e7: {  	s25 =	sadd.s32 $0x5780, s7  }
0x1e8: {  	[spmem:s3] =	stream.indirect.scatter.add.f32 [tilespmem:s22], [sflag:$0x2], $0x1, s25, s31, $0xb8;
	[tilespmem:$0x19580] =	vst v63  }
0x1e9: {  	_ =	swait.ge [sflag:s29], $0x80  }
0x1ea: {  	[sflag:s29] =	ssyncset.done $0x0  }
0x1eb: {  	[sflag:s29] =	ssyncadd.s32 $0xFFFFFF80  }
0x1ec: {  	_ =	swait.ge [sflag:s29], $0x80  }
0x1ed: {  	[sflag:s29] =	ssyncset.done $0x0  }
0x1ee: {  	[sflag:s29] =	ssyncadd.s32 $0xFFFFFF80  }
0x1ef: {  	_ =	swait.ge [sflag:s29], $0x80  }
0x1f0: {  	[sflag:s29] =	ssyncset.done $0x0  }
0x1f1: {  	[sflag:s29] =	ssyncadd.s32 $0xFFFFFF80  }
0x1f2: {  	_ =	swait.ge [sflag:s29], $0x80  }
0x1f3: {  	[sflag:s29] =	ssyncset.done $0x0  }
0x1f4: {  	[sflag:s29] =	ssyncadd.s32 $0xFFFFFF80  }
0x1f5: {  	_ =	swait.ge [sflag:s29], $0x80  }
0x1f6: {  	[sflag:s29] =	ssyncset.done $0x0  }
0x1f7: {  	[sflag:s29] =	ssyncadd.s32 $0xFFFFFF80  }
0x1f8: {  	_ =	swait.ge [sflag:s29], $0x80  }
0x1f9: {  	[sflag:s29] =	ssyncset.done $0x0  }
0x1fa: {  	[sflag:s29] =	ssyncadd.s32 $0xFFFFFF80  }
0x1fb: {  	_ =	swait.ge [sflag:s29], $0x80  }
0x1fc: {  	[sflag:s29] =	ssyncset.done $0x0  }
0x1fd: {  	[sflag:s29] =	ssyncadd.s32 $0xFFFFFF80  }
0x1fe: {  	_ =	swait.ge [sflag:s29], $0x80  }
0x1ff: {  	[sflag:s29] =	ssyncset.done $0x0  }
0x200: {  	[sflag:s29] =	ssyncadd.s32 $0xFFFFFF80  }
0x201: {  	_ =	swait.ge [sflag:s29], $0x80  }
0x202: {  	[sflag:s29] =	ssyncset.done $0x0  }
0x203: {  	[sflag:s29] =	ssyncadd.s32 $0xFFFFFF80  }
0x204: {  	_ =	swait.ge [sflag:s29], $0x80  }
0x205: {  	[sflag:s29] =	ssyncset.done $0x0  }
0x206: {  	[sflag:s29] =	ssyncadd.s32 $0xFFFFFF80  }
0x207: {  	_ =	swait.ge [sflag:s29], $0x80  }
0x208: {  	[sflag:s29] =	ssyncset.done $0x0  }
0x209: {  	[sflag:s29] =	ssyncadd.s32 $0xFFFFFF80  }
0x20a: {  	_ =	swait.ge [sflag:s29], $0x80  }
0x20b: {  	[sflag:s29] =	ssyncset.done $0x0  }
0x20c: {  	[sflag:s29] =	ssyncadd.s32 $0xFFFFFF80  }
0x20d: {  	_ =	swait.ge [sflag:s29], $0x80  }
0x20e: {  	[sflag:s29] =	ssyncset.done $0x0  }
0x20f: {  	[sflag:s29] =	ssyncadd.s32 $0xFFFFFF80  }
0x210: {  	_ =	swait.ge [sflag:s29], $0x80  }
0x211: {  	[sflag:s29] =	ssyncset.done $0x0  }
0x212: {  	[sflag:s29] =	ssyncadd.s32 $0xFFFFFF80  }
0x213: {  	_ =	swait.ge [sflag:s29], $0x80  }
0x214: {  	[sflag:s29] =	ssyncset.done $0x0  }
0x215: {  	[sflag:s29] =	ssyncadd.s32 $0xFFFFFF80  }
0x216: {  	p1 =	seq.s32 s1, $0x8000;
	_ =	swait.ge [sflag:s29], $0x80  }
0x217: {  	s1 =	sshra.s32 @!p1 s1, $0x2;
	s7 =	simm.s32 @!p1 $0x11800;
	[sflag:s29] =	ssyncset.done $0x0  }
0x218: {  	s8 =	sadd.s32 @!p1 $0x3000, s1;
	s9 =	simm.s32 @!p1 $0x80;
	[sflag:s29] =	ssyncadd.s32 $0xFFFFFF80  }
0x219: {  	[spmem:s3] =	stream.indirect.scatter.add.f32 @!p1 [tilespmem:s7], [sflag:$0x1], $0x1, s8, s9, $0xb8;
	[tilespmem:$0x19580] =	vst v63  }
0x21a: {  	s8 =	sadd.s32 @!p1 $0x5800, s1  }
0x21b: {  	[spmem:s3] =	stream.indirect.scatter.add.f32 @!p1 [tilespmem:s7], [sflag:$0x1], $0x1, s8, s9, $0xb8;
	[tilespmem:$0x19580] =	vst v63  }
0x21c: {  	s8 =	sadd.s32 @!p1 $0x3080, s1  }
0x21d: {  	[spmem:s3] =	stream.indirect.scatter.add.f32 @!p1 [tilespmem:s7], [sflag:$0x1], $0x1, s8, s9, $0xb8;
	[tilespmem:$0x19580] =	vst v63  }
0x21e: {  	s8 =	sadd.s32 @!p1 $0x5880, s1  }
0x21f: {  	[spmem:s3] =	stream.indirect.scatter.add.f32 @!p1 [tilespmem:s7], [sflag:$0x1], $0x1, s8, s9, $0xb8;
	[tilespmem:$0x19580] =	vst v63  }
0x220: {  	s8 =	sadd.s32 @!p1 $0x3100, s1  }
0x221: {  	[spmem:s3] =	stream.indirect.scatter.add.f32 @!p1 [tilespmem:s7], [sflag:$0x1], $0x1, s8, s9, $0xb8;
	[tilespmem:$0x19580] =	vst v63  }
0x222: {  	s8 =	sadd.s32 @!p1 $0x5900, s1  }
0x223: {  	[spmem:s3] =	stream.indirect.scatter.add.f32 @!p1 [tilespmem:s7], [sflag:$0x1], $0x1, s8, s9, $0xb8;
	[tilespmem:$0x19580] =	vst v63  }
0x224: {  	s8 =	sadd.s32 @!p1 $0x3180, s1  }
0x225: {  	[spmem:s3] =	stream.indirect.scatter.add.f32 @!p1 [tilespmem:s7], [sflag:$0x1], $0x1, s8, s9, $0xb8;
	[tilespmem:$0x19580] =	vst v63  }
0x226: {  	s8 =	sadd.s32 @!p1 $0x5980, s1  }
0x227: {  	[spmem:s3] =	stream.indirect.scatter.add.f32 @!p1 [tilespmem:s7], [sflag:$0x1], $0x1, s8, s9, $0xb8;
	[tilespmem:$0x19580] =	vst v63  }
0x228: {  	s8 =	sadd.s32 @!p1 $0x3200, s1  }
0x229: {  	[spmem:s3] =	stream.indirect.scatter.add.f32 @!p1 [tilespmem:s7], [sflag:$0x1], $0x1, s8, s9, $0xb8;
	[tilespmem:$0x19580] =	vst v63  }
0x22a: {  	s8 =	sadd.s32 @!p1 $0x5A00, s1  }
0x22b: {  	[spmem:s3] =	stream.indirect.scatter.add.f32 @!p1 [tilespmem:s7], [sflag:$0x1], $0x1, s8, s9, $0xb8;
	[tilespmem:$0x19580] =	vst v63  }
0x22c: {  	s8 =	sadd.s32 @!p1 $0x3280, s1  }
0x22d: {  	[spmem:s3] =	stream.indirect.scatter.add.f32 @!p1 [tilespmem:s7], [sflag:$0x1], $0x1, s8, s9, $0xb8;
	[tilespmem:$0x19580] =	vst v63  }
0x22e: {  	s8 =	sadd.s32 @!p1 $0x5A80, s1  }
0x22f: {  	[spmem:s3] =	stream.indirect.scatter.add.f32 @!p1 [tilespmem:s7], [sflag:$0x1], $0x1, s8, s9, $0xb8;
	[tilespmem:$0x19580] =	vst v63  }
0x230: {  	s8 =	sadd.s32 @!p1 $0x3300, s1  }
0x231: {  	[spmem:s3] =	stream.indirect.scatter.add.f32 @!p1 [tilespmem:s7], [sflag:$0x1], $0x1, s8, s9, $0xb8;
	[tilespmem:$0x19580] =	vst v63  }
0x232: {  	s8 =	sadd.s32 @!p1 $0x5B00, s1  }
0x233: {  	[spmem:s3] =	stream.indirect.scatter.add.f32 @!p1 [tilespmem:s7], [sflag:$0x1], $0x1, s8, s9, $0xb8;
	[tilespmem:$0x19580] =	vst v63  }
0x234: {  	s8 =	sadd.s32 @!p1 $0x3380, s1  }
0x235: {  	[spmem:s3] =	stream.indirect.scatter.add.f32 @!p1 [tilespmem:s7], [sflag:$0x1], $0x1, s8, s9, $0xb8;
	[tilespmem:$0x19580] =	vst v63  }
0x236: {  	s1 =	sadd.s32 @!p1 $0x5B80, s1  }
0x237: {  	[spmem:s3] =	stream.indirect.scatter.add.f32 @!p1 [tilespmem:s7], [sflag:$0x1], $0x1, s1, s9, $0xb8;
	[tilespmem:$0x19580] =	vst v63  }
0x238: {  	_ =	swait.ge [sflag:s30], $0x80  }
0x239: {  	[sflag:s30] =	ssyncset.done $0x0  }
0x23a: {  	[sflag:s30] =	ssyncadd.s32 $0xFFFFFF80  }
0x23b: {  	_ =	swait.ge [sflag:s30], $0x80  }
0x23c: {  	[sflag:s30] =	ssyncset.done $0x0  }
0x23d: {  	[sflag:s30] =	ssyncadd.s32 $0xFFFFFF80  }
0x23e: {  	_ =	swait.ge [sflag:s30], $0x80  }
0x23f: {  	[sflag:s30] =	ssyncset.done $0x0  }
0x240: {  	[sflag:s30] =	ssyncadd.s32 $0xFFFFFF80  }
0x241: {  	_ =	swait.ge [sflag:s30], $0x80  }
0x242: {  	[sflag:s30] =	ssyncset.done $0x0  }
0x243: {  	[sflag:s30] =	ssyncadd.s32 $0xFFFFFF80  }
0x244: {  	_ =	swait.ge [sflag:s30], $0x80  }
0x245: {  	[sflag:s30] =	ssyncset.done $0x0  }
0x246: {  	[sflag:s30] =	ssyncadd.s32 $0xFFFFFF80  }
0x247: {  	_ =	swait.ge [sflag:s30], $0x80  }
0x248: {  	[sflag:s30] =	ssyncset.done $0x0  }
0x249: {  	[sflag:s30] =	ssyncadd.s32 $0xFFFFFF80  }
0x24a: {  	_ =	swait.ge [sflag:s30], $0x80  }
0x24b: {  	[sflag:s30] =	ssyncset.done $0x0  }
0x24c: {  	[sflag:s30] =	ssyncadd.s32 $0xFFFFFF80  }
0x24d: {  	_ =	swait.ge [sflag:s30], $0x80  }
0x24e: {  	[sflag:s30] =	ssyncset.done $0x0  }
0x24f: {  	[sflag:s30] =	ssyncadd.s32 $0xFFFFFF80  }
0x250: {  	_ =	swait.ge [sflag:s30], $0x80  }
0x251: {  	[sflag:s30] =	ssyncset.done $0x0  }
0x252: {  	[sflag:s30] =	ssyncadd.s32 $0xFFFFFF80  }
0x253: {  	_ =	swait.ge [sflag:s30], $0x80  }
0x254: {  	[sflag:s30] =	ssyncset.done $0x0  }
0x255: {  	[sflag:s30] =	ssyncadd.s32 $0xFFFFFF80  }
0x256: {  	_ =	swait.ge [sflag:s30], $0x80  }
0x257: {  	[sflag:s30] =	ssyncset.done $0x0  }
0x258: {  	[sflag:s30] =	ssyncadd.s32 $0xFFFFFF80  }
0x259: {  	_ =	swait.ge [sflag:s30], $0x80  }
0x25a: {  	[sflag:s30] =	ssyncset.done $0x0  }
0x25b: {  	[sflag:s30] =	ssyncadd.s32 $0xFFFFFF80  }
0x25c: {  	_ =	swait.ge [sflag:s30], $0x80  }
0x25d: {  	[sflag:s30] =	ssyncset.done $0x0  }
0x25e: {  	[sflag:s30] =	ssyncadd.s32 $0xFFFFFF80  }
0x25f: {  	_ =	swait.ge [sflag:s30], $0x80  }
0x260: {  	[sflag:s30] =	ssyncset.done $0x0  }
0x261: {  	[sflag:s30] =	ssyncadd.s32 $0xFFFFFF80  }
0x262: {  	_ =	swait.ge [sflag:s30], $0x80  }
0x263: {  	[sflag:s30] =	ssyncset.done $0x0  }
0x264: {  	[sflag:s30] =	ssyncadd.s32 $0xFFFFFF80  }
0x265: {  	_ =	swait.ge [sflag:s30], $0x80  }
0x266: {  	[sflag:s30] =	ssyncset.done $0x0  }
0x267: {  	[sflag:s30] =	ssyncadd.s32 $0xFFFFFF80  }
0x268: {  	[bflag:$0x0] =	sbarrier.arrive $0xFFFF  }
0x269: {  	s6 =	simm.s32 $0x6;
	s7 =	simm.s32 $0x14080;
	s5 =	rddreg [dreg:$0xc]  }
0x26a: {  	[tilespmem:s7], [sflag:$0x6] =	stream.linear.gather [spmem:s5], $0x280, $0x38;
	[tilespmem:$0x19580] =	vst v63  }
0x26b: {  	_ =	swait.ge [sflag:s6], $0x280  }
0x26c: {  	[sflag:s6] =	ssyncset.done $0x0  }
0x26d: {  	s28 =	simm.s32 $0x40;
	s1 =	simm.s32 $0x0;
	[sflag:s6] =	ssyncadd.s32 $0xFFFFFD80  }
.LBB2_4:
0x26e: {  	p1 =	sne.s32 s28, $0x9C0;
	v0 =	vld [tilespmem:s1+$0x14080];
	_ =	sdelay $0x4  }
0x26f: {  	v0 =	vadd.f32 $1.000000000e+00, v0;
	_ =	sdelay $0x1  }
0x270: {  	(erf) = vrcp.f32 v0;
	_ =	sdelay $0x7  }
0x271: {  	v0 =	vmul.f32 $5.000000000e-01, v0  }
0x272: {  	v1 =	vpop (erf)  }
0x273: {  	v2 =	vmul.f32 v1, v0;
	_ =	sdelay $0x1  }
0x274: {  	v2 =	vmul.f32 v2, v1;
	_ =	sdelay $0x1  }
0x275: {  	v2 =	vsub.f32 $1.500000000e+00, v2;
	_ =	sdelay $0x1  }
0x276: {  	v1 =	vmul.f32 v2, v1;
	_ =	sdelay $0x1  }
0x277: {  	v2 =	vmul.f32 v1, v0;
	_ =	sdelay $0x1  }
0x278: {  	v2 =	vmul.f32 v2, v1;
	_ =	sdelay $0x1  }
0x279: {  	v2 =	vsub.f32 $1.500000000e+00, v2;
	_ =	sdelay $0x1  }
0x27a: {  	v1 =	vmul.f32 v2, v1;
	_ =	sdelay $0x1  }
0x27b: {  	v2 =	vmul.f32 v1, v0;
	_ =	sdelay $0x1  }
0x27c: {  	v2 =	vmul.f32 v2, v1;
	_ =	sdelay $0x1  }
0x27d: {  	v2 =	vsub.f32 $1.500000000e+00, v2;
	_ =	sdelay $0x1  }
0x27e: {  	v1 =	vmul.f32 v2, v1;
	_ =	sdelay $0x1  }
0x27f: {  	v2 =	vmul.f32 v1, v0;
	_ =	sdelay $0x1  }
0x280: {  	v2 =	vmul.f32 v2, v1;
	_ =	sdelay $0x1  }
0x281: {  	v2 =	vsub.f32 $1.500000000e+00, v2;
	_ =	sdelay $0x1  }
0x282: {  	v1 =	vmul.f32 v2, v1;
	_ =	sdelay $0x1  }
0x283: {  	v2 =	vmul.f32 v1, v0;
	_ =	sdelay $0x1  }
0x284: {  	v2 =	vmul.f32 v2, v1;
	_ =	sdelay $0x1  }
0x285: {  	v2 =	vsub.f32 $1.500000000e+00, v2;
	_ =	sdelay $0x1  }
0x286: {  	v1 =	vmul.f32 v2, v1;
	_ =	sdelay $0x1  }
0x287: {  	v2 =	vmul.f32 v1, v0;
	_ =	sdelay $0x1  }
0x288: {  	v2 =	vmul.f32 v2, v1;
	_ =	sdelay $0x1  }
0x289: {  	v2 =	vsub.f32 $1.500000000e+00, v2;
	_ =	sdelay $0x1  }
0x28a: {  	v1 =	vmul.f32 v2, v1;
	_ =	sdelay $0x1  }
0x28b: {  	v2 =	vmul.f32 v1, v0;
	_ =	sdelay $0x1  }
0x28c: {  	v2 =	vmul.f32 v2, v1;
	_ =	sdelay $0x1  }
0x28d: {  	v2 =	vsub.f32 $1.500000000e+00, v2;
	_ =	sdelay $0x1  }
0x28e: {  	v1 =	vmul.f32 v2, v1;
	_ =	sdelay $0x1  }
0x28f: {  	v2 =	vmul.f32 v1, v0;
	_ =	sdelay $0x1  }
0x290: {  	v2 =	vmul.f32 v2, v1;
	_ =	sdelay $0x1  }
0x291: {  	v2 =	vsub.f32 $1.500000000e+00, v2;
	_ =	sdelay $0x1  }
0x292: {  	v1 =	vmul.f32 v2, v1;
	_ =	sdelay $0x1  }
0x293: {  	v2 =	vmul.f32 v1, v0;
	_ =	sdelay $0x1  }
0x294: {  	v2 =	vmul.f32 v2, v1;
	_ =	sdelay $0x1  }
0x295: {  	v2 =	vsub.f32 $1.500000000e+00, v2;
	_ =	sdelay $0x1  }
0x296: {  	v1 =	vmul.f32 v2, v1;
	_ =	sdelay $0x1  }
0x297: {  	v2 =	vmul.f32 v1, v0;
	_ =	sdelay $0x1  }
0x298: {  	v2 =	vmul.f32 v2, v1;
	_ =	sdelay $0x1  }
0x299: {  	v2 =	vsub.f32 $1.500000000e+00, v2;
	_ =	sdelay $0x1  }
0x29a: {  	v1 =	vmul.f32 v2, v1;
	_ =	sdelay $0x1  }
0x29b: {  	v2 =	vmul.f32 v1, v0;
	_ =	sdelay $0x1  }
0x29c: {  	v2 =	vmul.f32 v2, v1;
	_ =	sdelay $0x1  }
0x29d: {  	v2 =	vsub.f32 $1.500000000e+00, v2;
	_ =	sdelay $0x1  }
0x29e: {  	v1 =	vmul.f32 v2, v1;
	_ =	sdelay $0x1  }
0x29f: {  	v2 =	vmul.f32 v1, v0;
	_ =	sdelay $0x1  }
0x2a0: {  	v2 =	vmul.f32 v2, v1;
	_ =	sdelay $0x1  }
0x2a1: {  	v2 =	vsub.f32 $1.500000000e+00, v2;
	_ =	sdelay $0x1  }
0x2a2: {  	v1 =	vmul.f32 v2, v1;
	_ =	sdelay $0x1  }
0x2a3: {  	v2 =	vmul.f32 v1, v0;
	_ =	sdelay $0x1  }
0x2a4: {  	v2 =	vmul.f32 v2, v1;
	_ =	sdelay $0x1  }
0x2a5: {  	v2 =	vsub.f32 $1.500000000e+00, v2;
	_ =	sdelay $0x1  }
0x2a6: {  	v1 =	vmul.f32 v2, v1;
	_ =	sdelay $0x1  }
0x2a7: {  	v2 =	vmul.f32 v1, v0;
	_ =	sdelay $0x1  }
0x2a8: {  	v2 =	vmul.f32 v2, v1;
	_ =	sdelay $0x1  }
0x2a9: {  	v2 =	vsub.f32 $1.500000000e+00, v2;
	_ =	sdelay $0x1  }
0x2aa: {  	v1 =	vmul.f32 v2, v1;
	_ =	sdelay $0x1  }
0x2ab: {  	v2 =	vmul.f32 v1, v0;
	_ =	sdelay $0x1  }
0x2ac: {  	v2 =	vmul.f32 v2, v1;
	_ =	sdelay $0x1  }
0x2ad: {  	v2 =	vsub.f32 $1.500000000e+00, v2;
	_ =	sdelay $0x1  }
0x2ae: {  	v1 =	vmul.f32 v2, v1;
	_ =	sdelay $0x1  }
0x2af: {  	v2 =	vmul.f32 v1, v0;
	_ =	sdelay $0x1  }
0x2b0: {  	v2 =	vmul.f32 v2, v1;
	_ =	sdelay $0x1  }
0x2b1: {  	v2 =	vsub.f32 $1.500000000e+00, v2;
	_ =	sdelay $0x1  }
0x2b2: {  	v1 =	vmul.f32 v2, v1;
	_ =	sdelay $0x1  }
0x2b3: {  	v2 =	vmul.f32 v1, v0;
	_ =	sdelay $0x1  }
0x2b4: {  	v2 =	vmul.f32 v2, v1;
	_ =	sdelay $0x1  }
0x2b5: {  	v2 =	vsub.f32 $1.500000000e+00, v2;
	_ =	sdelay $0x1  }
0x2b6: {  	v1 =	vmul.f32 v2, v1;
	_ =	sdelay $0x1  }
0x2b7: {  	v2 =	vmul.f32 v1, v0;
	_ =	sdelay $0x1  }
0x2b8: {  	v2 =	vmul.f32 v2, v1;
	_ =	sdelay $0x1  }
0x2b9: {  	v2 =	vsub.f32 $1.500000000e+00, v2;
	_ =	sdelay $0x1  }
0x2ba: {  	v1 =	vmul.f32 v2, v1;
	_ =	sdelay $0x1  }
0x2bb: {  	v2 =	vmul.f32 v1, v0;
	_ =	sdelay $0x1  }
0x2bc: {  	v2 =	vmul.f32 v2, v1;
	_ =	sdelay $0x1  }
0x2bd: {  	v2 =	vsub.f32 $1.500000000e+00, v2;
	_ =	sdelay $0x1  }
0x2be: {  	v1 =	vmul.f32 v2, v1;
	_ =	sdelay $0x1  }
0x2bf: {  	v2 =	vmul.f32 v1, v0;
	_ =	sdelay $0x1  }
0x2c0: {  	v2 =	vmul.f32 v2, v1;
	_ =	sdelay $0x1  }
0x2c1: {  	v2 =	vsub.f32 $1.500000000e+00, v2;
	_ =	sdelay $0x1  }
0x2c2: {  	v1 =	vmul.f32 v2, v1;
	_ =	sdelay $0x1  }
0x2c3: {  	v2 =	vmul.f32 v1, v0;
	_ =	sdelay $0x1  }
0x2c4: {  	v2 =	vmul.f32 v2, v1;
	_ =	sdelay $0x1  }
0x2c5: {  	v2 =	vsub.f32 $1.500000000e+00, v2;
	_ =	sdelay $0x1  }
0x2c6: {  	v1 =	vmul.f32 v2, v1;
	_ =	sdelay $0x1  }
0x2c7: {  	v0 =	vmul.f32 v1, v0;
	_ =	sdelay $0x1  }
0x2c8: {  	v0 =	vmul.f32 v0, v1;
	_ =	sdelay $0x1  }
.Ltmp3:
0x2c9: {  	v0 =	vsub.f32 $1.500000000e+00, v0;
	(pc) =	sbr.rel @p1 .LBB2_4-.Ltmp3, $3  }
0x2ca: {  	_ = 	snop  }
0x2cb: {  	v0 =	vmul.f32 v0, v1;
	_ =	sdelay $0x1  }
0x2cc: {  	[tilespmem:s1+$0x14080] =	vst v0;
	s1 =	sshra.s32 s28, $0x2;
	s28 =	sadd.s32 $0x40, s28  }
0x2cd: {  	v0 =	vld [tilespmem:s1+$0x14080];
	_ =	sdelay $0x4  }
0x2ce: {  	v0 =	vadd.f32 $1.000000000e+00, v0;
	_ =	sdelay $0x1  }
0x2cf: {  	(erf) = vrcp.f32 v0;
	_ =	sdelay $0x7  }
0x2d0: {  	v0 =	vmul.f32 $5.000000000e-01, v0  }
0x2d1: {  	v1 =	vpop (erf)  }
0x2d2: {  	v2 =	vmul.f32 v1, v0;
	_ =	sdelay $0x1  }
0x2d3: {  	v2 =	vmul.f32 v2, v1;
	_ =	sdelay $0x1  }
0x2d4: {  	v2 =	vsub.f32 $1.500000000e+00, v2;
	_ =	sdelay $0x1  }
0x2d5: {  	v1 =	vmul.f32 v2, v1;
	_ =	sdelay $0x1  }
0x2d6: {  	v2 =	vmul.f32 v1, v0;
	_ =	sdelay $0x1  }
0x2d7: {  	v2 =	vmul.f32 v2, v1;
	_ =	sdelay $0x1  }
0x2d8: {  	v2 =	vsub.f32 $1.500000000e+00, v2;
	_ =	sdelay $0x1  }
0x2d9: {  	v1 =	vmul.f32 v2, v1;
	_ =	sdelay $0x1  }
0x2da: {  	v2 =	vmul.f32 v1, v0;
	_ =	sdelay $0x1  }
0x2db: {  	v2 =	vmul.f32 v2, v1;
	_ =	sdelay $0x1  }
0x2dc: {  	v2 =	vsub.f32 $1.500000000e+00, v2;
	_ =	sdelay $0x1  }
0x2dd: {  	v1 =	vmul.f32 v2, v1;
	_ =	sdelay $0x1  }
0x2de: {  	v2 =	vmul.f32 v1, v0;
	_ =	sdelay $0x1  }
0x2df: {  	v2 =	vmul.f32 v2, v1;
	_ =	sdelay $0x1  }
0x2e0: {  	v2 =	vsub.f32 $1.500000000e+00, v2;
	_ =	sdelay $0x1  }
0x2e1: {  	v1 =	vmul.f32 v2, v1;
	_ =	sdelay $0x1  }
0x2e2: {  	v2 =	vmul.f32 v1, v0;
	_ =	sdelay $0x1  }
0x2e3: {  	v2 =	vmul.f32 v2, v1;
	_ =	sdelay $0x1  }
0x2e4: {  	v2 =	vsub.f32 $1.500000000e+00, v2;
	_ =	sdelay $0x1  }
0x2e5: {  	v1 =	vmul.f32 v2, v1;
	_ =	sdelay $0x1  }
0x2e6: {  	v2 =	vmul.f32 v1, v0;
	_ =	sdelay $0x1  }
0x2e7: {  	v2 =	vmul.f32 v2, v1;
	_ =	sdelay $0x1  }
0x2e8: {  	v2 =	vsub.f32 $1.500000000e+00, v2;
	_ =	sdelay $0x1  }
0x2e9: {  	v1 =	vmul.f32 v2, v1;
	_ =	sdelay $0x1  }
0x2ea: {  	v2 =	vmul.f32 v1, v0;
	_ =	sdelay $0x1  }
0x2eb: {  	v2 =	vmul.f32 v2, v1;
	_ =	sdelay $0x1  }
0x2ec: {  	v2 =	vsub.f32 $1.500000000e+00, v2;
	_ =	sdelay $0x1  }
0x2ed: {  	v1 =	vmul.f32 v2, v1;
	_ =	sdelay $0x1  }
0x2ee: {  	v2 =	vmul.f32 v1, v0;
	_ =	sdelay $0x1  }
0x2ef: {  	v2 =	vmul.f32 v2, v1;
	_ =	sdelay $0x1  }
0x2f0: {  	v2 =	vsub.f32 $1.500000000e+00, v2;
	_ =	sdelay $0x1  }
0x2f1: {  	v1 =	vmul.f32 v2, v1;
	_ =	sdelay $0x1  }
0x2f2: {  	v2 =	vmul.f32 v1, v0;
	_ =	sdelay $0x1  }
0x2f3: {  	v2 =	vmul.f32 v2, v1;
	_ =	sdelay $0x1  }
0x2f4: {  	v2 =	vsub.f32 $1.500000000e+00, v2;
	_ =	sdelay $0x1  }
0x2f5: {  	v1 =	vmul.f32 v2, v1;
	_ =	sdelay $0x1  }
0x2f6: {  	v2 =	vmul.f32 v1, v0;
	_ =	sdelay $0x1  }
0x2f7: {  	v2 =	vmul.f32 v2, v1;
	_ =	sdelay $0x1  }
0x2f8: {  	v2 =	vsub.f32 $1.500000000e+00, v2;
	_ =	sdelay $0x1  }
0x2f9: {  	v1 =	vmul.f32 v2, v1;
	_ =	sdelay $0x1  }
0x2fa: {  	v2 =	vmul.f32 v1, v0;
	_ =	sdelay $0x1  }
0x2fb: {  	v2 =	vmul.f32 v2, v1;
	_ =	sdelay $0x1  }
0x2fc: {  	v2 =	vsub.f32 $1.500000000e+00, v2;
	_ =	sdelay $0x1  }
0x2fd: {  	v1 =	vmul.f32 v2, v1;
	_ =	sdelay $0x1  }
0x2fe: {  	v2 =	vmul.f32 v1, v0;
	_ =	sdelay $0x1  }
0x2ff: {  	v2 =	vmul.f32 v2, v1;
	_ =	sdelay $0x1  }
0x300: {  	v2 =	vsub.f32 $1.500000000e+00, v2;
	_ =	sdelay $0x1  }
0x301: {  	v1 =	vmul.f32 v2, v1;
	_ =	sdelay $0x1  }
0x302: {  	v2 =	vmul.f32 v1, v0;
	_ =	sdelay $0x1  }
0x303: {  	v2 =	vmul.f32 v2, v1;
	_ =	sdelay $0x1  }
0x304: {  	v2 =	vsub.f32 $1.500000000e+00, v2;
	_ =	sdelay $0x1  }
0x305: {  	v1 =	vmul.f32 v2, v1;
	_ =	sdelay $0x1  }
0x306: {  	v2 =	vmul.f32 v1, v0;
	_ =	sdelay $0x1  }
0x307: {  	v2 =	vmul.f32 v2, v1;
	_ =	sdelay $0x1  }
0x308: {  	v2 =	vsub.f32 $1.500000000e+00, v2;
	_ =	sdelay $0x1  }
0x309: {  	v1 =	vmul.f32 v2, v1;
	_ =	sdelay $0x1  }
0x30a: {  	v2 =	vmul.f32 v1, v0;
	_ =	sdelay $0x1  }
0x30b: {  	v2 =	vmul.f32 v2, v1;
	_ =	sdelay $0x1  }
0x30c: {  	v2 =	vsub.f32 $1.500000000e+00, v2;
	_ =	sdelay $0x1  }
0x30d: {  	v1 =	vmul.f32 v2, v1;
	_ =	sdelay $0x1  }
0x30e: {  	v2 =	vmul.f32 v1, v0;
	_ =	sdelay $0x1  }
0x30f: {  	v2 =	vmul.f32 v2, v1;
	_ =	sdelay $0x1  }
0x310: {  	v2 =	vsub.f32 $1.500000000e+00, v2;
	_ =	sdelay $0x1  }
0x311: {  	v1 =	vmul.f32 v2, v1;
	_ =	sdelay $0x1  }
0x312: {  	v2 =	vmul.f32 v1, v0;
	_ =	sdelay $0x1  }
0x313: {  	v2 =	vmul.f32 v2, v1;
	_ =	sdelay $0x1  }
0x314: {  	v2 =	vsub.f32 $1.500000000e+00, v2;
	_ =	sdelay $0x1  }
0x315: {  	v1 =	vmul.f32 v2, v1;
	_ =	sdelay $0x1  }
0x316: {  	v2 =	vmul.f32 v1, v0;
	_ =	sdelay $0x1  }
0x317: {  	v2 =	vmul.f32 v2, v1;
	_ =	sdelay $0x1  }
0x318: {  	v2 =	vsub.f32 $1.500000000e+00, v2;
	_ =	sdelay $0x1  }
0x319: {  	v1 =	vmul.f32 v2, v1;
	_ =	sdelay $0x1  }
0x31a: {  	v2 =	vmul.f32 v1, v0;
	_ =	sdelay $0x1  }
0x31b: {  	v2 =	vmul.f32 v2, v1;
	_ =	sdelay $0x1  }
0x31c: {  	v2 =	vsub.f32 $1.500000000e+00, v2;
	_ =	sdelay $0x1  }
0x31d: {  	v1 =	vmul.f32 v2, v1;
	_ =	sdelay $0x1  }
0x31e: {  	v2 =	vmul.f32 v1, v0;
	_ =	sdelay $0x1  }
0x31f: {  	v2 =	vmul.f32 v2, v1;
	_ =	sdelay $0x1  }
0x320: {  	v2 =	vsub.f32 $1.500000000e+00, v2;
	_ =	sdelay $0x1  }
0x321: {  	v1 =	vmul.f32 v2, v1;
	_ =	sdelay $0x1  }
0x322: {  	v2 =	vmul.f32 v1, v0;
	_ =	sdelay $0x1  }
0x323: {  	v2 =	vmul.f32 v2, v1;
	_ =	sdelay $0x1  }
0x324: {  	v2 =	vsub.f32 $1.500000000e+00, v2;
	_ =	sdelay $0x1  }
0x325: {  	v1 =	vmul.f32 v2, v1;
	_ =	sdelay $0x1  }
0x326: {  	v0 =	vmul.f32 v1, v0;
	_ =	sdelay $0x1  }
0x327: {  	v0 =	vmul.f32 v0, v1;
	_ =	sdelay $0x1  }
0x328: {  	v0 =	vsub.f32 $1.500000000e+00, v0;
	_ =	sdelay $0x1  }
0x329: {  	v0 =	vmul.f32 v0, v1;
	_ =	sdelay $0x1  }
0x32a: {  	[dreg:$0x16] =	wrdreg s0;
	[tilespmem:s1+$0x14080] =	vst v0  }
0x32b: {  	[spmem:s5] =	stream.linear.scatter [tilespmem:s7], [sflag:$0x6], $0x280, $0x38;
	[tilespmem:$0x19580] =	vst v63  }
0x32c: {  	_ =	swait.ge [sflag:s6], $0x280  }
0x32d: {  	[sflag:s6] =	ssyncset.done $0x0  }
0x32e: {  	s1 =	simm.s32 $0x0;
	[sflag:s6] =	ssyncadd.s32 $0xFFFFFD80  }
0x32f: {  	[smem:s1], [sflag:$0x6] =	stream.linear.gather [spmem:s5], $0x280, $0x38;
	[tilespmem:$0x19580] =	vst v63  }
0x330: {  	s28 =	simm.s32 $0x5;
	_ =	swait.ge [sflag:s6], $0x280  }
0x331: {  	s16 =	simm.s32 $0x4;
	s10 =	simm.s32 $0x7800;
	[sflag:s6] =	ssyncset.done $0x0  }
0x332: {  	s12 =	simm.s32 $0x8000;
	s18 =	simm.s32 $0x8800;
	[sflag:s6] =	ssyncadd.s32 $0xFFFFFD80  }
0x333: {  	s19 =	simm.s32 $0x9000;
	s20 =	simm.s32 $0x9800;
	_ =	swait.ge [sflag:s28], $0x2800  }
0x334: {  	s13 =	simm.s32 $0xA000;
	s11 =	simm.s32 $0xA800;
	[sflag:s28] =	ssyncset.done $0x0  }
0x335: {  	s9 =	simm.s32 $0xB000;
	s7 =	simm.s32 $0x11880;
	[sflag:s28] =	ssyncadd.s32 $0xFFFFD800  }
0x336: {  	s14 =	simm.s32 $0xB800;
	s15 =	simm.s32 $0xC000;
	s5 =	simm.s32 $0x11880;
	v0 =	vld [tilespmem:s7+$0x0]  }
.LBB2_6:
0x337: {  	p1 =	sne.s32 s16, $0x9FC;
	s8 =	sshra.s32 s1, $0x2;
	s1 =	smov.u32 s16  }
0x338: {  	s8 =	sld [smem:s8+$0x0];
	_ =	sdelay $0x1  }
.Ltmp4:
0x339: {  	(pc) =	sbr.rel @p1 .LBB2_6-.Ltmp4, $3  }
0x33a: {  	v0 =	vmul.f32 s8, v0;
	_ =	sdelay $0x1  }
0x33b: {  	[tilespmem:s7+$0x0] =	vst v0;
	s7 =	sadd.s32 $0x10, s7  }
0x33c: {  	s16 =	sadd.s32 $0x4, s16;
	v0 =	vld [tilespmem:s7+$0x0]  }
0x33d: {  	s1 =	sshra.s32 s1, $0x2  }
0x33e: {  	s1 =	sld [smem:s1+$0x0];
	_ =	sdelay $0x2  }
0x33f: {  	v0 =	vmul.f32 s1, v0;
	_ =	sdelay $0x1  }
0x340: {  	s0 =	rddreg [dreg:$0xe];
	[tilespmem:s7+$0x0] =	vst v0  }
0x341: {  	[spmem:s0] =	stream.linear.scatter [tilespmem:s5], [sflag:$0x6], $0x2800, $0x38;
	[tilespmem:$0x19580] =	vst v63  }
0x342: {  	_ =	swait.ge [sflag:s6], $0x2800  }
0x343: {  	s1 =	simm.s32 @!p0 $0x0;
	[sflag:s6] =	ssyncset.done $0x0  }
0x344: {  	s7 =	simm.s32 @!p0 $0x14080;
	s8 =	rddreg [dreg:$0xf];
	[sflag:s6] =	ssyncadd.s32 $0xFFFFD800  }
0x345: {  	[hbm4b:s8+s1] =	stream.linear.scatter @!p0 [tilespmem:s7], [sflag:$0x5], $0x280, $0x38;
	[tilespmem:$0x19580] =	vst v63  }
0x346: {  	s1 =	simm.s32 $0x0;
	[bflag:$0x0] =	sbarrier.arrive $0xFFFF  }
0x347: {  	[tilespmem:s10], [sflag:$0x1] =	stream.indirect.gather [spmem:s4], $0x10, s1, s31, $0xb8;
	[tilespmem:$0x19580] =	vst v63  }
0x348: {  	_ = 	snop  }
0x349: {  	[tilespmem:s12], [sflag:$0x1] =	stream.indirect.gather [spmem:s4], $0x10, s31, s31, $0xb8;
	[tilespmem:$0x19580] =	vst v63  }
0x34a: {  	s6 =	simm.s32 $0x100  }
0x34b: {  	[tilespmem:s18], [sflag:$0x1] =	stream.indirect.gather [spmem:s4], $0x10, s6, s31, $0xb8;
	[tilespmem:$0x19580] =	vst v63  }
0x34c: {  	s8 =	simm.s32 $0x180  }
0x34d: {  	[tilespmem:s19], [sflag:$0x1] =	stream.indirect.gather [spmem:s4], $0x10, s8, s31, $0xb8;
	[tilespmem:$0x19580] =	vst v63  }
0x34e: {  	s16 =	simm.s32 $0x200  }
0x34f: {  	[tilespmem:s20], [sflag:$0x1] =	stream.indirect.gather [spmem:s4], $0x10, s16, s31, $0xb8;
	[tilespmem:$0x19580] =	vst v63  }
0x350: {  	s17 =	simm.s32 $0x280  }
0x351: {  	[tilespmem:s13], [sflag:$0x1] =	stream.indirect.gather [spmem:s4], $0x10, s17, s31, $0xb8;
	[tilespmem:$0x19580] =	vst v63  }
0x352: {  	s21 =	simm.s32 $0x300  }
0x353: {  	[tilespmem:s11], [sflag:$0x1] =	stream.indirect.gather [spmem:s4], $0x10, s21, s31, $0xb8;
	[tilespmem:$0x19580] =	vst v63  }
0x354: {  	s23 =	simm.s32 $0x380  }
0x355: {  	[tilespmem:s9], [sflag:$0x1] =	stream.indirect.gather [spmem:s4], $0x10, s23, s31, $0xb8;
	[tilespmem:$0x19580] =	vst v63  }
0x356: {  	s25 =	simm.s32 $0x400  }
0x357: {  	[tilespmem:s14], [sflag:$0x1] =	stream.indirect.gather [spmem:s4], $0x10, s25, s31, $0xb8;
	[tilespmem:$0x19580] =	vst v63  }
0x358: {  	s28 =	simm.s32 $0x480;
	s5 =	simm.s32 $0xA800;
	s17 =	simm.s32 $0xA000  }
0x359: {  	[tilespmem:s15], [sflag:$0x1] =	stream.indirect.gather [spmem:s4], $0x10, s28, s31, $0xb8;
	[tilespmem:$0x19580] =	vst v63  }
0x35a: {  	s9 =	simm.s32 $0xB000;
	s14 =	simm.s32 $0xB800;
	s15 =	simm.s32 $0xC000  }
.LBB2_8:
0x35b: {  	_ =	swait.ge [sflag:s29], $0x800  }
0x35c: {  	[sflag:s29] =	ssyncset.done $0x0  }
0x35d: {  	[sflag:s29] =	ssyncadd.s32 $0xFFFFF800  }
0x35e: {  	_ =	swait.ge [sflag:s29], $0x800  }
0x35f: {  	[sflag:s29] =	ssyncset.done $0x0  }
0x360: {  	[sflag:s29] =	ssyncadd.s32 $0xFFFFF800  }
0x361: {  	_ =	swait.ge [sflag:s29], $0x800  }
0x362: {  	[sflag:s29] =	ssyncset.done $0x0  }
0x363: {  	[sflag:s29] =	ssyncadd.s32 $0xFFFFF800  }
0x364: {  	_ =	swait.ge [sflag:s29], $0x800  }
0x365: {  	[sflag:s29] =	ssyncset.done $0x0  }
0x366: {  	[sflag:s29] =	ssyncadd.s32 $0xFFFFF800  }
0x367: {  	_ =	swait.ge [sflag:s29], $0x800  }
0x368: {  	[sflag:s29] =	ssyncset.done $0x0  }
0x369: {  	[sflag:s29] =	ssyncadd.s32 $0xFFFFF800  }
0x36a: {  	_ =	swait.ge [sflag:s29], $0x800  }
0x36b: {  	[sflag:s29] =	ssyncset.done $0x0  }
0x36c: {  	[sflag:s29] =	ssyncadd.s32 $0xFFFFF800  }
0x36d: {  	_ =	swait.ge [sflag:s29], $0x800  }
0x36e: {  	[sflag:s29] =	ssyncset.done $0x0  }
0x36f: {  	[sflag:s29] =	ssyncadd.s32 $0xFFFFF800  }
0x370: {  	_ =	swait.ge [sflag:s29], $0x800  }
0x371: {  	[sflag:s29] =	ssyncset.done $0x0  }
0x372: {  	[sflag:s29] =	ssyncadd.s32 $0xFFFFF800  }
0x373: {  	_ =	swait.ge [sflag:s29], $0x800  }
0x374: {  	[sflag:s29] =	ssyncset.done $0x0  }
0x375: {  	[sflag:s29] =	ssyncadd.s32 $0xFFFFF800  }
0x376: {  	_ =	swait.ge [sflag:s29], $0x800  }
0x377: {  	s16 =	sshra.s32 s1, $0x2;
	[sflag:s29] =	ssyncset.done $0x0;
	s0 =	rddreg [dreg:$0x10]  }
0x378: {  	[sflag:s29] =	ssyncadd.s32 $0xFFFFF800;
	s28 =	sadd.s32 s16, s0  }
0x379: {  	[spmem:s2] =	stream.indirect.scatter.add.f32 [tilespmem:s10], [sflag:$0x3], $0x10, s28, s31, $0xb8;
	[tilespmem:$0x19580] =	vst v63  }
0x37a: {  	s7 =	sadd.s32 $0x80, s28  }
0x37b: {  	[spmem:s2] =	stream.indirect.scatter.add.f32 [tilespmem:s12], [sflag:$0x3], $0x10, s7, s31, $0xb8;
	[tilespmem:$0x19580] =	vst v63  }
0x37c: {  	s8 =	sadd.s32 $0x100, s28  }
0x37d: {  	[spmem:s2] =	stream.indirect.scatter.add.f32 [tilespmem:s18], [sflag:$0x3], $0x10, s8, s31, $0xb8;
	[tilespmem:$0x19580] =	vst v63  }
0x37e: {  	s10 =	sadd.s32 $0x180, s28  }
0x37f: {  	[spmem:s2] =	stream.indirect.scatter.add.f32 [tilespmem:s19], [sflag:$0x3], $0x10, s10, s31, $0xb8;
	[tilespmem:$0x19580] =	vst v63  }
0x380: {  	s11 =	sadd.s32 $0x200, s28  }
0x381: {  	[spmem:s2] =	stream.indirect.scatter.add.f32 [tilespmem:s20], [sflag:$0x3], $0x10, s11, s31, $0xb8;
	[tilespmem:$0x19580] =	vst v63  }
0x382: {  	s12 =	sadd.s32 $0x280, s28  }
0x383: {  	[spmem:s2] =	stream.indirect.scatter.add.f32 [tilespmem:s17], [sflag:$0x3], $0x10, s12, s31, $0xb8;
	[tilespmem:$0x19580] =	vst v63  }
0x384: {  	s13 =	sadd.s32 $0x300, s28  }
0x385: {  	[spmem:s2] =	stream.indirect.scatter.add.f32 [tilespmem:s5], [sflag:$0x3], $0x10, s13, s31, $0xb8;
	[tilespmem:$0x19580] =	vst v63  }
0x386: {  	s18 =	sadd.s32 $0x380, s28  }
0x387: {  	[spmem:s2] =	stream.indirect.scatter.add.f32 [tilespmem:s9], [sflag:$0x3], $0x10, s18, s31, $0xb8;
	[tilespmem:$0x19580] =	vst v63  }
0x388: {  	p1 =	seq.s32 s1, $0x0;
	s19 =	sadd.s32 $0x400, s28  }
0x389: {  	[spmem:s2] =	stream.indirect.scatter.add.f32 [tilespmem:s14], [sflag:$0x3], $0x10, s19, s31, $0xb8;
	[tilespmem:$0x19580] =	vst v63  }
0x38a: {  	s7 =	simm.s32 @!p1 $0x4;
	s20 =	sadd.s32 $0x480, s28  }
0x38b: {  	[spmem:s2] =	stream.indirect.scatter.add.f32 [tilespmem:s15], [sflag:$0x3], $0x10, s20, s31, $0xb8;
	[tilespmem:$0x19580] =	vst v63  }
0x38c: {  	_ =	swait.ge @!p1 [sflag:s7], $0x800  }
0x38d: {  	[sflag:s7] =	ssyncset.done @!p1 $0x0  }
0x38e: {  	[sflag:s7] =	ssyncadd.s32 @!p1 $0xFFFFF800  }
0x38f: {  	_ =	swait.ge @!p1 [sflag:s7], $0x800  }
0x390: {  	[sflag:s7] =	ssyncset.done @!p1 $0x0  }
0x391: {  	[sflag:s7] =	ssyncadd.s32 @!p1 $0xFFFFF800  }
0x392: {  	_ =	swait.ge @!p1 [sflag:s7], $0x800  }
0x393: {  	[sflag:s7] =	ssyncset.done @!p1 $0x0  }
0x394: {  	[sflag:s7] =	ssyncadd.s32 @!p1 $0xFFFFF800  }
0x395: {  	_ =	swait.ge @!p1 [sflag:s7], $0x800  }
0x396: {  	[sflag:s7] =	ssyncset.done @!p1 $0x0  }
0x397: {  	[sflag:s7] =	ssyncadd.s32 @!p1 $0xFFFFF800  }
0x398: {  	_ =	swait.ge @!p1 [sflag:s7], $0x800  }
0x399: {  	[sflag:s7] =	ssyncset.done @!p1 $0x0  }
0x39a: {  	[sflag:s7] =	ssyncadd.s32 @!p1 $0xFFFFF800  }
0x39b: {  	_ =	swait.ge @!p1 [sflag:s7], $0x800  }
0x39c: {  	[sflag:s7] =	ssyncset.done @!p1 $0x0  }
0x39d: {  	[sflag:s7] =	ssyncadd.s32 @!p1 $0xFFFFF800  }
0x39e: {  	_ =	swait.ge @!p1 [sflag:s7], $0x800  }
0x39f: {  	[sflag:s7] =	ssyncset.done @!p1 $0x0  }
0x3a0: {  	[sflag:s7] =	ssyncadd.s32 @!p1 $0xFFFFF800  }
0x3a1: {  	_ =	swait.ge @!p1 [sflag:s7], $0x800  }
0x3a2: {  	[sflag:s7] =	ssyncset.done @!p1 $0x0  }
0x3a3: {  	[sflag:s7] =	ssyncadd.s32 @!p1 $0xFFFFF800  }
0x3a4: {  	_ =	swait.ge @!p1 [sflag:s7], $0x800  }
0x3a5: {  	[sflag:s7] =	ssyncset.done @!p1 $0x0  }
0x3a6: {  	[sflag:s7] =	ssyncadd.s32 @!p1 $0xFFFFF800  }
0x3a7: {  	_ =	swait.ge @!p1 [sflag:s7], $0x800  }
0x3a8: {  	[sflag:s7] =	ssyncset.done @!p1 $0x0  }
0x3a9: {  	s21 =	sadd.s32 $0x500, s16;
	s0 =	simm.s32 $0xC800;
	[sflag:s7] =	ssyncadd.s32 @!p1 $0xFFFFF800  }
0x3aa: {  	[tilespmem:s0], [sflag:$0x2] =	stream.indirect.gather [spmem:s4], $0x10, s21, s31, $0xb8;
	[tilespmem:$0x19580] =	vst v63  }
0x3ab: {  	s23 =	sadd.s32 $0x580, s16  }
0x3ac: {  	[tilespmem:s24], [sflag:$0x2] =	stream.indirect.gather [spmem:s4], $0x10, s23, s31, $0xb8;
	[tilespmem:$0x19580] =	vst v63  }
0x3ad: {  	s6 =	simm.s32 $0xD800;
	s25 =	sadd.s32 $0x600, s16  }
0x3ae: {  	[tilespmem:s6], [sflag:$0x2] =	stream.indirect.gather [spmem:s4], $0x10, s25, s31, $0xb8;
	[tilespmem:$0x19580] =	vst v63  }
0x3af: {  	s5 =	sadd.s32 $0x680, s16;
	s19 =	simm.s32 $0xE000  }
0x3b0: {  	[tilespmem:s19], [sflag:$0x2] =	stream.indirect.gather [spmem:s4], $0x10, s5, s31, $0xb8;
	[tilespmem:$0x19580] =	vst v63  }
0x3b1: {  	s8 =	sadd.s32 $0x700, s16;
	s10 =	simm.s32 $0xE800  }
0x3b2: {  	[tilespmem:s10], [sflag:$0x2] =	stream.indirect.gather [spmem:s4], $0x10, s8, s31, $0xb8;
	[tilespmem:$0x19580] =	vst v63  }
0x3b3: {  	s12 =	sadd.s32 $0x780, s16;
	s5 =	simm.s32 $0xF000  }
0x3b4: {  	[tilespmem:s5], [sflag:$0x2] =	stream.indirect.gather [spmem:s4], $0x10, s12, s31, $0xb8;
	[tilespmem:$0x19580] =	vst v63  }
0x3b5: {  	s13 =	sadd.s32 $0x800, s16;
	s12 =	simm.s32 $0xF800  }
0x3b6: {  	[tilespmem:s12], [sflag:$0x2] =	stream.indirect.gather [spmem:s4], $0x10, s13, s31, $0xb8;
	[tilespmem:$0x19580] =	vst v63  }
0x3b7: {  	s18 =	sadd.s32 $0x880, s16;
	s13 =	simm.s32 $0x10000  }
0x3b8: {  	[tilespmem:s13], [sflag:$0x2] =	stream.indirect.gather [spmem:s4], $0x10, s18, s31, $0xb8;
	[tilespmem:$0x19580] =	vst v63  }
0x3b9: {  	s23 =	sadd.s32 $0x900, s16;
	s8 =	simm.s32 $0x10800  }
0x3ba: {  	[tilespmem:s8], [sflag:$0x2] =	stream.indirect.gather [spmem:s4], $0x10, s23, s31, $0xb8;
	[tilespmem:$0x19580] =	vst v63  }
0x3bb: {  	s7 =	sadd.s32 $0x980, s16;
	s18 =	simm.s32 $0x11000  }
0x3bc: {  	[tilespmem:s18], [sflag:$0x2] =	stream.indirect.gather [spmem:s4], $0x10, s7, s31, $0xb8;
	[tilespmem:$0x19580] =	vst v63  }
0x3bd: {  	_ =	swait.ge [sflag:s30], $0x800  }
0x3be: {  	[sflag:s30] =	ssyncset.done $0x0  }
0x3bf: {  	[sflag:s30] =	ssyncadd.s32 $0xFFFFF800  }
0x3c0: {  	_ =	swait.ge [sflag:s30], $0x800  }
0x3c1: {  	[sflag:s30] =	ssyncset.done $0x0  }
0x3c2: {  	[sflag:s30] =	ssyncadd.s32 $0xFFFFF800  }
0x3c3: {  	_ =	swait.ge [sflag:s30], $0x800  }
0x3c4: {  	[sflag:s30] =	ssyncset.done $0x0  }
0x3c5: {  	[sflag:s30] =	ssyncadd.s32 $0xFFFFF800  }
0x3c6: {  	_ =	swait.ge [sflag:s30], $0x800  }
0x3c7: {  	[sflag:s30] =	ssyncset.done $0x0  }
0x3c8: {  	[sflag:s30] =	ssyncadd.s32 $0xFFFFF800  }
0x3c9: {  	_ =	swait.ge [sflag:s30], $0x800  }
0x3ca: {  	[sflag:s30] =	ssyncset.done $0x0  }
0x3cb: {  	[sflag:s30] =	ssyncadd.s32 $0xFFFFF800  }
0x3cc: {  	_ =	swait.ge [sflag:s30], $0x800  }
0x3cd: {  	[sflag:s30] =	ssyncset.done $0x0  }
0x3ce: {  	[sflag:s30] =	ssyncadd.s32 $0xFFFFF800  }
0x3cf: {  	_ =	swait.ge [sflag:s30], $0x800  }
0x3d0: {  	[sflag:s30] =	ssyncset.done $0x0  }
0x3d1: {  	[sflag:s30] =	ssyncadd.s32 $0xFFFFF800  }
0x3d2: {  	_ =	swait.ge [sflag:s30], $0x800  }
0x3d3: {  	[sflag:s30] =	ssyncset.done $0x0  }
0x3d4: {  	[sflag:s30] =	ssyncadd.s32 $0xFFFFF800  }
0x3d5: {  	_ =	swait.ge [sflag:s30], $0x800  }
0x3d6: {  	[sflag:s30] =	ssyncset.done $0x0  }
0x3d7: {  	[sflag:s30] =	ssyncadd.s32 $0xFFFFF800  }
0x3d8: {  	_ =	swait.ge [sflag:s30], $0x800  }
0x3d9: {  	[sflag:s30] =	ssyncset.done $0x0  }
0x3da: {  	s7 =	sadd.s32 $0x500, s28;
	[sflag:s30] =	ssyncadd.s32 $0xFFFFF800  }
0x3db: {  	[spmem:s2] =	stream.indirect.scatter.add.f32 [tilespmem:s0], [sflag:$0x4], $0x10, s7, s31, $0xb8;
	[tilespmem:$0x19580] =	vst v63  }
0x3dc: {  	s0 =	sadd.s32 $0x580, s28  }
0x3dd: {  	[spmem:s2] =	stream.indirect.scatter.add.f32 [tilespmem:s24], [sflag:$0x4], $0x10, s0, s31, $0xb8;
	[tilespmem:$0x19580] =	vst v63  }
0x3de: {  	s0 =	sadd.s32 $0x600, s28  }
0x3df: {  	[spmem:s2] =	stream.indirect.scatter.add.f32 [tilespmem:s6], [sflag:$0x4], $0x10, s0, s31, $0xb8;
	[tilespmem:$0x19580] =	vst v63  }
0x3e0: {  	s6 =	sadd.s32 $0x680, s28  }
0x3e1: {  	[spmem:s2] =	stream.indirect.scatter.add.f32 [tilespmem:s19], [sflag:$0x4], $0x10, s6, s31, $0xb8;
	[tilespmem:$0x19580] =	vst v63  }
0x3e2: {  	s0 =	sadd.s32 $0x700, s28  }
0x3e3: {  	[spmem:s2] =	stream.indirect.scatter.add.f32 [tilespmem:s10], [sflag:$0x4], $0x10, s0, s31, $0xb8;
	[tilespmem:$0x19580] =	vst v63  }
0x3e4: {  	s6 =	sadd.s32 $0x780, s28  }
0x3e5: {  	[spmem:s2] =	stream.indirect.scatter.add.f32 [tilespmem:s5], [sflag:$0x4], $0x10, s6, s31, $0xb8;
	[tilespmem:$0x19580] =	vst v63  }
0x3e6: {  	s10 =	sadd.s32 $0x800, s28  }
0x3e7: {  	[spmem:s2] =	stream.indirect.scatter.add.f32 [tilespmem:s12], [sflag:$0x4], $0x10, s10, s31, $0xb8;
	[tilespmem:$0x19580] =	vst v63  }
0x3e8: {  	s12 =	sadd.s32 $0x880, s28  }
0x3e9: {  	[spmem:s2] =	stream.indirect.scatter.add.f32 [tilespmem:s13], [sflag:$0x4], $0x10, s12, s31, $0xb8;
	[tilespmem:$0x19580] =	vst v63  }
0x3ea: {  	s19 =	sadd.s32 $0x900, s28  }
0x3eb: {  	[spmem:s2] =	stream.indirect.scatter.add.f32 [tilespmem:s8], [sflag:$0x4], $0x10, s19, s31, $0xb8;
	[tilespmem:$0x19580] =	vst v63  }
0x3ec: {  	s28 =	sadd.s32 $0x980, s28  }
0x3ed: {  	[spmem:s2] =	stream.indirect.scatter.add.f32 [tilespmem:s18], [sflag:$0x4], $0x10, s28, s31, $0xb8;
	[tilespmem:$0x19580] =	vst v63  }
0x3ee: {  	_ =	swait.ge [sflag:s26], $0x800  }
0x3ef: {  	[sflag:s26] =	ssyncset.done $0x0  }
0x3f0: {  	[sflag:s26] =	ssyncadd.s32 $0xFFFFF800  }
0x3f1: {  	_ =	swait.ge [sflag:s26], $0x800  }
0x3f2: {  	[sflag:s26] =	ssyncset.done $0x0  }
0x3f3: {  	[sflag:s26] =	ssyncadd.s32 $0xFFFFF800  }
0x3f4: {  	_ =	swait.ge [sflag:s26], $0x800  }
0x3f5: {  	[sflag:s26] =	ssyncset.done $0x0  }
0x3f6: {  	[sflag:s26] =	ssyncadd.s32 $0xFFFFF800  }
0x3f7: {  	_ =	swait.ge [sflag:s26], $0x800  }
0x3f8: {  	[sflag:s26] =	ssyncset.done $0x0  }
0x3f9: {  	[sflag:s26] =	ssyncadd.s32 $0xFFFFF800  }
0x3fa: {  	_ =	swait.ge [sflag:s26], $0x800  }
0x3fb: {  	[sflag:s26] =	ssyncset.done $0x0  }
0x3fc: {  	[sflag:s26] =	ssyncadd.s32 $0xFFFFF800  }
0x3fd: {  	_ =	swait.ge [sflag:s26], $0x800  }
0x3fe: {  	[sflag:s26] =	ssyncset.done $0x0  }
0x3ff: {  	[sflag:s26] =	ssyncadd.s32 $0xFFFFF800  }
0x400: {  	_ =	swait.ge [sflag:s26], $0x800  }
0x401: {  	[sflag:s26] =	ssyncset.done $0x0  }
0x402: {  	[sflag:s26] =	ssyncadd.s32 $0xFFFFF800  }
0x403: {  	_ =	swait.ge [sflag:s26], $0x800  }
0x404: {  	[sflag:s26] =	ssyncset.done $0x0  }
0x405: {  	[sflag:s26] =	ssyncadd.s32 $0xFFFFF800  }
0x406: {  	p1 =	seq.s32 s1, $0x7800;
	_ =	swait.ge [sflag:s26], $0x800  }
.Ltmp5:
0x407: {  	[sflag:s26] =	ssyncset.done $0x0;
	(pc) =	sbr.rel @p1 .LBB2_10-.Ltmp5, $4  }
0x408: {  	[sflag:s26] =	ssyncadd.s32 $0xFFFFF800  }
0x409: {  	s11 =	simm.s32 $0x9800;
	_ =	swait.ge [sflag:s26], $0x800  }
0x40a: {  	s20 =	simm.s32 $0x7800;
	s21 =	simm.s32 $0x8000;
	[sflag:s26] =	ssyncset.done $0x0  }
0x40b: {  	s25 =	simm.s32 $0x9000;
	s23 =	simm.s32 $0x8800;
	[sflag:s26] =	ssyncadd.s32 $0xFFFFF800  }
0x40c: {  	s7 =	sadd.s32 $0xA00, s16  }
0x40d: {  	[tilespmem:s20], [sflag:$0x1] =	stream.indirect.gather [spmem:s4], $0x10, s7, s31, $0xb8;
	[tilespmem:$0x19580] =	vst v63  }
0x40e: {  	s12 =	sadd.s32 $0xA80, s16  }
0x40f: {  	[tilespmem:s21], [sflag:$0x1] =	stream.indirect.gather [spmem:s4], $0x10, s12, s31, $0xb8;
	[tilespmem:$0x19580] =	vst v63  }
0x410: {  	s13 =	sadd.s32 $0xB00, s16  }
0x411: {  	[tilespmem:s23], [sflag:$0x1] =	stream.indirect.gather [spmem:s4], $0x10, s13, s31, $0xb8;
	[tilespmem:$0x19580] =	vst v63  }
0x412: {  	s18 =	sadd.s32 $0xB80, s16  }
0x413: {  	[tilespmem:s25], [sflag:$0x1] =	stream.indirect.gather [spmem:s4], $0x10, s18, s31, $0xb8;
	[tilespmem:$0x19580] =	vst v63  }
0x414: {  	s19 =	sadd.s32 $0xC00, s16  }
0x415: {  	[tilespmem:s11], [sflag:$0x1] =	stream.indirect.gather [spmem:s4], $0x10, s19, s31, $0xb8;
	[tilespmem:$0x19580] =	vst v63  }
0x416: {  	s20 =	sadd.s32 $0xC80, s16  }
0x417: {  	[tilespmem:s17], [sflag:$0x1] =	stream.indirect.gather [spmem:s4], $0x10, s20, s31, $0xb8;
	[tilespmem:$0x19580] =	vst v63  }
0x418: {  	s5 =	simm.s32 $0xA800;
	s21 =	sadd.s32 $0xD00, s16  }
0x419: {  	[tilespmem:s5], [sflag:$0x1] =	stream.indirect.gather [spmem:s4], $0x10, s21, s31, $0xb8;
	[tilespmem:$0x19580] =	vst v63  }
0x41a: {  	s23 =	sadd.s32 $0xD80, s16  }
0x41b: {  	[tilespmem:s9], [sflag:$0x1] =	stream.indirect.gather [spmem:s4], $0x10, s23, s31, $0xb8;
	[tilespmem:$0x19580] =	vst v63  }
.Ltmp6:
0x41c: {  	s28 =	sadd.s32 $0xE80, s16;
	s1 =	sadd.s32 $0x2800, s1;
	(pc) =	sbr.rel .LBB2_8-.Ltmp6, $4  }
0x41d: {  	s10 =	simm.s32 $0x7800;
	s12 =	simm.s32 $0x8000;
	s25 =	sadd.s32 $0xE00, s16  }
0x41e: {  	[tilespmem:s14], [sflag:$0x1] =	stream.indirect.gather [spmem:s4], $0x10, s25, s31, $0xb8;
	[tilespmem:$0x19580] =	vst v63  }
0x41f: {  	s18 =	simm.s32 $0x8800;
	s19 =	simm.s32 $0x9000;
	s20 =	simm.s32 $0x9800  }
0x420: {  	[tilespmem:s15], [sflag:$0x1] =	stream.indirect.gather [spmem:s4], $0x10, s28, s31, $0xb8;
	[tilespmem:$0x19580] =	vst v63  }
.LBB2_11:
0x421: {  	_ =	sfence.sel $0x180000  }
0x422: {  	[bflag:$0x0] =	sbarrier.arrive $0xFFFF  }
0x423: {  	_ =	strace $0x90000047  }
0x424: {  	s0 =	stileid.u32;
	[bflag:$0x2] =	sbarrier.arrive $0xFFFF  }
0x425: {  	p0 =	sne.s32 s0, $0x0;
	s0 =	rddreg [dreg:$0x5]  }
0x426: {  	s0 =	sadd.s32 @!p0 $0x100000, s0  }
0x427: {  	[sflag:s0] =	ssyncadd.tile.s32 @!p0 $0x1;
	_ =	shalt  }
.Lfunc_end2:
_tile_overlayer_lowered:
.L_overlay_start_2:
0x428: {  	(tag) =	ssettag $0x2  }
0x429: {  	s0 =	rddreg [dreg:$0x0];
	s2 =	stileid.u32  }
0x42a: {  	s1 =	rddreg [dreg:$0x1];
	p0 =	sne.s32 s2, $0x0  }
0x42b: {  	s3 =	rddreg [dreg:$0x2];
	[bflag:$0x3] =	sbarrier.arrive $0xFFFF;
	s2 =	simm.s32 @!p0 $0x1C06  }
0x42c: {  	[timem:s3], [sflag:s2] =	dma.local @!p0 [hbm:s0], s1  }
0x42d: {  	s0 =	simm.s32 @!p0 $0x6  }
0x42e: {  	_ =	swait.ge @!p0 [sflag:s0], s1  }
0x42f: {  	s1 =	ssub.s32 @!p0 $0x0, s1;
	[sflag:s0] =	ssyncset.done @!p0 $0x0  }
0x430: {  	[sflag:s0] =	ssyncadd.s32 @!p0 s1  }
0x431: {  	[bflag:$0x3] =	sbarrier.arrive $0xFFFF  }
0x432: {  	_ =	shalt  }

</sc_bundles>
